<compile_context>
chip_gen: v7x
topology: tpu7x:2x2x1
jax: 0.10.2.dev20260603
libtpu: 0.0.44.dev20260713+nightly
codegen_flags: <defaults>
</compile_context>

<pallas_src>
import functools

import jax
import jax.numpy as jnp
from jax import lax
from jax.experimental import pallas as pl
from jax.experimental.pallas import tpu as pltpu
from jax.experimental.pallas import tpu_sc as plsc

B = 4
N = 4096
M = 4096
K = 32
L = 16
ROWS_PER_W = (B * M) // 32
CHUNKS = M // ROWS_PER_W

_INF = float("inf")


def _sort16(k, v):
    return plsc.sort_key_val(k, v)


def _merge16(ak, ai, bk, bi):
    rk = lax.rev(bk, (0,))
    ri = lax.rev(bi, (0,))
    m = ak <= rk
    lok = jnp.where(m, ak, rk)
    loi = jnp.where(m, ai, ri)
    hik = jnp.where(m, rk, ak)
    hii = jnp.where(m, ri, ai)
    o0k, o0i = _sort16(lok, loi)
    o1k, o1i = _sort16(hik, hii)
    return o0k, o0i, o1k, o1i


def _low32(a0k, a0i, a1k, a1i, b0k, b0i, b1k, b1i):
    rb0k = lax.rev(b1k, (0,))
    rb0i = lax.rev(b1i, (0,))
    rb1k = lax.rev(b0k, (0,))
    rb1i = lax.rev(b0i, (0,))
    m0 = a0k <= rb0k
    c0k = jnp.where(m0, a0k, rb0k)
    c0i = jnp.where(m0, a0i, rb0i)
    m1 = a1k <= rb1k
    c1k = jnp.where(m1, a1k, rb1k)
    c1i = jnp.where(m1, a1i, rb1i)
    m = c0k <= c1k
    lk = jnp.where(m, c0k, c1k)
    li = jnp.where(m, c0i, c1i)
    hk = jnp.where(m, c1k, c0k)
    hi = jnp.where(m, c1i, c0i)
    o0k, o0i = _sort16(lk, li)
    o1k, o1i = _sort16(hk, hi)
    return o0k, o0i, o1k, o1i


def _fold16(sk, si, r0k, r0i, r1k, r1i):
    rsk = lax.rev(sk, (0,))
    rsi = lax.rev(si, (0,))
    m1 = r1k <= rsk
    c1k = jnp.where(m1, r1k, rsk)
    c1i = jnp.where(m1, r1i, rsi)
    m = r0k <= c1k
    lk = jnp.where(m, r0k, c1k)
    li = jnp.where(m, r0i, c1i)
    hk = jnp.where(m, c1k, r0k)
    hi = jnp.where(m, c1i, r0i)
    o0k, o0i = _sort16(lk, li)
    o1k, o1i = _sort16(hk, hi)
    return o0k, o0i, o1k, o1i


def _knn_body(x1_hbm, x2_hbm, out_hbm, cx, cy, cz, qx, qy, qz,
              cs, dbuf, dbuf2, bufi, bufi2, outv):
    info = plsc.get_sparse_core_info()
    nc = info.num_cores
    wid = lax.axis_index("s") * nc + lax.axis_index("c")
    b = wid // CHUNKS
    chunk = wid % CHUNKS
    row0 = chunk * ROWS_PER_W

    pltpu.sync_copy(x1_hbm.at[b * 3 + 0], cx.at[pl.ds(0, N)])
    pltpu.sync_copy(x1_hbm.at[b * 3 + 1], cy.at[pl.ds(0, N)])
    pltpu.sync_copy(x1_hbm.at[b * 3 + 2], cz.at[pl.ds(0, N)])
    pltpu.sync_copy(x2_hbm.at[b * 3 + 0, pl.ds(row0, ROWS_PER_W)], qx)
    pltpu.sync_copy(x2_hbm.at[b * 3 + 1, pl.ds(row0, ROWS_PER_W)], qy)
    pltpu.sync_copy(x2_hbm.at[b * 3 + 2, pl.ds(row0, ROWS_PER_W)], qz)

    iota = lax.iota(jnp.int32, L)
    inf_vec = jnp.full((L,), _INF, jnp.float32)
    zero_vec = jnp.zeros((L,), jnp.int32)

    dbuf[pl.ds(N, L)] = jnp.full((L,), _INF, jnp.float32)
    dbuf2[pl.ds(N, L)] = jnp.full((L,), _INF, jnp.float32)
    cx[pl.ds(N, L)] = jnp.full((L,), _INF, jnp.float32)
    cy[pl.ds(N, L)] = jnp.full((L,), _INF, jnp.float32)
    cz[pl.ds(N, L)] = jnp.full((L,), _INF, jnp.float32)

    def ps(j, smx):
        xv = cx[pl.ds(j * L, L)]
        yv = cy[pl.ds(j * L, L)]
        zv = cz[pl.ds(j * L, L)]
        sv = xv * xv + yv * yv + zv * zv
        cs[pl.ds(j * L, L)] = sv
        return jnp.maximum(smx, sv)

    smxv = plsc.parallel_loop(
        0, N // L, carry=jnp.full((L,), 0.0, jnp.float32), unroll=4)(ps)
    smax_s = jnp.max(smxv)

    def finish_pair(mna0, mna1, mnb0, mnb1, m, qa, qb):
        qxa, qya, qza = qa
        qxb, qyb, qzb = qb
        smaxv = jnp.full((L,), smax_s, jnp.float32)
        q2a = qxa * qxa + qya * qya + qza * qza
        q2b = qxb * qxb + qyb * qyb + qzb * qzb
        eps = jnp.full((L,), 1e-5, jnp.float32)
        one = jnp.full((L,), 1.0, jnp.float32)
        t0a = jnp.max(jnp.maximum(mna0, mna1))
        t0b = jnp.max(jnp.maximum(mnb0, mnb1))
        t0av = jnp.full((L,), t0a, jnp.float32) + eps * (smaxv + q2a + one)
        t0bv = jnp.full((L,), t0b, jnp.float32) + eps * (smaxv + q2b + one)

        def pb(j, carry):
            ca, cb = carry
            iv = iota + j * L
            dva = dbuf[pl.ds(j * L, L)]
            ka = dva <= t0av
            pca = plsc.all_reduce_population_count(ka)[0]
            plsc.store_compressed(bufi.at[pl.ds(ca, L)], iv, mask=ka)
            dvb = dbuf2[pl.ds(j * L, L)]
            kb = dvb <= t0bv
            pcb = plsc.all_reduce_population_count(kb)[0]
            plsc.store_compressed(bufi2.at[pl.ds(cb, L)], iv, mask=kb)
            return ca + pca, cb + pcb

        cnta, cntb = plsc.parallel_loop(
            0, N // L, carry=(jnp.int32(0), jnp.int32(0)), unroll=4)(pb)
        n_vec = jnp.full((L,), N, jnp.int32)
        bufi[pl.ds(cnta, L)] = n_vec
        bufi[pl.ds(cnta + L, L)] = n_vec
        bufi[pl.ds(cnta + 2 * L, L)] = n_vec
        bufi2[pl.ds(cntb, L)] = n_vec
        bufi2[pl.ds(cntb + L, L)] = n_vec
        bufi2[pl.ds(cntb + 2 * L, L)] = n_vec

        def svreg(buf, q3, v):
            qxv, qyv, qzv = q3
            si = buf[pl.ds(v * L, L)]
            gx = plsc.load_gather(cx, [si]) - qxv
            gy = plsc.load_gather(cy, [si]) - qyv
            gz = plsc.load_gather(cz, [si]) - qzv
            sk = gx * gx + gy * gy + gz * gz
            return _sort16(sk, si)

        nva = (cnta + (L - 1)) // L
        nvb = (cntb + (L - 1)) // L
        ra1 = _merge16(*svreg(bufi, qa, 0), *svreg(bufi, qa, 1))
        ra2 = (inf_vec, zero_vec, inf_vec, zero_vec)
        rb1 = _merge16(*svreg(bufi2, qb, 0), *svreg(bufi2, qb, 1))
        rb2 = (inf_vec, zero_vec, inf_vec, zero_vec)

        def pc_body(u, carry):
            ra1, ra2, rb1, rb2 = carry
            va0 = jnp.minimum(2 + 2 * u, nva)
            va1 = jnp.minimum(3 + 2 * u, nva)
            vb0 = jnp.minimum(2 + 2 * u, nvb)
            vb1 = jnp.minimum(3 + 2 * u, nvb)
            ra1 = _fold16(*svreg(bufi, qa, va0), *ra1)
            ra2 = _fold16(*svreg(bufi, qa, va1), *ra2)
            rb1 = _fold16(*svreg(bufi2, qb, vb0), *rb1)
            rb2 = _fold16(*svreg(bufi2, qb, vb1), *rb2)
            return ra1, ra2, rb1, rb2

        umax = jnp.maximum((cnta - 1) // (2 * L), (cntb - 1) // (2 * L))
        ra1, ra2, rb1, rb2 = lax.fori_loop(
            0, umax, pc_body, (ra1, ra2, rb1, rb2))
        r0k, r0i, r1k, r1i = _low32(*ra1, *ra2)
        outv[pl.ds(m * K, L)] = r0i
        outv[pl.ds(m * K + L, L)] = r1i
        s0k, s0i, s1k, s1i = _low32(*rb1, *rb2)
        outv[pl.ds((m + 1) * K, L)] = s0i
        outv[pl.ds((m + 1) * K + L, L)] = s1i

    def row_body(m2, _):
        m = 2 * m2
        idxa = jnp.full((L,), m, jnp.int32)
        idxb = jnp.full((L,), m + 1, jnp.int32)
        qxa = plsc.load_gather(qx, [idxa])
        qya = plsc.load_gather(qy, [idxa])
        qza = plsc.load_gather(qz, [idxa])
        qxb = plsc.load_gather(qx, [idxb])
        qyb = plsc.load_gather(qy, [idxb])
        qzb = plsc.load_gather(qz, [idxb])
        mxa = jnp.float32(-2.0) * qxa
        mya = jnp.float32(-2.0) * qya
        mza = jnp.float32(-2.0) * qza
        mxb = jnp.float32(-2.0) * qxb
        myb = jnp.float32(-2.0) * qyb
        mzb = jnp.float32(-2.0) * qzb

        def pa(j, carry):
            a0, a1, b0, b1 = carry
            base = j * 2 * L
            xv0 = cx[pl.ds(base, L)]
            yv0 = cy[pl.ds(base, L)]
            zv0 = cz[pl.ds(base, L)]
            sv0 = cs[pl.ds(base, L)]
            xv1 = cx[pl.ds(base + L, L)]
            yv1 = cy[pl.ds(base + L, L)]
            zv1 = cz[pl.ds(base + L, L)]
            sv1 = cs[pl.ds(base + L, L)]

            da0 = sv0 + xv0 * mxa + yv0 * mya + zv0 * mza
            da1 = sv1 + xv1 * mxa + yv1 * mya + zv1 * mza
            db0 = sv0 + xv0 * mxb + yv0 * myb + zv0 * mzb
            db1 = sv1 + xv1 * mxb + yv1 * myb + zv1 * mzb
            dbuf[pl.ds(base, L)] = da0
            dbuf[pl.ds(base + L, L)] = da1
            dbuf2[pl.ds(base, L)] = db0
            dbuf2[pl.ds(base + L, L)] = db1
            return (jnp.minimum(a0, da0), jnp.minimum(a1, da1),
                    jnp.minimum(b0, db0), jnp.minimum(b1, db1))

        a0, a1, b0, b1 = plsc.parallel_loop(
            0, N // (2 * L), carry=(inf_vec, inf_vec, inf_vec, inf_vec),
            unroll=2)(pa)
        finish_pair(a0, a1, b0, b1, m, (qxa, qya, qza), (qxb, qyb, qzb))
        return 0

    lax.fori_loop(0, ROWS_PER_W // 2, row_body, 0)
    pltpu.sync_copy(outv, out_hbm.at[pl.ds((b * M + row0) * K,
                                           ROWS_PER_W * K)])


@jax.jit
def _knn_sc(x1t, x2t):
    mesh = plsc.VectorSubcoreMesh(core_axis_name="c", subcore_axis_name="s")
    f = functools.partial(
        pl.kernel,
        out_type=jax.ShapeDtypeStruct((B * M * K,), jnp.int32),
        mesh=mesh,
        compiler_params=pltpu.CompilerParams(needs_layout_passes=False),
        scratch_types=[
            pltpu.VMEM((N + L,), jnp.float32),
            pltpu.VMEM((N + L,), jnp.float32),
            pltpu.VMEM((N + L,), jnp.float32),
            pltpu.VMEM((ROWS_PER_W,), jnp.float32),
            pltpu.VMEM((ROWS_PER_W,), jnp.float32),
            pltpu.VMEM((ROWS_PER_W,), jnp.float32),
            pltpu.VMEM((N,), jnp.float32),
            pltpu.VMEM((N + L,), jnp.float32),
            pltpu.VMEM((N + L,), jnp.float32),
            pltpu.VMEM((N + 4 * L,), jnp.int32),
            pltpu.VMEM((N + 4 * L,), jnp.int32),
            pltpu.VMEM((ROWS_PER_W * K,), jnp.int32),
        ],
    )(_knn_body)
    return f(x1t, x2t)


def kernel(xyz1, xyz2):
    x1t = xyz1.transpose(0, 2, 1).reshape(B * 3, N)
    x2t = xyz2.transpose(0, 2, 1).reshape(B * 3, M)
    out = _knn_sc(x1t, x2t)
    return out.reshape(B, M, K, 1)

# --- scband reference (transcript-rebuilt; emitter-appended) ---
"""Pipeline reference for scband-nearest-neighbors-layer-70677981823086 (READ-ONLY COPY).

The authoritative reference and input builder live on the scoring server;
editing this copy changes nothing except your own understanding.
"""

import jax, jax.numpy as jnp
import numpy as np

NEIGHBORS = 32

def setup_inputs(seed: int = 0) -> dict:
    key = jax.random.key(seed)
    k1, k2 = jax.random.split(key)
    xyz1 = jax.random.normal(k1, (4, 4096, 3), dtype=jnp.float32)
    xyz2 = jax.random.normal(k2, (4, 4096, 3), dtype=jnp.float32)
    return {"xyz1": xyz1, "xyz2": xyz2}

def _knn_one(x1, x2):
    # x1: (n, 3) reference points, x2: (m, 3) query points
    # squared_difference(x1, x2[:, None, :]) -> (m, n, 3), reduce over coord dim
    diff = x2[:, None, :] - x1[None, :, :]
    d = jnp.sum(diff * diff, axis=2)  # (m, n) squared distances
    # tf.nn.top_k(tf.negative(d), k, sorted=True)[1]
    _, idx = jax.lax.top_k(-d, NEIGHBORS)  # (m, NEIGHBORS)
    return idx

def reference(xyz1, xyz2):
    xyz1 = jax.lax.stop_gradient(xyz1)
    xyz2 = jax.lax.stop_gradient(xyz2)
    b = xyz1.shape[0]
    # faithful to the TF per-batch loop (tf.range(b) + tensor_scatter_nd_update)
    outs = [_knn_one(xyz1[i], xyz2[i]) for i in range(b)]
    idx = jnp.stack(outs, axis=0)  # (b, m, NEIGHBORS)
    return idx[..., None].astype(jnp.int32)  # (b, m, NEIGHBORS, 1)

if __name__ == "__main__":
    import jax
    _d = setup_inputs()
    print(jax.jit(kernel)(*tuple(_d.values())))

</pallas_src>

<mosaic_0001>
#map = affine_map<(d0, d1) -> (0, 0)>
#map1 = affine_map<(d0, d1) -> (0)>
module attributes {stable_mosaic.version = 14 : i64} {
  func.func @_knn_body(%arg0: i32, %arg1: i32, %arg2: memref<12x4096xf32, #tpu.memory_space<hbm>>, %arg3: memref<12x4096xf32, #tpu.memory_space<hbm>>, %arg4: memref<524288xi32, #tpu.memory_space<hbm>>, %arg5: memref<4112xf32, #tpu.memory_space<vmem>>, %arg6: memref<4112xf32, #tpu.memory_space<vmem>>, %arg7: memref<4112xf32, #tpu.memory_space<vmem>>, %arg8: memref<512xf32, #tpu.memory_space<vmem>>, %arg9: memref<512xf32, #tpu.memory_space<vmem>>, %arg10: memref<512xf32, #tpu.memory_space<vmem>>, %arg11: memref<4096xf32, #tpu.memory_space<vmem>>, %arg12: memref<4112xf32, #tpu.memory_space<vmem>>, %arg13: memref<4112xf32, #tpu.memory_space<vmem>>, %arg14: memref<4160xi32, #tpu.memory_space<vmem>>, %arg15: memref<4160xi32, #tpu.memory_space<vmem>>, %arg16: memref<16384xi32, #tpu.memory_space<vmem>>) attributes {dimension_semantics = [#tpu.dimension_semantics<core_parallel>, #tpu.dimension_semantics<subcore_parallel>], iteration_bounds = array<i64: 2, 16>, scalar_prefetch = 0 : i64, scratch_operands = 12 : i64, tpu.core_type = #tpu.core_type<sc_vector_subcore>, window_params = [{transform_indices = #map}, {transform_indices = #map}, {transform_indices = #map1}]} {
    %mul3A = arith.constant 2 : i32
    %mul3A_0 = arith.muli %arg1, %mul3A : i32
    %add3A = arith.addi %mul3A_0, %arg0 : i32
    %jit3A = arith.constant 8 : i32
    %div3A = arith.divsi %add3A, %jit3A : i32
    %sign3A = arith.constant 0 : i32
    %sign3A_1 = arith.cmpi sgt, %add3A, %sign3A : i32
    %sign3A_2 = arith.extui %sign3A_1 : i1 to i32
    %sign3A_3 = arith.constant 0 : i32
    %sign3A_4 = arith.cmpi slt, %add3A, %sign3A_3 : i32
    %sign3A_5 = arith.extui %sign3A_4 : i1 to i32
    %sign3A_6 = arith.subi %sign3A_2, %sign3A_5 : i32
    %sign3A_7 = arith.constant 0 : i32
    %sign3A_8 = arith.cmpi sgt, %jit3A, %sign3A_7 : i32
    %sign3A_9 = arith.extui %sign3A_8 : i1 to i32
    %sign3A_10 = arith.constant 0 : i32
    %sign3A_11 = arith.cmpi slt, %jit3A, %sign3A_10 : i32
    %sign3A_12 = arith.extui %sign3A_11 : i1 to i32
    %sign3A_13 = arith.subi %sign3A_9, %sign3A_12 : i32
    %ne3A = arith.cmpi ne, %sign3A_6, %sign3A_13 : i32
    %rem3A = arith.remsi %add3A, %jit3A : i32
    %ne3A_14 = arith.constant 0 : i32
    %ne3A_15 = arith.cmpi ne, %rem3A, %ne3A_14 : i32
    %and3A = arith.andi %ne3A, %ne3A_15 : i1
    %sub3A = arith.constant 1 : i32
    %sub3A_16 = arith.subi %div3A, %sub3A : i32
    %select_n3A = arith.select %and3A, %sub3A_16, %div3A : i32
    %jit3A_17 = arith.constant 8 : i32
    %eq3A = arith.constant 0 : i32
    %eq3A_18 = arith.cmpi eq, %jit3A_17, %eq3A : i32
    %jit3A_19 = arith.constant 1 : i32
    %select_n3A_20 = arith.select %eq3A_18, %jit3A_19, %jit3A_17 : i32
    %rem3A_21 = arith.remsi %add3A, %select_n3A_20 : i32
    %ne3A_22 = arith.constant 0 : i32
    %ne3A_23 = arith.cmpi ne, %rem3A_21, %ne3A_22 : i32
    %lt3A = arith.constant 0 : i32
    %lt3A_24 = arith.cmpi slt, %rem3A_21, %lt3A : i32
    %lt3A_25 = arith.constant 0 : i32
    %lt3A_26 = arith.cmpi slt, %select_n3A_20, %lt3A_25 : i32
    %ne3A_27 = arith.xori %lt3A_24, %lt3A_26 : i1
    %and3A_28 = arith.andi %ne3A_27, %ne3A_23 : i1
    %add3A_29 = arith.addi %rem3A_21, %select_n3A_20 : i32
    %select_n3A_30 = arith.select %and3A_28, %add3A_29, %rem3A_21 : i32
    %mul3A_31 = arith.constant 512 : i32
    %mul3A_32 = arith.muli %select_n3A_30, %mul3A_31 : i32
    %mul3A_33 = arith.constant 3 : i32
    %mul3A_34 = arith.muli %select_n3A, %mul3A_33 : i32
    %add3A_35 = arith.constant 0 : i32
    %add3A_36 = arith.addi %mul3A_34, %add3A_35 : i32
    "tpu.region"() ({
      %run_scoped3A = tpu.sem_alloc : memref<!tpu.dma_semaphore, #tpu.memory_space<semaphore_mem>>
      %dma_start3A = arith.constant 0 : i32
      %dma_start3A_98 = tpu.memref_slice %arg5[%dma_start3A] : memref<4112xf32, #tpu.memory_space<vmem>> -> memref<4096xf32, #tpu.memory_space<vmem>>
      %dma_start3A_99 = arith.constant 0 : i32
      %dma_start3A_100 = tpu.memref_slice %arg2[%add3A_36, %dma_start3A_99] : memref<12x4096xf32, #tpu.memory_space<hbm>> -> memref<1x4096xf32, #tpu.memory_space<hbm>>
      %dma_start3A_101 = tpu.memref_squeeze %dma_start3A_100 : memref<1x4096xf32, #tpu.memory_space<hbm>> -> memref<4096xf32, #tpu.memory_space<hbm>>
      %dma_start3A_102 = arith.constant 0 : i32
      %dma_start3A_103 = tpu.memref_slice %arg5[%dma_start3A_102] : memref<4112xf32, #tpu.memory_space<vmem>> -> memref<4096xf32, #tpu.memory_space<vmem>>
      %dma_start3A_104 = arith.constant 0 : i32
      %dma_start3A_105 = tpu.memref_slice %arg2[%add3A_36, %dma_start3A_104] : memref<12x4096xf32, #tpu.memory_space<hbm>> -> memref<1x4096xf32, #tpu.memory_space<hbm>>
      %dma_start3A_106 = tpu.memref_squeeze %dma_start3A_105 : memref<1x4096xf32, #tpu.memory_space<hbm>> -> memref<4096xf32, #tpu.memory_space<hbm>>
      tpu.enqueue_dma source(%dma_start3A_106 : memref<4096xf32, #tpu.memory_space<hbm>>) target(%dma_start3A_103 : memref<4096xf32, #tpu.memory_space<vmem>>) target_semaphore(%run_scoped3A : memref<!tpu.dma_semaphore, #tpu.memory_space<semaphore_mem>>)
      %dma_wait3A = arith.constant 0 : i32
      %dma_wait3A_107 = tpu.memref_slice %arg5[%dma_wait3A] : memref<4112xf32, #tpu.memory_space<vmem>> -> memref<4096xf32, #tpu.memory_space<vmem>>
      %dma_wait3A_108 = arith.constant 0 : i32
      %dma_wait3A_109 = tpu.memref_slice %arg2[%add3A_36, %dma_wait3A_108] : memref<12x4096xf32, #tpu.memory_space<hbm>> -> memref<1x4096xf32, #tpu.memory_space<hbm>>
      %dma_wait3A_110 = tpu.memref_squeeze %dma_wait3A_109 : memref<1x4096xf32, #tpu.memory_space<hbm>> -> memref<4096xf32, #tpu.memory_space<hbm>>
      %dma_wait3A_111 = arith.constant 0 : i32
      %dma_wait3A_112 = tpu.memref_slice %arg5[%dma_wait3A_111] : memref<4112xf32, #tpu.memory_space<vmem>> -> memref<4096xf32, #tpu.memory_space<vmem>>
      %dma_wait3A_113 = arith.constant 0 : i32
      %dma_wait3A_114 = tpu.memref_slice %arg2[%add3A_36, %dma_wait3A_113] : memref<12x4096xf32, #tpu.memory_space<hbm>> -> memref<1x4096xf32, #tpu.memory_space<hbm>>
      %dma_wait3A_115 = tpu.memref_squeeze %dma_wait3A_114 : memref<1x4096xf32, #tpu.memory_space<hbm>> -> memref<4096xf32, #tpu.memory_space<hbm>>
      tpu.wait_dma2 semaphore(%run_scoped3A : memref<!tpu.dma_semaphore, #tpu.memory_space<semaphore_mem>>) src(%dma_wait3A_115 : memref<4096xf32, #tpu.memory_space<hbm>>) dst(%dma_wait3A_112 : memref<4096xf32, #tpu.memory_space<vmem>>)
      tpu.yield
    }) : () -> ()
    %mul3A_37 = arith.constant 3 : i32
    %mul3A_38 = arith.muli %select_n3A, %mul3A_37 : i32
    %add3A_39 = arith.constant 1 : i32
    %add3A_40 = arith.addi %mul3A_38, %add3A_39 : i32
    "tpu.region"() ({
      %run_scoped3A = tpu.sem_alloc : memref<!tpu.dma_semaphore, #tpu.memory_space<semaphore_mem>>
      %dma_start3A = arith.constant 0 : i32
      %dma_start3A_98 = tpu.memref_slice %arg6[%dma_start3A] : memref<4112xf32, #tpu.memory_space<vmem>> -> memref<4096xf32, #tpu.memory_space<vmem>>
      %dma_start3A_99 = arith.constant 0 : i32
      %dma_start3A_100 = tpu.memref_slice %arg2[%add3A_40, %dma_start3A_99] : memref<12x4096xf32, #tpu.memory_space<hbm>> -> memref<1x4096xf32, #tpu.memory_space<hbm>>
      %dma_start3A_101 = tpu.memref_squeeze %dma_start3A_100 : memref<1x4096xf32, #tpu.memory_space<hbm>> -> memref<4096xf32, #tpu.memory_space<hbm>>
      %dma_start3A_102 = arith.constant 0 : i32
      %dma_start3A_103 = tpu.memref_slice %arg6[%dma_start3A_102] : memref<4112xf32, #tpu.memory_space<vmem>> -> memref<4096xf32, #tpu.memory_space<vmem>>
      %dma_start3A_104 = arith.constant 0 : i32
      %dma_start3A_105 = tpu.memref_slice %arg2[%add3A_40, %dma_start3A_104] : memref<12x4096xf32, #tpu.memory_space<hbm>> -> memref<1x4096xf32, #tpu.memory_space<hbm>>
      %dma_start3A_106 = tpu.memref_squeeze %dma_start3A_105 : memref<1x4096xf32, #tpu.memory_space<hbm>> -> memref<4096xf32, #tpu.memory_space<hbm>>
      tpu.enqueue_dma source(%dma_start3A_106 : memref<4096xf32, #tpu.memory_space<hbm>>) target(%dma_start3A_103 : memref<4096xf32, #tpu.memory_space<vmem>>) target_semaphore(%run_scoped3A : memref<!tpu.dma_semaphore, #tpu.memory_space<semaphore_mem>>)
      %dma_wait3A = arith.constant 0 : i32
      %dma_wait3A_107 = tpu.memref_slice %arg6[%dma_wait3A] : memref<4112xf32, #tpu.memory_space<vmem>> -> memref<4096xf32, #tpu.memory_space<vmem>>
      %dma_wait3A_108 = arith.constant 0 : i32
      %dma_wait3A_109 = tpu.memref_slice %arg2[%add3A_40, %dma_wait3A_108] : memref<12x4096xf32, #tpu.memory_space<hbm>> -> memref<1x4096xf32, #tpu.memory_space<hbm>>
      %dma_wait3A_110 = tpu.memref_squeeze %dma_wait3A_109 : memref<1x4096xf32, #tpu.memory_space<hbm>> -> memref<4096xf32, #tpu.memory_space<hbm>>
      %dma_wait3A_111 = arith.constant 0 : i32
      %dma_wait3A_112 = tpu.memref_slice %arg6[%dma_wait3A_111] : memref<4112xf32, #tpu.memory_space<vmem>> -> memref<4096xf32, #tpu.memory_space<vmem>>
      %dma_wait3A_113 = arith.constant 0 : i32
      %dma_wait3A_114 = tpu.memref_slice %arg2[%add3A_40, %dma_wait3A_113] : memref<12x4096xf32, #tpu.memory_space<hbm>> -> memref<1x4096xf32, #tpu.memory_space<hbm>>
      %dma_wait3A_115 = tpu.memref_squeeze %dma_wait3A_114 : memref<1x4096xf32, #tpu.memory_space<hbm>> -> memref<4096xf32, #tpu.memory_space<hbm>>
      tpu.wait_dma2 semaphore(%run_scoped3A : memref<!tpu.dma_semaphore, #tpu.memory_space<semaphore_mem>>) src(%dma_wait3A_115 : memref<4096xf32, #tpu.memory_space<hbm>>) dst(%dma_wait3A_112 : memref<4096xf32, #tpu.memory_space<vmem>>)
      tpu.yield
    }) : () -> ()
    %mul3A_41 = arith.constant 3 : i32
    %mul3A_42 = arith.muli %select_n3A, %mul3A_41 : i32
    %add3A_43 = arith.constant 2 : i32
    %add3A_44 = arith.addi %mul3A_42, %add3A_43 : i32
    "tpu.region"() ({
      %run_scoped3A = tpu.sem_alloc : memref<!tpu.dma_semaphore, #tpu.memory_space<semaphore_mem>>
      %dma_start3A = arith.constant 0 : i32
      %dma_start3A_98 = tpu.memref_slice %arg7[%dma_start3A] : memref<4112xf32, #tpu.memory_space<vmem>> -> memref<4096xf32, #tpu.memory_space<vmem>>
      %dma_start3A_99 = arith.constant 0 : i32
      %dma_start3A_100 = tpu.memref_slice %arg2[%add3A_44, %dma_start3A_99] : memref<12x4096xf32, #tpu.memory_space<hbm>> -> memref<1x4096xf32, #tpu.memory_space<hbm>>
      %dma_start3A_101 = tpu.memref_squeeze %dma_start3A_100 : memref<1x4096xf32, #tpu.memory_space<hbm>> -> memref<4096xf32, #tpu.memory_space<hbm>>
      %dma_start3A_102 = arith.constant 0 : i32
      %dma_start3A_103 = tpu.memref_slice %arg7[%dma_start3A_102] : memref<4112xf32, #tpu.memory_space<vmem>> -> memref<4096xf32, #tpu.memory_space<vmem>>
      %dma_start3A_104 = arith.constant 0 : i32
      %dma_start3A_105 = tpu.memref_slice %arg2[%add3A_44, %dma_start3A_104] : memref<12x4096xf32, #tpu.memory_space<hbm>> -> memref<1x4096xf32, #tpu.memory_space<hbm>>
      %dma_start3A_106 = tpu.memref_squeeze %dma_start3A_105 : memref<1x4096xf32, #tpu.memory_space<hbm>> -> memref<4096xf32, #tpu.memory_space<hbm>>
      tpu.enqueue_dma source(%dma_start3A_106 : memref<4096xf32, #tpu.memory_space<hbm>>) target(%dma_start3A_103 : memref<4096xf32, #tpu.memory_space<vmem>>) target_semaphore(%run_scoped3A : memref<!tpu.dma_semaphore, #tpu.memory_space<semaphore_mem>>)
      %dma_wait3A = arith.constant 0 : i32
      %dma_wait3A_107 = tpu.memref_slice %arg7[%dma_wait3A] : memref<4112xf32, #tpu.memory_space<vmem>> -> memref<4096xf32, #tpu.memory_space<vmem>>
      %dma_wait3A_108 = arith.constant 0 : i32
      %dma_wait3A_109 = tpu.memref_slice %arg2[%add3A_44, %dma_wait3A_108] : memref<12x4096xf32, #tpu.memory_space<hbm>> -> memref<1x4096xf32, #tpu.memory_space<hbm>>
      %dma_wait3A_110 = tpu.memref_squeeze %dma_wait3A_109 : memref<1x4096xf32, #tpu.memory_space<hbm>> -> memref<4096xf32, #tpu.memory_space<hbm>>
      %dma_wait3A_111 = arith.constant 0 : i32
      %dma_wait3A_112 = tpu.memref_slice %arg7[%dma_wait3A_111] : memref<4112xf32, #tpu.memory_space<vmem>> -> memref<4096xf32, #tpu.memory_space<vmem>>
      %dma_wait3A_113 = arith.constant 0 : i32
      %dma_wait3A_114 = tpu.memref_slice %arg2[%add3A_44, %dma_wait3A_113] : memref<12x4096xf32, #tpu.memory_space<hbm>> -> memref<1x4096xf32, #tpu.memory_space<hbm>>
      %dma_wait3A_115 = tpu.memref_squeeze %dma_wait3A_114 : memref<1x4096xf32, #tpu.memory_space<hbm>> -> memref<4096xf32, #tpu.memory_space<hbm>>
      tpu.wait_dma2 semaphore(%run_scoped3A : memref<!tpu.dma_semaphore, #tpu.memory_space<semaphore_mem>>) src(%dma_wait3A_115 : memref<4096xf32, #tpu.memory_space<hbm>>) dst(%dma_wait3A_112 : memref<4096xf32, #tpu.memory_space<vmem>>)
      tpu.yield
    }) : () -> ()
    %mul3A_45 = arith.constant 3 : i32
    %mul3A_46 = arith.muli %select_n3A, %mul3A_45 : i32
    %add3A_47 = arith.constant 0 : i32
    %add3A_48 = arith.addi %mul3A_46, %add3A_47 : i32
    "tpu.region"() ({
      %run_scoped3A = tpu.sem_alloc : memref<!tpu.dma_semaphore, #tpu.memory_space<semaphore_mem>>
      %dma_start3A = tpu.memref_slice %arg3[%add3A_48, %mul3A_32] : memref<12x4096xf32, #tpu.memory_space<hbm>> -> memref<1x512xf32, #tpu.memory_space<hbm>>
      %dma_start3A_98 = tpu.memref_squeeze %dma_start3A : memref<1x512xf32, #tpu.memory_space<hbm>> -> memref<512xf32, #tpu.memory_space<hbm>>
      %dma_start3A_99 = tpu.memref_slice %arg3[%add3A_48, %mul3A_32] : memref<12x4096xf32, #tpu.memory_space<hbm>> -> memref<1x512xf32, #tpu.memory_space<hbm>>
      %dma_start3A_100 = tpu.memref_squeeze %dma_start3A_99 : memref<1x512xf32, #tpu.memory_space<hbm>> -> memref<512xf32, #tpu.memory_space<hbm>>
      tpu.enqueue_dma source(%dma_start3A_100 : memref<512xf32, #tpu.memory_space<hbm>>) target(%arg8 : memref<512xf32, #tpu.memory_space<vmem>>) target_semaphore(%run_scoped3A : memref<!tpu.dma_semaphore, #tpu.memory_space<semaphore_mem>>)
      %dma_wait3A = tpu.memref_slice %arg3[%add3A_48, %mul3A_32] : memref<12x4096xf32, #tpu.memory_space<hbm>> -> memref<1x512xf32, #tpu.memory_space<hbm>>
      %dma_wait3A_101 = tpu.memref_squeeze %dma_wait3A : memref<1x512xf32, #tpu.memory_space<hbm>> -> memref<512xf32, #tpu.memory_space<hbm>>
      %dma_wait3A_102 = tpu.memref_slice %arg3[%add3A_48, %mul3A_32] : memref<12x4096xf32, #tpu.memory_space<hbm>> -> memref<1x512xf32, #tpu.memory_space<hbm>>
      %dma_wait3A_103 = tpu.memref_squeeze %dma_wait3A_102 : memref<1x512xf32, #tpu.memory_space<hbm>> -> memref<512xf32, #tpu.memory_space<hbm>>
      tpu.wait_dma2 semaphore(%run_scoped3A : memref<!tpu.dma_semaphore, #tpu.memory_space<semaphore_mem>>) src(%dma_wait3A_103 : memref<512xf32, #tpu.memory_space<hbm>>) dst(%arg8 : memref<512xf32, #tpu.memory_space<vmem>>)
      tpu.yield
    }) : () -> ()
    %mul3A_49 = arith.constant 3 : i32
    %mul3A_50 = arith.muli %select_n3A, %mul3A_49 : i32
    %add3A_51 = arith.constant 1 : i32
    %add3A_52 = arith.addi %mul3A_50, %add3A_51 : i32
    "tpu.region"() ({
      %run_scoped3A = tpu.sem_alloc : memref<!tpu.dma_semaphore, #tpu.memory_space<semaphore_mem>>
      %dma_start3A = tpu.memref_slice %arg3[%add3A_52, %mul3A_32] : memref<12x4096xf32, #tpu.memory_space<hbm>> -> memref<1x512xf32, #tpu.memory_space<hbm>>
      %dma_start3A_98 = tpu.memref_squeeze %dma_start3A : memref<1x512xf32, #tpu.memory_space<hbm>> -> memref<512xf32, #tpu.memory_space<hbm>>
      %dma_start3A_99 = tpu.memref_slice %arg3[%add3A_52, %mul3A_32] : memref<12x4096xf32, #tpu.memory_space<hbm>> -> memref<1x512xf32, #tpu.memory_space<hbm>>
      %dma_start3A_100 = tpu.memref_squeeze %dma_start3A_99 : memref<1x512xf32, #tpu.memory_space<hbm>> -> memref<512xf32, #tpu.memory_space<hbm>>
      tpu.enqueue_dma source(%dma_start3A_100 : memref<512xf32, #tpu.memory_space<hbm>>) target(%arg9 : memref<512xf32, #tpu.memory_space<vmem>>) target_semaphore(%run_scoped3A : memref<!tpu.dma_semaphore, #tpu.memory_space<semaphore_mem>>)
      %dma_wait3A = tpu.memref_slice %arg3[%add3A_52, %mul3A_32] : memref<12x4096xf32, #tpu.memory_space<hbm>> -> memref<1x512xf32, #tpu.memory_space<hbm>>
      %dma_wait3A_101 = tpu.memref_squeeze %dma_wait3A : memref<1x512xf32, #tpu.memory_space<hbm>> -> memref<512xf32, #tpu.memory_space<hbm>>
      %dma_wait3A_102 = tpu.memref_slice %arg3[%add3A_52, %mul3A_32] : memref<12x4096xf32, #tpu.memory_space<hbm>> -> memref<1x512xf32, #tpu.memory_space<hbm>>
      %dma_wait3A_103 = tpu.memref_squeeze %dma_wait3A_102 : memref<1x512xf32, #tpu.memory_space<hbm>> -> memref<512xf32, #tpu.memory_space<hbm>>
      tpu.wait_dma2 semaphore(%run_scoped3A : memref<!tpu.dma_semaphore, #tpu.memory_space<semaphore_mem>>) src(%dma_wait3A_103 : memref<512xf32, #tpu.memory_space<hbm>>) dst(%arg9 : memref<512xf32, #tpu.memory_space<vmem>>)
      tpu.yield
    }) : () -> ()
    %mul3A_53 = arith.constant 3 : i32
    %mul3A_54 = arith.muli %select_n3A, %mul3A_53 : i32
    %add3A_55 = arith.constant 2 : i32
    %add3A_56 = arith.addi %mul3A_54, %add3A_55 : i32
    "tpu.region"() ({
      %run_scoped3A = tpu.sem_alloc : memref<!tpu.dma_semaphore, #tpu.memory_space<semaphore_mem>>
      %dma_start3A = tpu.memref_slice %arg3[%add3A_56, %mul3A_32] : memref<12x4096xf32, #tpu.memory_space<hbm>> -> memref<1x512xf32, #tpu.memory_space<hbm>>
      %dma_start3A_98 = tpu.memref_squeeze %dma_start3A : memref<1x512xf32, #tpu.memory_space<hbm>> -> memref<512xf32, #tpu.memory_space<hbm>>
      %dma_start3A_99 = tpu.memref_slice %arg3[%add3A_56, %mul3A_32] : memref<12x4096xf32, #tpu.memory_space<hbm>> -> memref<1x512xf32, #tpu.memory_space<hbm>>
      %dma_start3A_100 = tpu.memref_squeeze %dma_start3A_99 : memref<1x512xf32, #tpu.memory_space<hbm>> -> memref<512xf32, #tpu.memory_space<hbm>>
      tpu.enqueue_dma source(%dma_start3A_100 : memref<512xf32, #tpu.memory_space<hbm>>) target(%arg10 : memref<512xf32, #tpu.memory_space<vmem>>) target_semaphore(%run_scoped3A : memref<!tpu.dma_semaphore, #tpu.memory_space<semaphore_mem>>)
      %dma_wait3A = tpu.memref_slice %arg3[%add3A_56, %mul3A_32] : memref<12x4096xf32, #tpu.memory_space<hbm>> -> memref<1x512xf32, #tpu.memory_space<hbm>>
      %dma_wait3A_101 = tpu.memref_squeeze %dma_wait3A : memref<1x512xf32, #tpu.memory_space<hbm>> -> memref<512xf32, #tpu.memory_space<hbm>>
      %dma_wait3A_102 = tpu.memref_slice %arg3[%add3A_56, %mul3A_32] : memref<12x4096xf32, #tpu.memory_space<hbm>> -> memref<1x512xf32, #tpu.memory_space<hbm>>
      %dma_wait3A_103 = tpu.memref_squeeze %dma_wait3A_102 : memref<1x512xf32, #tpu.memory_space<hbm>> -> memref<512xf32, #tpu.memory_space<hbm>>
      tpu.wait_dma2 semaphore(%run_scoped3A : memref<!tpu.dma_semaphore, #tpu.memory_space<semaphore_mem>>) src(%dma_wait3A_103 : memref<512xf32, #tpu.memory_space<hbm>>) dst(%arg10 : memref<512xf32, #tpu.memory_space<vmem>>)
      tpu.yield
    }) : () -> ()
    %iota3A = tpu.iota {dimensions = array<i32: 0>} : vector<16xi32>
    %broadcast_in_dim3A = arith.constant 0x7F800000 : f32
    %broadcast_in_dim3A_57 = vector.broadcast %broadcast_in_dim3A : f32 to vector<16xf32>
    %broadcast_in_dim3A_58 = arith.constant 0 : i32
    %broadcast_in_dim3A_59 = vector.broadcast %broadcast_in_dim3A_58 : i32 to vector<16xi32>
    %broadcast_in_dim3A_60 = arith.constant 0x7F800000 : f32
    %broadcast_in_dim3A_61 = vector.broadcast %broadcast_in_dim3A_60 : f32 to vector<16xf32>
    %swap3A = arith.constant 4096 : index
    %swap3A_62 = tpu.vector_load %arg12[%swap3A] {strides = array<i32>} : memref<4112xf32, #tpu.memory_space<vmem>>, vector<16xf32>,
    tpu.vector_store %arg12[%swap3A], %broadcast_in_dim3A_61 {strides = array<i32>} : memref<4112xf32, #tpu.memory_space<vmem>>, vector<16xf32>,
    %broadcast_in_dim3A_63 = arith.constant 0x7F800000 : f32
    %broadcast_in_dim3A_64 = vector.broadcast %broadcast_in_dim3A_63 : f32 to vector<16xf32>
    %swap3A_65 = arith.constant 4096 : index
    %swap3A_66 = tpu.vector_load %arg13[%swap3A_65] {strides = array<i32>} : memref<4112xf32, #tpu.memory_space<vmem>>, vector<16xf32>,
    tpu.vector_store %arg13[%swap3A_65], %broadcast_in_dim3A_64 {strides = array<i32>} : memref<4112xf32, #tpu.memory_space<vmem>>, vector<16xf32>,
    %broadcast_in_dim3A_67 = arith.constant 0x7F800000 : f32
    %broadcast_in_dim3A_68 = vector.broadcast %broadcast_in_dim3A_67 : f32 to vector<16xf32>
    %swap3A_69 = arith.constant 4096 : index
    %swap3A_70 = tpu.vector_load %arg5[%swap3A_69] {strides = array<i32>} : memref<4112xf32, #tpu.memory_space<vmem>>, vector<16xf32>,
    tpu.vector_store %arg5[%swap3A_69], %broadcast_in_dim3A_68 {strides = array<i32>} : memref<4112xf32, #tpu.memory_space<vmem>>, vector<16xf32>,
    %broadcast_in_dim3A_71 = arith.constant 0x7F800000 : f32
    %broadcast_in_dim3A_72 = vector.broadcast %broadcast_in_dim3A_71 : f32 to vector<16xf32>
    %swap3A_73 = arith.constant 4096 : index
    %swap3A_74 = tpu.vector_load %arg6[%swap3A_73] {strides = array<i32>} : memref<4112xf32, #tpu.memory_space<vmem>>, vector<16xf32>,
    tpu.vector_store %arg6[%swap3A_73], %broadcast_in_dim3A_72 {strides = array<i32>} : memref<4112xf32, #tpu.memory_space<vmem>>, vector<16xf32>,
    %broadcast_in_dim3A_75 = arith.constant 0x7F800000 : f32
    %broadcast_in_dim3A_76 = vector.broadcast %broadcast_in_dim3A_75 : f32 to vector<16xf32>
    %swap3A_77 = arith.constant 4096 : index
    %swap3A_78 = tpu.vector_load %arg7[%swap3A_77] {strides = array<i32>} : memref<4112xf32, #tpu.memory_space<vmem>>, vector<16xf32>,
    tpu.vector_store %arg7[%swap3A_77], %broadcast_in_dim3A_76 {strides = array<i32>} : memref<4112xf32, #tpu.memory_space<vmem>>, vector<16xf32>,
    %broadcast_in_dim3A_79 = arith.constant 0.000000e+00 : f32
    %broadcast_in_dim3A_80 = vector.broadcast %broadcast_in_dim3A_79 : f32 to vector<16xf32>
    %parallel_loop3A = arith.constant 0 : i32
    %parallel_loop3A_81 = arith.constant 256 : i32
    %parallel_loop3A_82 = arith.constant 1 : i32
    %parallel_loop3A_83 = scf.for %parallel_loop3A_98 = %parallel_loop3A to %parallel_loop3A_81 step %parallel_loop3A_82 iter_args(%parallel_loop3A_99 = %broadcast_in_dim3A_80) -> (vector<16xf32>)  : i32 {
      %parallel_loop3A_100 = arith.constant 16 : i32
      %parallel_loop3A_101 = arith.muli %parallel_loop3A_98, %parallel_loop3A_100 : i32
      %parallel_loop3A_102 = arith.index_cast %parallel_loop3A_101 : i32 to index
      %parallel_loop3A_103 = tpu.vector_load %arg5[%parallel_loop3A_102] {strides = array<i32>} : memref<4112xf32, #tpu.memory_space<vmem>>, vector<16xf32>,
      %parallel_loop3A_104 = arith.constant 16 : i32
      %parallel_loop3A_105 = arith.muli %parallel_loop3A_98, %parallel_loop3A_104 : i32
      %parallel_loop3A_106 = arith.index_cast %parallel_loop3A_105 : i32 to index
      %parallel_loop3A_107 = tpu.vector_load %arg6[%parallel_loop3A_106] {strides = array<i32>} : memref<4112xf32, #tpu.memory_space<vmem>>, vector<16xf32>,
      %parallel_loop3A_108 = arith.constant 16 : i32
      %parallel_loop3A_109 = arith.muli %parallel_loop3A_98, %parallel_loop3A_108 : i32
      %parallel_loop3A_110 = arith.index_cast %parallel_loop3A_109 : i32 to index
      %parallel_loop3A_111 = tpu.vector_load %arg7[%parallel_loop3A_110] {strides = array<i32>} : memref<4112xf32, #tpu.memory_space<vmem>>, vector<16xf32>,
      %parallel_loop3A_112 = arith.mulf %parallel_loop3A_103, %parallel_loop3A_103 : vector<16xf32>
      %parallel_loop3A_113 = arith.mulf %parallel_loop3A_107, %parallel_loop3A_107 : vector<16xf32>
      %parallel_loop3A_114 = arith.addf %parallel_loop3A_112, %parallel_loop3A_113 : vector<16xf32>
      %parallel_loop3A_115 = arith.mulf %parallel_loop3A_111, %parallel_loop3A_111 : vector<16xf32>
      %parallel_loop3A_116 = arith.addf %parallel_loop3A_114, %parallel_loop3A_115 : vector<16xf32>
      %parallel_loop3A_117 = arith.constant 16 : i32
      %parallel_loop3A_118 = arith.muli %parallel_loop3A_98, %parallel_loop3A_117 : i32
      %parallel_loop3A_119 = arith.index_cast %parallel_loop3A_118 : i32 to index
      %parallel_loop3A_120 = tpu.vector_load %arg11[%parallel_loop3A_119] {strides = array<i32>} : memref<4096xf32, #tpu.memory_space<vmem>>, vector<16xf32>,
      tpu.vector_store %arg11[%parallel_loop3A_119], %parallel_loop3A_116 {strides = array<i32>} : memref<4096xf32, #tpu.memory_space<vmem>>, vector<16xf32>,
      %parallel_loop3A_121 = arith.maximumf %parallel_loop3A_99, %parallel_loop3A_116 : vector<16xf32>
      scf.yield %parallel_loop3A_121 : vector<16xf32>
    } {sc.loop_unroll_factor = 4 : i64, sc.parallel_access}
    %reduce_max3A = arith.constant true
    %reduce_max3A_84 = vector.broadcast %reduce_max3A : i1 to vector<16xi1>
    %reduce_max3A_85 = tpu.scan <max>, %parallel_loop3A_83 masked %reduce_max3A_84 : vector<16xf32>, vector<16xi1> -> vector<16xf32>
    %reduce_max3A_86 = vector.extract %reduce_max3A_85[15] : f32 from vector<16xf32>
    %scan3A = arith.constant 0 : i32
    %scan3A_87 = arith.constant 0 : i32
    %scan3A_88 = arith.constant 256 : i32
    %scan3A_89 = arith.addi %scan3A_87, %scan3A_88 : i32
    %scan3A_90 = arith.constant 1 : i32
    %scan3A_91 = scf.for %scan3A_98 = %scan3A_87 to %scan3A_89 step %scan3A_90 iter_args(%scan3A_99 = %scan3A) -> (i32)  : i32 {
      %mul3A_100 = arith.constant 2 : i32
      %mul3A_101 = arith.muli %mul3A_100, %scan3A_98 : i32
      %broadcast_in_dim3A_102 = vector.broadcast %mul3A_101 : i32 to vector<16xi32>
      %add3A_103 = arith.constant 1 : i32
      %add3A_104 = arith.addi %mul3A_101, %add3A_103 : i32
      %broadcast_in_dim3A_105 = vector.broadcast %add3A_104 : i32 to vector<16xi32>
      %gather3A = tpu.vector_load_idx %arg8[%broadcast_in_dim3A_102] : memref<512xf32, #tpu.memory_space<vmem>>[vector<16xi32>], vector<16xf32>,
      %gather3A_106 = tpu.vector_load_idx %arg9[%broadcast_in_dim3A_102] : memref<512xf32, #tpu.memory_space<vmem>>[vector<16xi32>], vector<16xf32>,
      %gather3A_107 = tpu.vector_load_idx %arg10[%broadcast_in_dim3A_102] : memref<512xf32, #tpu.memory_space<vmem>>[vector<16xi32>], vector<16xf32>,
      %gather3A_108 = tpu.vector_load_idx %arg8[%broadcast_in_dim3A_105] : memref<512xf32, #tpu.memory_space<vmem>>[vector<16xi32>], vector<16xf32>,
      %gather3A_109 = tpu.vector_load_idx %arg9[%broadcast_in_dim3A_105] : memref<512xf32, #tpu.memory_space<vmem>>[vector<16xi32>], vector<16xf32>,
      %gather3A_110 = tpu.vector_load_idx %arg10[%broadcast_in_dim3A_105] : memref<512xf32, #tpu.memory_space<vmem>>[vector<16xi32>], vector<16xf32>,
      %mul3A_111 = arith.constant -2.000000e+00 : f32
      %mul3A_112 = vector.broadcast %mul3A_111 : f32 to vector<16xf32>
      %mul3A_113 = arith.mulf %mul3A_112, %gather3A : vector<16xf32>
      %mul3A_114 = arith.constant -2.000000e+00 : f32
      %mul3A_115 = vector.broadcast %mul3A_114 : f32 to vector<16xf32>
      %mul3A_116 = arith.mulf %mul3A_115, %gather3A_106 : vector<16xf32>
      %mul3A_117 = arith.constant -2.000000e+00 : f32
      %mul3A_118 = vector.broadcast %mul3A_117 : f32 to vector<16xf32>
      %mul3A_119 = arith.mulf %mul3A_118, %gather3A_107 : vector<16xf32>
      %mul3A_120 = arith.constant -2.000000e+00 : f32
      %mul3A_121 = vector.broadcast %mul3A_120 : f32 to vector<16xf32>
      %mul3A_122 = arith.mulf %mul3A_121, %gather3A_108 : vector<16xf32>
      %mul3A_123 = arith.constant -2.000000e+00 : f32
      %mul3A_124 = vector.broadcast %mul3A_123 : f32 to vector<16xf32>
      %mul3A_125 = arith.mulf %mul3A_124, %gather3A_109 : vector<16xf32>
      %mul3A_126 = arith.constant -2.000000e+00 : f32
      %mul3A_127 = vector.broadcast %mul3A_126 : f32 to vector<16xf32>
      %mul3A_128 = arith.mulf %mul3A_127, %gather3A_110 : vector<16xf32>
      %parallel_loop3A_129 = arith.constant 0 : i32
      %parallel_loop3A_130 = arith.constant 128 : i32
      %parallel_loop3A_131 = arith.constant 1 : i32
      %parallel_loop3A_132:4 = scf.for %parallel_loop3A_523 = %parallel_loop3A_129 to %parallel_loop3A_130 step %parallel_loop3A_131 iter_args(%parallel_loop3A_524 = %broadcast_in_dim3A_57, %parallel_loop3A_525 = %broadcast_in_dim3A_57, %parallel_loop3A_526 = %broadcast_in_dim3A_57, %parallel_loop3A_527 = %broadcast_in_dim3A_57) -> (vector<16xf32>, vector<16xf32>, vector<16xf32>, vector<16xf32>)  : i32 {
        %parallel_loop3A_528 = arith.constant 2 : i32
        %parallel_loop3A_529 = arith.muli %parallel_loop3A_523, %parallel_loop3A_528 : i32
        %parallel_loop3A_530 = arith.constant 16 : i32
        %parallel_loop3A_531 = arith.muli %parallel_loop3A_529, %parallel_loop3A_530 : i32
        %parallel_loop3A_532 = arith.index_cast %parallel_loop3A_531 : i32 to index
        %parallel_loop3A_533 = tpu.vector_load %arg5[%parallel_loop3A_532] {strides = array<i32>} : memref<4112xf32, #tpu.memory_space<vmem>>, vector<16xf32>,
        %parallel_loop3A_534 = arith.index_cast %parallel_loop3A_531 : i32 to index
        %parallel_loop3A_535 = tpu.vector_load %arg6[%parallel_loop3A_534] {strides = array<i32>} : memref<4112xf32, #tpu.memory_space<vmem>>, vector<16xf32>,
        %parallel_loop3A_536 = arith.index_cast %parallel_loop3A_531 : i32 to index
        %parallel_loop3A_537 = tpu.vector_load %arg7[%parallel_loop3A_536] {strides = array<i32>} : memref<4112xf32, #tpu.memory_space<vmem>>, vector<16xf32>,
        %parallel_loop3A_538 = arith.index_cast %parallel_loop3A_531 : i32 to index
        %parallel_loop3A_539 = tpu.vector_load %arg11[%parallel_loop3A_538] {strides = array<i32>} : memref<4096xf32, #tpu.memory_space<vmem>>, vector<16xf32>,
        %parallel_loop3A_540 = arith.constant 16 : i32
        %parallel_loop3A_541 = arith.addi %parallel_loop3A_531, %parallel_loop3A_540 : i32
        %parallel_loop3A_542 = arith.index_cast %parallel_loop3A_541 : i32 to index
        %parallel_loop3A_543 = tpu.vector_load %arg5[%parallel_loop3A_542] {strides = array<i32>} : memref<4112xf32, #tpu.memory_space<vmem>>, vector<16xf32>,
        %parallel_loop3A_544 = arith.constant 16 : i32
        %parallel_loop3A_545 = arith.addi %parallel_loop3A_531, %parallel_loop3A_544 : i32
        %parallel_loop3A_546 = arith.index_cast %parallel_loop3A_545 : i32 to index
        %parallel_loop3A_547 = tpu.vector_load %arg6[%parallel_loop3A_546] {strides = array<i32>} : memref<4112xf32, #tpu.memory_space<vmem>>, vector<16xf32>,
        %parallel_loop3A_548 = arith.constant 16 : i32
        %parallel_loop3A_549 = arith.addi %parallel_loop3A_531, %parallel_loop3A_548 : i32
        %parallel_loop3A_550 = arith.index_cast %parallel_loop3A_549 : i32 to index
        %parallel_loop3A_551 = tpu.vector_load %arg7[%parallel_loop3A_550] {strides = array<i32>} : memref<4112xf32, #tpu.memory_space<vmem>>, vector<16xf32>,
        %parallel_loop3A_552 = arith.constant 16 : i32
        %parallel_loop3A_553 = arith.addi %parallel_loop3A_531, %parallel_loop3A_552 : i32
        %parallel_loop3A_554 = arith.index_cast %parallel_loop3A_553 : i32 to index
        %parallel_loop3A_555 = tpu.vector_load %arg11[%parallel_loop3A_554] {strides = array<i32>} : memref<4096xf32, #tpu.memory_space<vmem>>, vector<16xf32>,
        %parallel_loop3A_556 = arith.mulf %parallel_loop3A_533, %mul3A_113 : vector<16xf32>
        %parallel_loop3A_557 = arith.addf %parallel_loop3A_539, %parallel_loop3A_556 : vector<16xf32>
        %parallel_loop3A_558 = arith.mulf %parallel_loop3A_535, %mul3A_116 : vector<16xf32>
        %parallel_loop3A_559 = arith.addf %parallel_loop3A_557, %parallel_loop3A_558 : vector<16xf32>
        %parallel_loop3A_560 = arith.mulf %parallel_loop3A_537, %mul3A_119 : vector<16xf32>
        %parallel_loop3A_561 = arith.addf %parallel_loop3A_559, %parallel_loop3A_560 : vector<16xf32>
        %parallel_loop3A_562 = arith.mulf %parallel_loop3A_543, %mul3A_113 : vector<16xf32>
        %parallel_loop3A_563 = arith.addf %parallel_loop3A_555, %parallel_loop3A_562 : vector<16xf32>
        %parallel_loop3A_564 = arith.mulf %parallel_loop3A_547, %mul3A_116 : vector<16xf32>
        %parallel_loop3A_565 = arith.addf %parallel_loop3A_563, %parallel_loop3A_564 : vector<16xf32>
        %parallel_loop3A_566 = arith.mulf %parallel_loop3A_551, %mul3A_119 : vector<16xf32>
        %parallel_loop3A_567 = arith.addf %parallel_loop3A_565, %parallel_loop3A_566 : vector<16xf32>
        %parallel_loop3A_568 = arith.mulf %parallel_loop3A_533, %mul3A_122 : vector<16xf32>
        %parallel_loop3A_569 = arith.addf %parallel_loop3A_539, %parallel_loop3A_568 : vector<16xf32>
        %parallel_loop3A_570 = arith.mulf %parallel_loop3A_535, %mul3A_125 : vector<16xf32>
        %parallel_loop3A_571 = arith.addf %parallel_loop3A_569, %parallel_loop3A_570 : vector<16xf32>
        %parallel_loop3A_572 = arith.mulf %parallel_loop3A_537, %mul3A_128 : vector<16xf32>
        %parallel_loop3A_573 = arith.addf %parallel_loop3A_571, %parallel_loop3A_572 : vector<16xf32>
        %parallel_loop3A_574 = arith.mulf %parallel_loop3A_543, %mul3A_122 : vector<16xf32>
        %parallel_loop3A_575 = arith.addf %parallel_loop3A_555, %parallel_loop3A_574 : vector<16xf32>
        %parallel_loop3A_576 = arith.mulf %parallel_loop3A_547, %mul3A_125 : vector<16xf32>
        %parallel_loop3A_577 = arith.addf %parallel_loop3A_575, %parallel_loop3A_576 : vector<16xf32>
        %parallel_loop3A_578 = arith.mulf %parallel_loop3A_551, %mul3A_128 : vector<16xf32>
        %parallel_loop3A_579 = arith.addf %parallel_loop3A_577, %parallel_loop3A_578 : vector<16xf32>
        %parallel_loop3A_580 = arith.index_cast %parallel_loop3A_531 : i32 to index
        %parallel_loop3A_581 = tpu.vector_load %arg12[%parallel_loop3A_580] {strides = array<i32>} : memref<4112xf32, #tpu.memory_space<vmem>>, vector<16xf32>,
        tpu.vector_store %arg12[%parallel_loop3A_580], %parallel_loop3A_561 {strides = array<i32>} : memref<4112xf32, #tpu.memory_space<vmem>>, vector<16xf32>,
        %parallel_loop3A_582 = arith.constant 16 : i32
        %parallel_loop3A_583 = arith.addi %parallel_loop3A_531, %parallel_loop3A_582 : i32
        %parallel_loop3A_584 = arith.index_cast %parallel_loop3A_583 : i32 to index
        %parallel_loop3A_585 = tpu.vector_load %arg12[%parallel_loop3A_584] {strides = array<i32>} : memref<4112xf32, #tpu.memory_space<vmem>>, vector<16xf32>,
        tpu.vector_store %arg12[%parallel_loop3A_584], %parallel_loop3A_567 {strides = array<i32>} : memref<4112xf32, #tpu.memory_space<vmem>>, vector<16xf32>,
        %parallel_loop3A_586 = arith.index_cast %parallel_loop3A_531 : i32 to index
        %parallel_loop3A_587 = tpu.vector_load %arg13[%parallel_loop3A_586] {strides = array<i32>} : memref<4112xf32, #tpu.memory_space<vmem>>, vector<16xf32>,
        tpu.vector_store %arg13[%parallel_loop3A_586], %parallel_loop3A_573 {strides = array<i32>} : memref<4112xf32, #tpu.memory_space<vmem>>, vector<16xf32>,
        %parallel_loop3A_588 = arith.constant 16 : i32
        %parallel_loop3A_589 = arith.addi %parallel_loop3A_531, %parallel_loop3A_588 : i32
        %parallel_loop3A_590 = arith.index_cast %parallel_loop3A_589 : i32 to index
        %parallel_loop3A_591 = tpu.vector_load %arg13[%parallel_loop3A_590] {strides = array<i32>} : memref<4112xf32, #tpu.memory_space<vmem>>, vector<16xf32>,
        tpu.vector_store %arg13[%parallel_loop3A_590], %parallel_loop3A_579 {strides = array<i32>} : memref<4112xf32, #tpu.memory_space<vmem>>, vector<16xf32>,
        %parallel_loop3A_592 = arith.minimumf %parallel_loop3A_524, %parallel_loop3A_561 : vector<16xf32>
        %parallel_loop3A_593 = arith.minimumf %parallel_loop3A_525, %parallel_loop3A_567 : vector<16xf32>
        %parallel_loop3A_594 = arith.minimumf %parallel_loop3A_526, %parallel_loop3A_573 : vector<16xf32>
        %parallel_loop3A_595 = arith.minimumf %parallel_loop3A_527, %parallel_loop3A_579 : vector<16xf32>
        scf.yield %parallel_loop3A_592, %parallel_loop3A_593, %parallel_loop3A_594, %parallel_loop3A_595 : vector<16xf32>, vector<16xf32>, vector<16xf32>, vector<16xf32>
      } {sc.loop_unroll_factor = 2 : i64, sc.parallel_access}
      %broadcast_in_dim3A_133 = vector.broadcast %reduce_max3A_86 : f32 to vector<16xf32>
      %mul3A_134 = arith.mulf %gather3A, %gather3A : vector<16xf32>
      %mul3A_135 = arith.mulf %gather3A_106, %gather3A_106 : vector<16xf32>
      %add3A_136 = arith.addf %mul3A_134, %mul3A_135 : vector<16xf32>
      %mul3A_137 = arith.mulf %gather3A_107, %gather3A_107 : vector<16xf32>
      %add3A_138 = arith.addf %add3A_136, %mul3A_137 : vector<16xf32>
      %mul3A_139 = arith.mulf %gather3A_108, %gather3A_108 : vector<16xf32>
      %mul3A_140 = arith.mulf %gather3A_109, %gather3A_109 : vector<16xf32>
      %add3A_141 = arith.addf %mul3A_139, %mul3A_140 : vector<16xf32>
      %mul3A_142 = arith.mulf %gather3A_110, %gather3A_110 : vector<16xf32>
      %add3A_143 = arith.addf %add3A_141, %mul3A_142 : vector<16xf32>
      %broadcast_in_dim3A_144 = arith.constant 9.99999974E-6 : f32
      %broadcast_in_dim3A_145 = vector.broadcast %broadcast_in_dim3A_144 : f32 to vector<16xf32>
      %broadcast_in_dim3A_146 = arith.constant 1.000000e+00 : f32
      %broadcast_in_dim3A_147 = vector.broadcast %broadcast_in_dim3A_146 : f32 to vector<16xf32>
      %max3A = arith.maximumf %parallel_loop3A_132#0, %parallel_loop3A_132#1 : vector<16xf32>
      %reduce_max3A_148 = arith.constant true
      %reduce_max3A_149 = vector.broadcast %reduce_max3A_148 : i1 to vector<16xi1>
      %reduce_max3A_150 = tpu.scan <max>, %max3A masked %reduce_max3A_149 : vector<16xf32>, vector<16xi1> -> vector<16xf32>
      %reduce_max3A_151 = vector.extract %reduce_max3A_150[15] : f32 from vector<16xf32>
      %max3A_152 = arith.maximumf %parallel_loop3A_132#2, %parallel_loop3A_132#3 : vector<16xf32>
      %reduce_max3A_153 = arith.constant true
      %reduce_max3A_154 = vector.broadcast %reduce_max3A_153 : i1 to vector<16xi1>
      %reduce_max3A_155 = tpu.scan <max>, %max3A_152 masked %reduce_max3A_154 : vector<16xf32>, vector<16xi1> -> vector<16xf32>
      %reduce_max3A_156 = vector.extract %reduce_max3A_155[15] : f32 from vector<16xf32>
      %broadcast_in_dim3A_157 = vector.broadcast %reduce_max3A_151 : f32 to vector<16xf32>
      %add3A_158 = arith.addf %broadcast_in_dim3A_133, %add3A_138 : vector<16xf32>
      %add3A_159 = arith.addf %add3A_158, %broadcast_in_dim3A_147 : vector<16xf32>
      %mul3A_160 = arith.mulf %broadcast_in_dim3A_145, %add3A_159 : vector<16xf32>
      %add3A_161 = arith.addf %broadcast_in_dim3A_157, %mul3A_160 : vector<16xf32>
      %broadcast_in_dim3A_162 = vector.broadcast %reduce_max3A_156 : f32 to vector<16xf32>
      %add3A_163 = arith.addf %broadcast_in_dim3A_133, %add3A_143 : vector<16xf32>
      %add3A_164 = arith.addf %add3A_163, %broadcast_in_dim3A_147 : vector<16xf32>
      %mul3A_165 = arith.mulf %broadcast_in_dim3A_145, %add3A_164 : vector<16xf32>
      %add3A_166 = arith.addf %broadcast_in_dim3A_162, %mul3A_165 : vector<16xf32>
      %parallel_loop3A_167 = arith.constant 0 : i32
      %parallel_loop3A_168 = arith.constant 256 : i32
      %parallel_loop3A_169 = arith.constant 1 : i32
      %parallel_loop3A_170 = arith.constant 0 : i32
      %parallel_loop3A_171 = arith.constant 0 : i32
      %parallel_loop3A_172:2 = scf.for %parallel_loop3A_523 = %parallel_loop3A_167 to %parallel_loop3A_168 step %parallel_loop3A_169 iter_args(%parallel_loop3A_524 = %parallel_loop3A_170, %parallel_loop3A_525 = %parallel_loop3A_171) -> (i32, i32)  : i32 {
        %parallel_loop3A_526 = arith.constant 16 : i32
        %parallel_loop3A_527 = arith.muli %parallel_loop3A_523, %parallel_loop3A_526 : i32
        %parallel_loop3A_528 = vector.broadcast %parallel_loop3A_527 : i32 to vector<16xi32>
        %parallel_loop3A_529 = arith.addi %iota3A, %parallel_loop3A_528 : vector<16xi32>
        %parallel_loop3A_530 = arith.constant 16 : i32
        %parallel_loop3A_531 = arith.muli %parallel_loop3A_523, %parallel_loop3A_530 : i32
        %parallel_loop3A_532 = arith.index_cast %parallel_loop3A_531 : i32 to index
        %parallel_loop3A_533 = tpu.vector_load %arg12[%parallel_loop3A_532] {strides = array<i32>} : memref<4112xf32, #tpu.memory_space<vmem>>, vector<16xf32>,
        %parallel_loop3A_534 = arith.cmpf ole, %parallel_loop3A_533, %add3A_161 : vector<16xf32>
        %parallel_loop3A_535 = tpu.all_reduce %parallel_loop3A_534 {dim = 0 : i64, kind = #tpu.reduction_kind<sum>} : vector<16xi1> -> vector<16xi32>
        %parallel_loop3A_536 = vector.extract_strided_slice %parallel_loop3A_535 {offsets = [0], sizes = [1], strides = [1]} : vector<16xi32> to vector<1xi32>
        %parallel_loop3A_537 = vector.extract %parallel_loop3A_536[0] : i32 from vector<1xi32>
        %parallel_loop3A_538 = arith.index_cast %parallel_loop3A_524 : i32 to index
        %parallel_loop3A_539 = tpu.vector_load %arg14[%parallel_loop3A_538] masked %parallel_loop3A_534 {strides = array<i32>} : memref<4160xi32, #tpu.memory_space<vmem>>, vector<16xi32>, vector<16xi1>
        tpu.vector_store %arg14[%parallel_loop3A_538], %parallel_loop3A_529 masked %parallel_loop3A_534 {strides = array<i32>} : memref<4160xi32, #tpu.memory_space<vmem>>, vector<16xi32>, vector<16xi1>
        %parallel_loop3A_540 = arith.constant 16 : i32
        %parallel_loop3A_541 = arith.muli %parallel_loop3A_523, %parallel_loop3A_540 : i32
        %parallel_loop3A_542 = arith.index_cast %parallel_loop3A_541 : i32 to index
        %parallel_loop3A_543 = tpu.vector_load %arg13[%parallel_loop3A_542] {strides = array<i32>} : memref<4112xf32, #tpu.memory_space<vmem>>, vector<16xf32>,
        %parallel_loop3A_544 = arith.cmpf ole, %parallel_loop3A_543, %add3A_166 : vector<16xf32>
        %parallel_loop3A_545 = tpu.all_reduce %parallel_loop3A_544 {dim = 0 : i64, kind = #tpu.reduction_kind<sum>} : vector<16xi1> -> vector<16xi32>
        %parallel_loop3A_546 = vector.extract_strided_slice %parallel_loop3A_545 {offsets = [0], sizes = [1], strides = [1]} : vector<16xi32> to vector<1xi32>
        %parallel_loop3A_547 = vector.extract %parallel_loop3A_546[0] : i32 from vector<1xi32>
        %parallel_loop3A_548 = arith.index_cast %parallel_loop3A_525 : i32 to index
        %parallel_loop3A_549 = tpu.vector_load %arg15[%parallel_loop3A_548] masked %parallel_loop3A_544 {strides = array<i32>} : memref<4160xi32, #tpu.memory_space<vmem>>, vector<16xi32>, vector<16xi1>
        tpu.vector_store %arg15[%parallel_loop3A_548], %parallel_loop3A_529 masked %parallel_loop3A_544 {strides = array<i32>} : memref<4160xi32, #tpu.memory_space<vmem>>, vector<16xi32>, vector<16xi1>
        %parallel_loop3A_550 = arith.addi %parallel_loop3A_524, %parallel_loop3A_537 : i32
        %parallel_loop3A_551 = arith.addi %parallel_loop3A_525, %parallel_loop3A_547 : i32
        scf.yield %parallel_loop3A_550, %parallel_loop3A_551 : i32, i32
      } {sc.loop_unroll_factor = 4 : i64, sc.parallel_access}
      %broadcast_in_dim3A_173 = arith.constant 4096 : i32
      %broadcast_in_dim3A_174 = vector.broadcast %broadcast_in_dim3A_173 : i32 to vector<16xi32>
      %swap3A_175 = arith.index_cast %parallel_loop3A_172#0 : i32 to index
      %swap3A_176 = tpu.vector_load %arg14[%swap3A_175] {strides = array<i32>} : memref<4160xi32, #tpu.memory_space<vmem>>, vector<16xi32>,
      tpu.vector_store %arg14[%swap3A_175], %broadcast_in_dim3A_174 {strides = array<i32>} : memref<4160xi32, #tpu.memory_space<vmem>>, vector<16xi32>,
      %add3A_177 = arith.constant 16 : i32
      %add3A_178 = arith.addi %parallel_loop3A_172#0, %add3A_177 : i32
      %swap3A_179 = arith.index_cast %add3A_178 : i32 to index
      %swap3A_180 = tpu.vector_load %arg14[%swap3A_179] {strides = array<i32>} : memref<4160xi32, #tpu.memory_space<vmem>>, vector<16xi32>,
      tpu.vector_store %arg14[%swap3A_179], %broadcast_in_dim3A_174 {strides = array<i32>} : memref<4160xi32, #tpu.memory_space<vmem>>, vector<16xi32>,
      %add3A_181 = arith.constant 32 : i32
      %add3A_182 = arith.addi %parallel_loop3A_172#0, %add3A_181 : i32
      %swap3A_183 = arith.index_cast %add3A_182 : i32 to index
      %swap3A_184 = tpu.vector_load %arg14[%swap3A_183] {strides = array<i32>} : memref<4160xi32, #tpu.memory_space<vmem>>, vector<16xi32>,
      tpu.vector_store %arg14[%swap3A_183], %broadcast_in_dim3A_174 {strides = array<i32>} : memref<4160xi32, #tpu.memory_space<vmem>>, vector<16xi32>,
      %swap3A_185 = arith.index_cast %parallel_loop3A_172#1 : i32 to index
      %swap3A_186 = tpu.vector_load %arg15[%swap3A_185] {strides = array<i32>} : memref<4160xi32, #tpu.memory_space<vmem>>, vector<16xi32>,
      tpu.vector_store %arg15[%swap3A_185], %broadcast_in_dim3A_174 {strides = array<i32>} : memref<4160xi32, #tpu.memory_space<vmem>>, vector<16xi32>,
      %add3A_187 = arith.constant 16 : i32
      %add3A_188 = arith.addi %parallel_loop3A_172#1, %add3A_187 : i32
      %swap3A_189 = arith.index_cast %add3A_188 : i32 to index
      %swap3A_190 = tpu.vector_load %arg15[%swap3A_189] {strides = array<i32>} : memref<4160xi32, #tpu.memory_space<vmem>>, vector<16xi32>,
      tpu.vector_store %arg15[%swap3A_189], %broadcast_in_dim3A_174 {strides = array<i32>} : memref<4160xi32, #tpu.memory_space<vmem>>, vector<16xi32>,
      %add3A_191 = arith.constant 32 : i32
      %add3A_192 = arith.addi %parallel_loop3A_172#1, %add3A_191 : i32
      %swap3A_193 = arith.index_cast %add3A_192 : i32 to index
      %swap3A_194 = tpu.vector_load %arg15[%swap3A_193] {strides = array<i32>} : memref<4160xi32, #tpu.memory_space<vmem>>, vector<16xi32>,
      tpu.vector_store %arg15[%swap3A_193], %broadcast_in_dim3A_174 {strides = array<i32>} : memref<4160xi32, #tpu.memory_space<vmem>>, vector<16xi32>,
      %add3A_195 = arith.constant 15 : i32
      %add3A_196 = arith.addi %parallel_loop3A_172#0, %add3A_195 : i32
      %jit3A_197 = arith.constant 16 : i32
      %div3A_198 = arith.divsi %add3A_196, %jit3A_197 : i32
      %sign3A_199 = arith.constant 0 : i32
      %sign3A_200 = arith.cmpi sgt, %add3A_196, %sign3A_199 : i32
      %sign3A_201 = arith.extui %sign3A_200 : i1 to i32
      %sign3A_202 = arith.constant 0 : i32
      %sign3A_203 = arith.cmpi slt, %add3A_196, %sign3A_202 : i32
      %sign3A_204 = arith.extui %sign3A_203 : i1 to i32
      %sign3A_205 = arith.subi %sign3A_201, %sign3A_204 : i32
      %sign3A_206 = arith.constant 0 : i32
      %sign3A_207 = arith.cmpi sgt, %jit3A_197, %sign3A_206 : i32
      %sign3A_208 = arith.extui %sign3A_207 : i1 to i32
      %sign3A_209 = arith.constant 0 : i32
      %sign3A_210 = arith.cmpi slt, %jit3A_197, %sign3A_209 : i32
      %sign3A_211 = arith.extui %sign3A_210 : i1 to i32
      %sign3A_212 = arith.subi %sign3A_208, %sign3A_211 : i32
      %ne3A_213 = arith.cmpi ne, %sign3A_205, %sign3A_212 : i32
      %rem3A_214 = arith.remsi %add3A_196, %jit3A_197 : i32
      %ne3A_215 = arith.constant 0 : i32
      %ne3A_216 = arith.cmpi ne, %rem3A_214, %ne3A_215 : i32
      %and3A_217 = arith.andi %ne3A_213, %ne3A_216 : i1
      %sub3A_218 = arith.constant 1 : i32
      %sub3A_219 = arith.subi %div3A_198, %sub3A_218 : i32
      %select_n3A_220 = arith.select %and3A_217, %sub3A_219, %div3A_198 : i32
      %add3A_221 = arith.constant 15 : i32
      %add3A_222 = arith.addi %parallel_loop3A_172#1, %add3A_221 : i32
      %jit3A_223 = arith.constant 16 : i32
      %div3A_224 = arith.divsi %add3A_222, %jit3A_223 : i32
      %sign3A_225 = arith.constant 0 : i32
      %sign3A_226 = arith.cmpi sgt, %add3A_222, %sign3A_225 : i32
      %sign3A_227 = arith.extui %sign3A_226 : i1 to i32
      %sign3A_228 = arith.constant 0 : i32
      %sign3A_229 = arith.cmpi slt, %add3A_222, %sign3A_228 : i32
      %sign3A_230 = arith.extui %sign3A_229 : i1 to i32
      %sign3A_231 = arith.subi %sign3A_227, %sign3A_230 : i32
      %sign3A_232 = arith.constant 0 : i32
      %sign3A_233 = arith.cmpi sgt, %jit3A_223, %sign3A_232 : i32
      %sign3A_234 = arith.extui %sign3A_233 : i1 to i32
      %sign3A_235 = arith.constant 0 : i32
      %sign3A_236 = arith.cmpi slt, %jit3A_223, %sign3A_235 : i32
      %sign3A_237 = arith.extui %sign3A_236 : i1 to i32
      %sign3A_238 = arith.subi %sign3A_234, %sign3A_237 : i32
      %ne3A_239 = arith.cmpi ne, %sign3A_231, %sign3A_238 : i32
      %rem3A_240 = arith.remsi %add3A_222, %jit3A_223 : i32
      %ne3A_241 = arith.constant 0 : i32
      %ne3A_242 = arith.cmpi ne, %rem3A_240, %ne3A_241 : i32
      %and3A_243 = arith.andi %ne3A_239, %ne3A_242 : i1
      %sub3A_244 = arith.constant 1 : i32
      %sub3A_245 = arith.subi %div3A_224, %sub3A_244 : i32
      %select_n3A_246 = arith.select %and3A_243, %sub3A_245, %div3A_224 : i32
      %get3A = arith.constant 0 : index
      %get3A_247 = tpu.vector_load %arg14[%get3A] {strides = array<i32>} : memref<4160xi32, #tpu.memory_space<vmem>>, vector<16xi32>,
      %gather3A_248 = tpu.vector_load_idx %arg5[%get3A_247] : memref<4112xf32, #tpu.memory_space<vmem>>[vector<16xi32>], vector<16xf32>,
      %sub3A_249 = arith.subf %gather3A_248, %gather3A : vector<16xf32>
      %gather3A_250 = tpu.vector_load_idx %arg6[%get3A_247] : memref<4112xf32, #tpu.memory_space<vmem>>[vector<16xi32>], vector<16xf32>,
      %sub3A_251 = arith.subf %gather3A_250, %gather3A_106 : vector<16xf32>
      %gather3A_252 = tpu.vector_load_idx %arg7[%get3A_247] : memref<4112xf32, #tpu.memory_space<vmem>>[vector<16xi32>], vector<16xf32>,
      %sub3A_253 = arith.subf %gather3A_252, %gather3A_107 : vector<16xf32>
      %mul3A_254 = arith.mulf %sub3A_249, %sub3A_249 : vector<16xf32>
      %mul3A_255 = arith.mulf %sub3A_251, %sub3A_251 : vector<16xf32>
      %add3A_256 = arith.addf %mul3A_254, %mul3A_255 : vector<16xf32>
      %mul3A_257 = arith.mulf %sub3A_253, %sub3A_253 : vector<16xf32>
      %add3A_258 = arith.addf %add3A_256, %mul3A_257 : vector<16xf32>
      %masked_sort3A = arith.constant dense<true> : vector<16xi1>
      %masked_sort3A_259, %masked_sort3A_260, %masked_sort3A_261 = tpu.sort %add3A_258, %get3A_247 masked %masked_sort3A : (vector<16xf32>, vector<16xi32>, vector<16xi1>) -> (vector<16xi1>, vector<16xf32>, vector<16xi32>)
      %get3A_262 = arith.constant 16 : index
      %get3A_263 = tpu.vector_load %arg14[%get3A_262] {strides = array<i32>} : memref<4160xi32, #tpu.memory_space<vmem>>, vector<16xi32>,
      %gather3A_264 = tpu.vector_load_idx %arg5[%get3A_263] : memref<4112xf32, #tpu.memory_space<vmem>>[vector<16xi32>], vector<16xf32>,
      %sub3A_265 = arith.subf %gather3A_264, %gather3A : vector<16xf32>
      %gather3A_266 = tpu.vector_load_idx %arg6[%get3A_263] : memref<4112xf32, #tpu.memory_space<vmem>>[vector<16xi32>], vector<16xf32>,
      %sub3A_267 = arith.subf %gather3A_266, %gather3A_106 : vector<16xf32>
      %gather3A_268 = tpu.vector_load_idx %arg7[%get3A_263] : memref<4112xf32, #tpu.memory_space<vmem>>[vector<16xi32>], vector<16xf32>,
      %sub3A_269 = arith.subf %gather3A_268, %gather3A_107 : vector<16xf32>
      %mul3A_270 = arith.mulf %sub3A_265, %sub3A_265 : vector<16xf32>
      %mul3A_271 = arith.mulf %sub3A_267, %sub3A_267 : vector<16xf32>
      %add3A_272 = arith.addf %mul3A_270, %mul3A_271 : vector<16xf32>
      %mul3A_273 = arith.mulf %sub3A_269, %sub3A_269 : vector<16xf32>
      %add3A_274 = arith.addf %add3A_272, %mul3A_273 : vector<16xf32>
      %masked_sort3A_275 = arith.constant dense<true> : vector<16xi1>
      %masked_sort3A_276, %masked_sort3A_277, %masked_sort3A_278 = tpu.sort %add3A_274, %get3A_263 masked %masked_sort3A_275 : (vector<16xf32>, vector<16xi32>, vector<16xi1>) -> (vector<16xi1>, vector<16xf32>, vector<16xi32>)
      %rev3A = arith.constant 15 : i32
      %rev3A_279 = vector.broadcast %rev3A : i32 to vector<16xi32>
      %rev3A_280 = tpu.iota {dimensions = array<i32: 0>} : vector<16xi32>
      %rev3A_281 = arith.subi %rev3A_279, %rev3A_280 : vector<16xi32>
      %rev3A_282 = tpu.dynamic_gather %masked_sort3A_277[%rev3A_281] in [0] : vector<16xf32>, vector<16xi32> -> vector<16xf32>
      %rev3A_283 = arith.constant 15 : i32
      %rev3A_284 = vector.broadcast %rev3A_283 : i32 to vector<16xi32>
      %rev3A_285 = tpu.iota {dimensions = array<i32: 0>} : vector<16xi32>
      %rev3A_286 = arith.subi %rev3A_284, %rev3A_285 : vector<16xi32>
      %rev3A_287 = tpu.dynamic_gather %masked_sort3A_278[%rev3A_286] in [0] : vector<16xi32>, vector<16xi32> -> vector<16xi32>
      %le3A = arith.cmpf ole, %masked_sort3A_260, %rev3A_282 : vector<16xf32>
      %select_n3A_288 = arith.select %le3A, %masked_sort3A_260, %rev3A_282 : vector<16xi1>, vector<16xf32>
      %select_n3A_289 = arith.select %le3A, %masked_sort3A_261, %rev3A_287 : vector<16xi1>, vector<16xi32>
      %select_n3A_290 = arith.select %le3A, %rev3A_282, %masked_sort3A_260 : vector<16xi1>, vector<16xf32>
      %select_n3A_291 = arith.select %le3A, %rev3A_287, %masked_sort3A_261 : vector<16xi1>, vector<16xi32>
      %masked_sort3A_292 = arith.constant dense<true> : vector<16xi1>
      %masked_sort3A_293, %masked_sort3A_294, %masked_sort3A_295 = tpu.sort %select_n3A_288, %select_n3A_289 masked %masked_sort3A_292 : (vector<16xf32>, vector<16xi32>, vector<16xi1>) -> (vector<16xi1>, vector<16xf32>, vector<16xi32>)
      %masked_sort3A_296 = arith.constant dense<true> : vector<16xi1>
      %masked_sort3A_297, %masked_sort3A_298, %masked_sort3A_299 = tpu.sort %select_n3A_290, %select_n3A_291 masked %masked_sort3A_296 : (vector<16xf32>, vector<16xi32>, vector<16xi1>) -> (vector<16xi1>, vector<16xf32>, vector<16xi32>)
      %get3A_300 = arith.constant 0 : index
      %get3A_301 = tpu.vector_load %arg15[%get3A_300] {strides = array<i32>} : memref<4160xi32, #tpu.memory_space<vmem>>, vector<16xi32>,
      %gather3A_302 = tpu.vector_load_idx %arg5[%get3A_301] : memref<4112xf32, #tpu.memory_space<vmem>>[vector<16xi32>], vector<16xf32>,
      %sub3A_303 = arith.subf %gather3A_302, %gather3A_108 : vector<16xf32>
      %gather3A_304 = tpu.vector_load_idx %arg6[%get3A_301] : memref<4112xf32, #tpu.memory_space<vmem>>[vector<16xi32>], vector<16xf32>,
      %sub3A_305 = arith.subf %gather3A_304, %gather3A_109 : vector<16xf32>
      %gather3A_306 = tpu.vector_load_idx %arg7[%get3A_301] : memref<4112xf32, #tpu.memory_space<vmem>>[vector<16xi32>], vector<16xf32>,
      %sub3A_307 = arith.subf %gather3A_306, %gather3A_110 : vector<16xf32>
      %mul3A_308 = arith.mulf %sub3A_303, %sub3A_303 : vector<16xf32>
      %mul3A_309 = arith.mulf %sub3A_305, %sub3A_305 : vector<16xf32>
      %add3A_310 = arith.addf %mul3A_308, %mul3A_309 : vector<16xf32>
      %mul3A_311 = arith.mulf %sub3A_307, %sub3A_307 : vector<16xf32>
      %add3A_312 = arith.addf %add3A_310, %mul3A_311 : vector<16xf32>
      %masked_sort3A_313 = arith.constant dense<true> : vector<16xi1>
      %masked_sort3A_314, %masked_sort3A_315, %masked_sort3A_316 = tpu.sort %add3A_312, %get3A_301 masked %masked_sort3A_313 : (vector<16xf32>, vector<16xi32>, vector<16xi1>) -> (vector<16xi1>, vector<16xf32>, vector<16xi32>)
      %get3A_317 = arith.constant 16 : index
      %get3A_318 = tpu.vector_load %arg15[%get3A_317] {strides = array<i32>} : memref<4160xi32, #tpu.memory_space<vmem>>, vector<16xi32>,
      %gather3A_319 = tpu.vector_load_idx %arg5[%get3A_318] : memref<4112xf32, #tpu.memory_space<vmem>>[vector<16xi32>], vector<16xf32>,
      %sub3A_320 = arith.subf %gather3A_319, %gather3A_108 : vector<16xf32>
      %gather3A_321 = tpu.vector_load_idx %arg6[%get3A_318] : memref<4112xf32, #tpu.memory_space<vmem>>[vector<16xi32>], vector<16xf32>,
      %sub3A_322 = arith.subf %gather3A_321, %gather3A_109 : vector<16xf32>
      %gather3A_323 = tpu.vector_load_idx %arg7[%get3A_318] : memref<4112xf32, #tpu.memory_space<vmem>>[vector<16xi32>], vector<16xf32>,
      %sub3A_324 = arith.subf %gather3A_323, %gather3A_110 : vector<16xf32>
      %mul3A_325 = arith.mulf %sub3A_320, %sub3A_320 : vector<16xf32>
      %mul3A_326 = arith.mulf %sub3A_322, %sub3A_322 : vector<16xf32>
      %add3A_327 = arith.addf %mul3A_325, %mul3A_326 : vector<16xf32>
      %mul3A_328 = arith.mulf %sub3A_324, %sub3A_324 : vector<16xf32>
      %add3A_329 = arith.addf %add3A_327, %mul3A_328 : vector<16xf32>
      %masked_sort3A_330 = arith.constant dense<true> : vector<16xi1>
      %masked_sort3A_331, %masked_sort3A_332, %masked_sort3A_333 = tpu.sort %add3A_329, %get3A_318 masked %masked_sort3A_330 : (vector<16xf32>, vector<16xi32>, vector<16xi1>) -> (vector<16xi1>, vector<16xf32>, vector<16xi32>)
      %rev3A_334 = arith.constant 15 : i32
      %rev3A_335 = vector.broadcast %rev3A_334 : i32 to vector<16xi32>
      %rev3A_336 = tpu.iota {dimensions = array<i32: 0>} : vector<16xi32>
      %rev3A_337 = arith.subi %rev3A_335, %rev3A_336 : vector<16xi32>
      %rev3A_338 = tpu.dynamic_gather %masked_sort3A_332[%rev3A_337] in [0] : vector<16xf32>, vector<16xi32> -> vector<16xf32>
      %rev3A_339 = arith.constant 15 : i32
      %rev3A_340 = vector.broadcast %rev3A_339 : i32 to vector<16xi32>
      %rev3A_341 = tpu.iota {dimensions = array<i32: 0>} : vector<16xi32>
      %rev3A_342 = arith.subi %rev3A_340, %rev3A_341 : vector<16xi32>
      %rev3A_343 = tpu.dynamic_gather %masked_sort3A_333[%rev3A_342] in [0] : vector<16xi32>, vector<16xi32> -> vector<16xi32>
      %le3A_344 = arith.cmpf ole, %masked_sort3A_315, %rev3A_338 : vector<16xf32>
      %select_n3A_345 = arith.select %le3A_344, %masked_sort3A_315, %rev3A_338 : vector<16xi1>, vector<16xf32>
      %select_n3A_346 = arith.select %le3A_344, %masked_sort3A_316, %rev3A_343 : vector<16xi1>, vector<16xi32>
      %select_n3A_347 = arith.select %le3A_344, %rev3A_338, %masked_sort3A_315 : vector<16xi1>, vector<16xf32>
      %select_n3A_348 = arith.select %le3A_344, %rev3A_343, %masked_sort3A_316 : vector<16xi1>, vector<16xi32>
      %masked_sort3A_349 = arith.constant dense<true> : vector<16xi1>
      %masked_sort3A_350, %masked_sort3A_351, %masked_sort3A_352 = tpu.sort %select_n3A_345, %select_n3A_346 masked %masked_sort3A_349 : (vector<16xf32>, vector<16xi32>, vector<16xi1>) -> (vector<16xi1>, vector<16xf32>, vector<16xi32>)
      %masked_sort3A_353 = arith.constant dense<true> : vector<16xi1>
      %masked_sort3A_354, %masked_sort3A_355, %masked_sort3A_356 = tpu.sort %select_n3A_347, %select_n3A_348 masked %masked_sort3A_353 : (vector<16xf32>, vector<16xi32>, vector<16xi1>) -> (vector<16xi1>, vector<16xf32>, vector<16xi32>)
      %sub3A_357 = arith.constant 1 : i32
      %sub3A_358 = arith.subi %parallel_loop3A_172#0, %sub3A_357 : i32
      %jit3A_359 = arith.constant 32 : i32
      %div3A_360 = arith.divsi %sub3A_358, %jit3A_359 : i32
      %sign3A_361 = arith.constant 0 : i32
      %sign3A_362 = arith.cmpi sgt, %sub3A_358, %sign3A_361 : i32
      %sign3A_363 = arith.extui %sign3A_362 : i1 to i32
      %sign3A_364 = arith.constant 0 : i32
      %sign3A_365 = arith.cmpi slt, %sub3A_358, %sign3A_364 : i32
      %sign3A_366 = arith.extui %sign3A_365 : i1 to i32
      %sign3A_367 = arith.subi %sign3A_363, %sign3A_366 : i32
      %sign3A_368 = arith.constant 0 : i32
      %sign3A_369 = arith.cmpi sgt, %jit3A_359, %sign3A_368 : i32
      %sign3A_370 = arith.extui %sign3A_369 : i1 to i32
      %sign3A_371 = arith.constant 0 : i32
      %sign3A_372 = arith.cmpi slt, %jit3A_359, %sign3A_371 : i32
      %sign3A_373 = arith.extui %sign3A_372 : i1 to i32
      %sign3A_374 = arith.subi %sign3A_370, %sign3A_373 : i32
      %ne3A_375 = arith.cmpi ne, %sign3A_367, %sign3A_374 : i32
      %rem3A_376 = arith.remsi %sub3A_358, %jit3A_359 : i32
      %ne3A_377 = arith.constant 0 : i32
      %ne3A_378 = arith.cmpi ne, %rem3A_376, %ne3A_377 : i32
      %and3A_379 = arith.andi %ne3A_375, %ne3A_378 : i1
      %sub3A_380 = arith.constant 1 : i32
      %sub3A_381 = arith.subi %div3A_360, %sub3A_380 : i32
      %select_n3A_382 = arith.select %and3A_379, %sub3A_381, %div3A_360 : i32
      %sub3A_383 = arith.constant 1 : i32
      %sub3A_384 = arith.subi %parallel_loop3A_172#1, %sub3A_383 : i32
      %jit3A_385 = arith.constant 32 : i32
      %div3A_386 = arith.divsi %sub3A_384, %jit3A_385 : i32
      %sign3A_387 = arith.constant 0 : i32
      %sign3A_388 = arith.cmpi sgt, %sub3A_384, %sign3A_387 : i32
      %sign3A_389 = arith.extui %sign3A_388 : i1 to i32
      %sign3A_390 = arith.constant 0 : i32
      %sign3A_391 = arith.cmpi slt, %sub3A_384, %sign3A_390 : i32
      %sign3A_392 = arith.extui %sign3A_391 : i1 to i32
      %sign3A_393 = arith.subi %sign3A_389, %sign3A_392 : i32
      %sign3A_394 = arith.constant 0 : i32
      %sign3A_395 = arith.cmpi sgt, %jit3A_385, %sign3A_394 : i32
      %sign3A_396 = arith.extui %sign3A_395 : i1 to i32
      %sign3A_397 = arith.constant 0 : i32
      %sign3A_398 = arith.cmpi slt, %jit3A_385, %sign3A_397 : i32
      %sign3A_399 = arith.extui %sign3A_398 : i1 to i32
      %sign3A_400 = arith.subi %sign3A_396, %sign3A_399 : i32
      %ne3A_401 = arith.cmpi ne, %sign3A_393, %sign3A_400 : i32
      %rem3A_402 = arith.remsi %sub3A_384, %jit3A_385 : i32
      %ne3A_403 = arith.constant 0 : i32
      %ne3A_404 = arith.cmpi ne, %rem3A_402, %ne3A_403 : i32
      %and3A_405 = arith.andi %ne3A_401, %ne3A_404 : i1
      %sub3A_406 = arith.constant 1 : i32
      %sub3A_407 = arith.subi %div3A_386, %sub3A_406 : i32
      %select_n3A_408 = arith.select %and3A_405, %sub3A_407, %div3A_386 : i32
      %max3A_409 = arith.maxsi %select_n3A_382, %select_n3A_408 : i32
      %while3A = arith.constant 0 : i32
      %while3A_410 = arith.subi %max3A_409, %while3A : i32
      %while3A_411 = arith.addi %while3A, %while3A_410 : i32
      %while3A_412 = arith.constant 1 : i32
      %while3A_413 = arith.divsi %while3A_410, %while3A_412 : i32
      %while3A_414 = arith.muli %while3A_413, %while3A_412 : i32
      %while3A_415 = arith.addi %while3A, %while3A_414 : i32
      %while3A_416 = arith.constant 1 : i32
      %while3A_417:16 = scf.for %while3A_523 = %while3A to %while3A_415 step %while3A_416 iter_args(%while3A_524 = %masked_sort3A_294, %while3A_525 = %masked_sort3A_295, %while3A_526 = %masked_sort3A_298, %while3A_527 = %masked_sort3A_299, %while3A_528 = %broadcast_in_dim3A_57, %while3A_529 = %broadcast_in_dim3A_59, %while3A_530 = %broadcast_in_dim3A_57, %while3A_531 = %broadcast_in_dim3A_59, %while3A_532 = %masked_sort3A_351, %while3A_533 = %masked_sort3A_352, %while3A_534 = %masked_sort3A_355, %while3A_535 = %masked_sort3A_356, %while3A_536 = %broadcast_in_dim3A_57, %while3A_537 = %broadcast_in_dim3A_59, %while3A_538 = %broadcast_in_dim3A_57, %while3A_539 = %broadcast_in_dim3A_59) -> (vector<16xf32>, vector<16xi32>, vector<16xf32>, vector<16xi32>, vector<16xf32>, vector<16xi32>, vector<16xf32>, vector<16xi32>, vector<16xf32>, vector<16xi32>, vector<16xf32>, vector<16xi32>, vector<16xf32>, vector<16xi32>, vector<16xf32>, vector<16xi32>)  : i32 {
        %mul3A_540 = arith.constant 2 : i32
        %mul3A_541 = arith.muli %mul3A_540, %while3A_523 : i32
        %add3A_542 = arith.constant 2 : i32
        %add3A_543 = arith.addi %add3A_542, %mul3A_541 : i32
        %min3A = arith.minsi %add3A_543, %select_n3A_220 : i32
        %mul3A_544 = arith.constant 2 : i32
        %mul3A_545 = arith.muli %mul3A_544, %while3A_523 : i32
        %add3A_546 = arith.constant 3 : i32
        %add3A_547 = arith.addi %add3A_546, %mul3A_545 : i32
        %min3A_548 = arith.minsi %add3A_547, %select_n3A_220 : i32
        %mul3A_549 = arith.constant 2 : i32
        %mul3A_550 = arith.muli %mul3A_549, %while3A_523 : i32
        %add3A_551 = arith.constant 2 : i32
        %add3A_552 = arith.addi %add3A_551, %mul3A_550 : i32
        %min3A_553 = arith.minsi %add3A_552, %select_n3A_246 : i32
        %mul3A_554 = arith.constant 2 : i32
        %mul3A_555 = arith.muli %mul3A_554, %while3A_523 : i32
        %add3A_556 = arith.constant 3 : i32
        %add3A_557 = arith.addi %add3A_556, %mul3A_555 : i32
        %min3A_558 = arith.minsi %add3A_557, %select_n3A_246 : i32
        %mul3A_559 = arith.constant 16 : i32
        %mul3A_560 = arith.muli %min3A, %mul3A_559 : i32
        %get3A_561 = arith.index_cast %mul3A_560 : i32 to index
        %get3A_562 = tpu.vector_load %arg14[%get3A_561] {strides = array<i32>} : memref<4160xi32, #tpu.memory_space<vmem>>, vector<16xi32>,
        %gather3A_563 = tpu.vector_load_idx %arg5[%get3A_562] : memref<4112xf32, #tpu.memory_space<vmem>>[vector<16xi32>], vector<16xf32>,
        %sub3A_564 = arith.subf %gather3A_563, %gather3A : vector<16xf32>
        %gather3A_565 = tpu.vector_load_idx %arg6[%get3A_562] : memref<4112xf32, #tpu.memory_space<vmem>>[vector<16xi32>], vector<16xf32>,
        %sub3A_566 = arith.subf %gather3A_565, %gather3A_106 : vector<16xf32>
        %gather3A_567 = tpu.vector_load_idx %arg7[%get3A_562] : memref<4112xf32, #tpu.memory_space<vmem>>[vector<16xi32>], vector<16xf32>,
        %sub3A_568 = arith.subf %gather3A_567, %gather3A_107 : vector<16xf32>
        %mul3A_569 = arith.mulf %sub3A_564, %sub3A_564 : vector<16xf32>
        %mul3A_570 = arith.mulf %sub3A_566, %sub3A_566 : vector<16xf32>
        %add3A_571 = arith.addf %mul3A_569, %mul3A_570 : vector<16xf32>
        %mul3A_572 = arith.mulf %sub3A_568, %sub3A_568 : vector<16xf32>
        %add3A_573 = arith.addf %add3A_571, %mul3A_572 : vector<16xf32>
        %masked_sort3A_574 = arith.constant dense<true> : vector<16xi1>
        %masked_sort3A_575, %masked_sort3A_576, %masked_sort3A_577 = tpu.sort %add3A_573, %get3A_562 masked %masked_sort3A_574 : (vector<16xf32>, vector<16xi32>, vector<16xi1>) -> (vector<16xi1>, vector<16xf32>, vector<16xi32>)
        %rev3A_578 = arith.constant 15 : i32
        %rev3A_579 = vector.broadcast %rev3A_578 : i32 to vector<16xi32>
        %rev3A_580 = tpu.iota {dimensions = array<i32: 0>} : vector<16xi32>
        %rev3A_581 = arith.subi %rev3A_579, %rev3A_580 : vector<16xi32>
        %rev3A_582 = tpu.dynamic_gather %masked_sort3A_576[%rev3A_581] in [0] : vector<16xf32>, vector<16xi32> -> vector<16xf32>
        %rev3A_583 = arith.constant 15 : i32
        %rev3A_584 = vector.broadcast %rev3A_583 : i32 to vector<16xi32>
        %rev3A_585 = tpu.iota {dimensions = array<i32: 0>} : vector<16xi32>
        %rev3A_586 = arith.subi %rev3A_584, %rev3A_585 : vector<16xi32>
        %rev3A_587 = tpu.dynamic_gather %masked_sort3A_577[%rev3A_586] in [0] : vector<16xi32>, vector<16xi32> -> vector<16xi32>
        %le3A_588 = arith.cmpf ole, %while3A_526, %rev3A_582 : vector<16xf32>
        %select_n3A_589 = arith.select %le3A_588, %while3A_526, %rev3A_582 : vector<16xi1>, vector<16xf32>
        %select_n3A_590 = arith.select %le3A_588, %while3A_527, %rev3A_587 : vector<16xi1>, vector<16xi32>
        %le3A_591 = arith.cmpf ole, %while3A_524, %select_n3A_589 : vector<16xf32>
        %select_n3A_592 = arith.select %le3A_591, %while3A_524, %select_n3A_589 : vector<16xi1>, vector<16xf32>
        %select_n3A_593 = arith.select %le3A_591, %while3A_525, %select_n3A_590 : vector<16xi1>, vector<16xi32>
        %select_n3A_594 = arith.select %le3A_591, %select_n3A_589, %while3A_524 : vector<16xi1>, vector<16xf32>
        %select_n3A_595 = arith.select %le3A_591, %select_n3A_590, %while3A_525 : vector<16xi1>, vector<16xi32>
        %masked_sort3A_596 = arith.constant dense<true> : vector<16xi1>
        %masked_sort3A_597, %masked_sort3A_598, %masked_sort3A_599 = tpu.sort %select_n3A_592, %select_n3A_593 masked %masked_sort3A_596 : (vector<16xf32>, vector<16xi32>, vector<16xi1>) -> (vector<16xi1>, vector<16xf32>, vector<16xi32>)
        %masked_sort3A_600 = arith.constant dense<true> : vector<16xi1>
        %masked_sort3A_601, %masked_sort3A_602, %masked_sort3A_603 = tpu.sort %select_n3A_594, %select_n3A_595 masked %masked_sort3A_600 : (vector<16xf32>, vector<16xi32>, vector<16xi1>) -> (vector<16xi1>, vector<16xf32>, vector<16xi32>)
        %mul3A_604 = arith.constant 16 : i32
        %mul3A_605 = arith.muli %min3A_548, %mul3A_604 : i32
        %get3A_606 = arith.index_cast %mul3A_605 : i32 to index
        %get3A_607 = tpu.vector_load %arg14[%get3A_606] {strides = array<i32>} : memref<4160xi32, #tpu.memory_space<vmem>>, vector<16xi32>,
        %gather3A_608 = tpu.vector_load_idx %arg5[%get3A_607] : memref<4112xf32, #tpu.memory_space<vmem>>[vector<16xi32>], vector<16xf32>,
        %sub3A_609 = arith.subf %gather3A_608, %gather3A : vector<16xf32>
        %gather3A_610 = tpu.vector_load_idx %arg6[%get3A_607] : memref<4112xf32, #tpu.memory_space<vmem>>[vector<16xi32>], vector<16xf32>,
        %sub3A_611 = arith.subf %gather3A_610, %gather3A_106 : vector<16xf32>
        %gather3A_612 = tpu.vector_load_idx %arg7[%get3A_607] : memref<4112xf32, #tpu.memory_space<vmem>>[vector<16xi32>], vector<16xf32>,
        %sub3A_613 = arith.subf %gather3A_612, %gather3A_107 : vector<16xf32>
        %mul3A_614 = arith.mulf %sub3A_609, %sub3A_609 : vector<16xf32>
        %mul3A_615 = arith.mulf %sub3A_611, %sub3A_611 : vector<16xf32>
        %add3A_616 = arith.addf %mul3A_614, %mul3A_615 : vector<16xf32>
        %mul3A_617 = arith.mulf %sub3A_613, %sub3A_613 : vector<16xf32>
        %add3A_618 = arith.addf %add3A_616, %mul3A_617 : vector<16xf32>
        %masked_sort3A_619 = arith.constant dense<true> : vector<16xi1>
        %masked_sort3A_620, %masked_sort3A_621, %masked_sort3A_622 = tpu.sort %add3A_618, %get3A_607 masked %masked_sort3A_619 : (vector<16xf32>, vector<16xi32>, vector<16xi1>) -> (vector<16xi1>, vector<16xf32>, vector<16xi32>)
        %rev3A_623 = arith.constant 15 : i32
        %rev3A_624 = vector.broadcast %rev3A_623 : i32 to vector<16xi32>
        %rev3A_625 = tpu.iota {dimensions = array<i32: 0>} : vector<16xi32>
        %rev3A_626 = arith.subi %rev3A_624, %rev3A_625 : vector<16xi32>
        %rev3A_627 = tpu.dynamic_gather %masked_sort3A_621[%rev3A_626] in [0] : vector<16xf32>, vector<16xi32> -> vector<16xf32>
        %rev3A_628 = arith.constant 15 : i32
        %rev3A_629 = vector.broadcast %rev3A_628 : i32 to vector<16xi32>
        %rev3A_630 = tpu.iota {dimensions = array<i32: 0>} : vector<16xi32>
        %rev3A_631 = arith.subi %rev3A_629, %rev3A_630 : vector<16xi32>
        %rev3A_632 = tpu.dynamic_gather %masked_sort3A_622[%rev3A_631] in [0] : vector<16xi32>, vector<16xi32> -> vector<16xi32>
        %le3A_633 = arith.cmpf ole, %while3A_530, %rev3A_627 : vector<16xf32>
        %select_n3A_634 = arith.select %le3A_633, %while3A_530, %rev3A_627 : vector<16xi1>, vector<16xf32>
        %select_n3A_635 = arith.select %le3A_633, %while3A_531, %rev3A_632 : vector<16xi1>, vector<16xi32>
        %le3A_636 = arith.cmpf ole, %while3A_528, %select_n3A_634 : vector<16xf32>
        %select_n3A_637 = arith.select %le3A_636, %while3A_528, %select_n3A_634 : vector<16xi1>, vector<16xf32>
        %select_n3A_638 = arith.select %le3A_636, %while3A_529, %select_n3A_635 : vector<16xi1>, vector<16xi32>
        %select_n3A_639 = arith.select %le3A_636, %select_n3A_634, %while3A_528 : vector<16xi1>, vector<16xf32>
        %select_n3A_640 = arith.select %le3A_636, %select_n3A_635, %while3A_529 : vector<16xi1>, vector<16xi32>
        %masked_sort3A_641 = arith.constant dense<true> : vector<16xi1>
        %masked_sort3A_642, %masked_sort3A_643, %masked_sort3A_644 = tpu.sort %select_n3A_637, %select_n3A_638 masked %masked_sort3A_641 : (vector<16xf32>, vector<16xi32>, vector<16xi1>) -> (vector<16xi1>, vector<16xf32>, vector<16xi32>)
        %masked_sort3A_645 = arith.constant dense<true> : vector<16xi1>
        %masked_sort3A_646, %masked_sort3A_647, %masked_sort3A_648 = tpu.sort %select_n3A_639, %select_n3A_640 masked %masked_sort3A_645 : (vector<16xf32>, vector<16xi32>, vector<16xi1>) -> (vector<16xi1>, vector<16xf32>, vector<16xi32>)
        %mul3A_649 = arith.constant 16 : i32
        %mul3A_650 = arith.muli %min3A_553, %mul3A_649 : i32
        %get3A_651 = arith.index_cast %mul3A_650 : i32 to index
        %get3A_652 = tpu.vector_load %arg15[%get3A_651] {strides = array<i32>} : memref<4160xi32, #tpu.memory_space<vmem>>, vector<16xi32>,
        %gather3A_653 = tpu.vector_load_idx %arg5[%get3A_652] : memref<4112xf32, #tpu.memory_space<vmem>>[vector<16xi32>], vector<16xf32>,
        %sub3A_654 = arith.subf %gather3A_653, %gather3A_108 : vector<16xf32>
        %gather3A_655 = tpu.vector_load_idx %arg6[%get3A_652] : memref<4112xf32, #tpu.memory_space<vmem>>[vector<16xi32>], vector<16xf32>,
        %sub3A_656 = arith.subf %gather3A_655, %gather3A_109 : vector<16xf32>
        %gather3A_657 = tpu.vector_load_idx %arg7[%get3A_652] : memref<4112xf32, #tpu.memory_space<vmem>>[vector<16xi32>], vector<16xf32>,
        %sub3A_658 = arith.subf %gather3A_657, %gather3A_110 : vector<16xf32>
        %mul3A_659 = arith.mulf %sub3A_654, %sub3A_654 : vector<16xf32>
        %mul3A_660 = arith.mulf %sub3A_656, %sub3A_656 : vector<16xf32>
        %add3A_661 = arith.addf %mul3A_659, %mul3A_660 : vector<16xf32>
        %mul3A_662 = arith.mulf %sub3A_658, %sub3A_658 : vector<16xf32>
        %add3A_663 = arith.addf %add3A_661, %mul3A_662 : vector<16xf32>
        %masked_sort3A_664 = arith.constant dense<true> : vector<16xi1>
        %masked_sort3A_665, %masked_sort3A_666, %masked_sort3A_667 = tpu.sort %add3A_663, %get3A_652 masked %masked_sort3A_664 : (vector<16xf32>, vector<16xi32>, vector<16xi1>) -> (vector<16xi1>, vector<16xf32>, vector<16xi32>)
        %rev3A_668 = arith.constant 15 : i32
        %rev3A_669 = vector.broadcast %rev3A_668 : i32 to vector<16xi32>
        %rev3A_670 = tpu.iota {dimensions = array<i32: 0>} : vector<16xi32>
        %rev3A_671 = arith.subi %rev3A_669, %rev3A_670 : vector<16xi32>
        %rev3A_672 = tpu.dynamic_gather %masked_sort3A_666[%rev3A_671] in [0] : vector<16xf32>, vector<16xi32> -> vector<16xf32>
        %rev3A_673 = arith.constant 15 : i32
        %rev3A_674 = vector.broadcast %rev3A_673 : i32 to vector<16xi32>
        %rev3A_675 = tpu.iota {dimensions = array<i32: 0>} : vector<16xi32>
        %rev3A_676 = arith.subi %rev3A_674, %rev3A_675 : vector<16xi32>
        %rev3A_677 = tpu.dynamic_gather %masked_sort3A_667[%rev3A_676] in [0] : vector<16xi32>, vector<16xi32> -> vector<16xi32>
        %le3A_678 = arith.cmpf ole, %while3A_534, %rev3A_672 : vector<16xf32>
        %select_n3A_679 = arith.select %le3A_678, %while3A_534, %rev3A_672 : vector<16xi1>, vector<16xf32>
        %select_n3A_680 = arith.select %le3A_678, %while3A_535, %rev3A_677 : vector<16xi1>, vector<16xi32>
        %le3A_681 = arith.cmpf ole, %while3A_532, %select_n3A_679 : vector<16xf32>
        %select_n3A_682 = arith.select %le3A_681, %while3A_532, %select_n3A_679 : vector<16xi1>, vector<16xf32>
        %select_n3A_683 = arith.select %le3A_681, %while3A_533, %select_n3A_680 : vector<16xi1>, vector<16xi32>
        %select_n3A_684 = arith.select %le3A_681, %select_n3A_679, %while3A_532 : vector<16xi1>, vector<16xf32>
        %select_n3A_685 = arith.select %le3A_681, %select_n3A_680, %while3A_533 : vector<16xi1>, vector<16xi32>
        %masked_sort3A_686 = arith.constant dense<true> : vector<16xi1>
        %masked_sort3A_687, %masked_sort3A_688, %masked_sort3A_689 = tpu.sort %select_n3A_682, %select_n3A_683 masked %masked_sort3A_686 : (vector<16xf32>, vector<16xi32>, vector<16xi1>) -> (vector<16xi1>, vector<16xf32>, vector<16xi32>)
        %masked_sort3A_690 = arith.constant dense<true> : vector<16xi1>
        %masked_sort3A_691, %masked_sort3A_692, %masked_sort3A_693 = tpu.sort %select_n3A_684, %select_n3A_685 masked %masked_sort3A_690 : (vector<16xf32>, vector<16xi32>, vector<16xi1>) -> (vector<16xi1>, vector<16xf32>, vector<16xi32>)
        %mul3A_694 = arith.constant 16 : i32
        %mul3A_695 = arith.muli %min3A_558, %mul3A_694 : i32
        %get3A_696 = arith.index_cast %mul3A_695 : i32 to index
        %get3A_697 = tpu.vector_load %arg15[%get3A_696] {strides = array<i32>} : memref<4160xi32, #tpu.memory_space<vmem>>, vector<16xi32>,
        %gather3A_698 = tpu.vector_load_idx %arg5[%get3A_697] : memref<4112xf32, #tpu.memory_space<vmem>>[vector<16xi32>], vector<16xf32>,
        %sub3A_699 = arith.subf %gather3A_698, %gather3A_108 : vector<16xf32>
        %gather3A_700 = tpu.vector_load_idx %arg6[%get3A_697] : memref<4112xf32, #tpu.memory_space<vmem>>[vector<16xi32>], vector<16xf32>,
        %sub3A_701 = arith.subf %gather3A_700, %gather3A_109 : vector<16xf32>
        %gather3A_702 = tpu.vector_load_idx %arg7[%get3A_697] : memref<4112xf32, #tpu.memory_space<vmem>>[vector<16xi32>], vector<16xf32>,
        %sub3A_703 = arith.subf %gather3A_702, %gather3A_110 : vector<16xf32>
        %mul3A_704 = arith.mulf %sub3A_699, %sub3A_699 : vector<16xf32>
        %mul3A_705 = arith.mulf %sub3A_701, %sub3A_701 : vector<16xf32>
        %add3A_706 = arith.addf %mul3A_704, %mul3A_705 : vector<16xf32>
        %mul3A_707 = arith.mulf %sub3A_703, %sub3A_703 : vector<16xf32>
        %add3A_708 = arith.addf %add3A_706, %mul3A_707 : vector<16xf32>
        %masked_sort3A_709 = arith.constant dense<true> : vector<16xi1>
        %masked_sort3A_710, %masked_sort3A_711, %masked_sort3A_712 = tpu.sort %add3A_708, %get3A_697 masked %masked_sort3A_709 : (vector<16xf32>, vector<16xi32>, vector<16xi1>) -> (vector<16xi1>, vector<16xf32>, vector<16xi32>)
        %rev3A_713 = arith.constant 15 : i32
        %rev3A_714 = vector.broadcast %rev3A_713 : i32 to vector<16xi32>
        %rev3A_715 = tpu.iota {dimensions = array<i32: 0>} : vector<16xi32>
        %rev3A_716 = arith.subi %rev3A_714, %rev3A_715 : vector<16xi32>
        %rev3A_717 = tpu.dynamic_gather %masked_sort3A_711[%rev3A_716] in [0] : vector<16xf32>, vector<16xi32> -> vector<16xf32>
        %rev3A_718 = arith.constant 15 : i32
        %rev3A_719 = vector.broadcast %rev3A_718 : i32 to vector<16xi32>
        %rev3A_720 = tpu.iota {dimensions = array<i32: 0>} : vector<16xi32>
        %rev3A_721 = arith.subi %rev3A_719, %rev3A_720 : vector<16xi32>
        %rev3A_722 = tpu.dynamic_gather %masked_sort3A_712[%rev3A_721] in [0] : vector<16xi32>, vector<16xi32> -> vector<16xi32>
        %le3A_723 = arith.cmpf ole, %while3A_538, %rev3A_717 : vector<16xf32>
        %select_n3A_724 = arith.select %le3A_723, %while3A_538, %rev3A_717 : vector<16xi1>, vector<16xf32>
        %select_n3A_725 = arith.select %le3A_723, %while3A_539, %rev3A_722 : vector<16xi1>, vector<16xi32>
        %le3A_726 = arith.cmpf ole, %while3A_536, %select_n3A_724 : vector<16xf32>
        %select_n3A_727 = arith.select %le3A_726, %while3A_536, %select_n3A_724 : vector<16xi1>, vector<16xf32>
        %select_n3A_728 = arith.select %le3A_726, %while3A_537, %select_n3A_725 : vector<16xi1>, vector<16xi32>
        %select_n3A_729 = arith.select %le3A_726, %select_n3A_724, %while3A_536 : vector<16xi1>, vector<16xf32>
        %select_n3A_730 = arith.select %le3A_726, %select_n3A_725, %while3A_537 : vector<16xi1>, vector<16xi32>
        %masked_sort3A_731 = arith.constant dense<true> : vector<16xi1>
        %masked_sort3A_732, %masked_sort3A_733, %masked_sort3A_734 = tpu.sort %select_n3A_727, %select_n3A_728 masked %masked_sort3A_731 : (vector<16xf32>, vector<16xi32>, vector<16xi1>) -> (vector<16xi1>, vector<16xf32>, vector<16xi32>)
        %masked_sort3A_735 = arith.constant dense<true> : vector<16xi1>
        %masked_sort3A_736, %masked_sort3A_737, %masked_sort3A_738 = tpu.sort %select_n3A_729, %select_n3A_730 masked %masked_sort3A_735 : (vector<16xf32>, vector<16xi32>, vector<16xi1>) -> (vector<16xi1>, vector<16xf32>, vector<16xi32>)
        scf.yield %masked_sort3A_598, %masked_sort3A_599, %masked_sort3A_602, %masked_sort3A_603, %masked_sort3A_643, %masked_sort3A_644, %masked_sort3A_647, %masked_sort3A_648, %masked_sort3A_688, %masked_sort3A_689, %masked_sort3A_692, %masked_sort3A_693, %masked_sort3A_733, %masked_sort3A_734, %masked_sort3A_737, %masked_sort3A_738 : vector<16xf32>, vector<16xi32>, vector<16xf32>, vector<16xi32>, vector<16xf32>, vector<16xi32>, vector<16xf32>, vector<16xi32>, vector<16xf32>, vector<16xi32>, vector<16xf32>, vector<16xi32>, vector<16xf32>, vector<16xi32>, vector<16xf32>, vector<16xi32>
      }
      %while3A_418 = arith.constant 1 : i32
      %while3A_419:16 = scf.for %while3A_523 = %while3A_415 to %while3A_411 step %while3A_418 iter_args(%while3A_524 = %while3A_417#0, %while3A_525 = %while3A_417#1, %while3A_526 = %while3A_417#2, %while3A_527 = %while3A_417#3, %while3A_528 = %while3A_417#4, %while3A_529 = %while3A_417#5, %while3A_530 = %while3A_417#6, %while3A_531 = %while3A_417#7, %while3A_532 = %while3A_417#8, %while3A_533 = %while3A_417#9, %while3A_534 = %while3A_417#10, %while3A_535 = %while3A_417#11, %while3A_536 = %while3A_417#12, %while3A_537 = %while3A_417#13, %while3A_538 = %while3A_417#14, %while3A_539 = %while3A_417#15) -> (vector<16xf32>, vector<16xi32>, vector<16xf32>, vector<16xi32>, vector<16xf32>, vector<16xi32>, vector<16xf32>, vector<16xi32>, vector<16xf32>, vector<16xi32>, vector<16xf32>, vector<16xi32>, vector<16xf32>, vector<16xi32>, vector<16xf32>, vector<16xi32>)  : i32 {
        %mul3A_540 = arith.constant 2 : i32
        %mul3A_541 = arith.muli %mul3A_540, %while3A_523 : i32
        %add3A_542 = arith.constant 2 : i32
        %add3A_543 = arith.addi %add3A_542, %mul3A_541 : i32
        %min3A = arith.minsi %add3A_543, %select_n3A_220 : i32
        %mul3A_544 = arith.constant 2 : i32
        %mul3A_545 = arith.muli %mul3A_544, %while3A_523 : i32
        %add3A_546 = arith.constant 3 : i32
        %add3A_547 = arith.addi %add3A_546, %mul3A_545 : i32
        %min3A_548 = arith.minsi %add3A_547, %select_n3A_220 : i32
        %mul3A_549 = arith.constant 2 : i32
        %mul3A_550 = arith.muli %mul3A_549, %while3A_523 : i32
        %add3A_551 = arith.constant 2 : i32
        %add3A_552 = arith.addi %add3A_551, %mul3A_550 : i32
        %min3A_553 = arith.minsi %add3A_552, %select_n3A_246 : i32
        %mul3A_554 = arith.constant 2 : i32
        %mul3A_555 = arith.muli %mul3A_554, %while3A_523 : i32
        %add3A_556 = arith.constant 3 : i32
        %add3A_557 = arith.addi %add3A_556, %mul3A_555 : i32
        %min3A_558 = arith.minsi %add3A_557, %select_n3A_246 : i32
        %mul3A_559 = arith.constant 16 : i32
        %mul3A_560 = arith.muli %min3A, %mul3A_559 : i32
        %get3A_561 = arith.index_cast %mul3A_560 : i32 to index
        %get3A_562 = tpu.vector_load %arg14[%get3A_561] {strides = array<i32>} : memref<4160xi32, #tpu.memory_space<vmem>>, vector<16xi32>,
        %gather3A_563 = tpu.vector_load_idx %arg5[%get3A_562] : memref<4112xf32, #tpu.memory_space<vmem>>[vector<16xi32>], vector<16xf32>,
        %sub3A_564 = arith.subf %gather3A_563, %gather3A : vector<16xf32>
        %gather3A_565 = tpu.vector_load_idx %arg6[%get3A_562] : memref<4112xf32, #tpu.memory_space<vmem>>[vector<16xi32>], vector<16xf32>,
        %sub3A_566 = arith.subf %gather3A_565, %gather3A_106 : vector<16xf32>
        %gather3A_567 = tpu.vector_load_idx %arg7[%get3A_562] : memref<4112xf32, #tpu.memory_space<vmem>>[vector<16xi32>], vector<16xf32>,
        %sub3A_568 = arith.subf %gather3A_567, %gather3A_107 : vector<16xf32>
        %mul3A_569 = arith.mulf %sub3A_564, %sub3A_564 : vector<16xf32>
        %mul3A_570 = arith.mulf %sub3A_566, %sub3A_566 : vector<16xf32>
        %add3A_571 = arith.addf %mul3A_569, %mul3A_570 : vector<16xf32>
        %mul3A_572 = arith.mulf %sub3A_568, %sub3A_568 : vector<16xf32>
        %add3A_573 = arith.addf %add3A_571, %mul3A_572 : vector<16xf32>
        %masked_sort3A_574 = arith.constant dense<true> : vector<16xi1>
        %masked_sort3A_575, %masked_sort3A_576, %masked_sort3A_577 = tpu.sort %add3A_573, %get3A_562 masked %masked_sort3A_574 : (vector<16xf32>, vector<16xi32>, vector<16xi1>) -> (vector<16xi1>, vector<16xf32>, vector<16xi32>)
        %rev3A_578 = arith.constant 15 : i32
        %rev3A_579 = vector.broadcast %rev3A_578 : i32 to vector<16xi32>
        %rev3A_580 = tpu.iota {dimensions = array<i32: 0>} : vector<16xi32>
        %rev3A_581 = arith.subi %rev3A_579, %rev3A_580 : vector<16xi32>
        %rev3A_582 = tpu.dynamic_gather %masked_sort3A_576[%rev3A_581] in [0] : vector<16xf32>, vector<16xi32> -> vector<16xf32>
        %rev3A_583 = arith.constant 15 : i32
        %rev3A_584 = vector.broadcast %rev3A_583 : i32 to vector<16xi32>
        %rev3A_585 = tpu.iota {dimensions = array<i32: 0>} : vector<16xi32>
        %rev3A_586 = arith.subi %rev3A_584, %rev3A_585 : vector<16xi32>
        %rev3A_587 = tpu.dynamic_gather %masked_sort3A_577[%rev3A_586] in [0] : vector<16xi32>, vector<16xi32> -> vector<16xi32>
        %le3A_588 = arith.cmpf ole, %while3A_526, %rev3A_582 : vector<16xf32>
        %select_n3A_589 = arith.select %le3A_588, %while3A_526, %rev3A_582 : vector<16xi1>, vector<16xf32>
        %select_n3A_590 = arith.select %le3A_588, %while3A_527, %rev3A_587 : vector<16xi1>, vector<16xi32>
        %le3A_591 = arith.cmpf ole, %while3A_524, %select_n3A_589 : vector<16xf32>
        %select_n3A_592 = arith.select %le3A_591, %while3A_524, %select_n3A_589 : vector<16xi1>, vector<16xf32>
        %select_n3A_593 = arith.select %le3A_591, %while3A_525, %select_n3A_590 : vector<16xi1>, vector<16xi32>
        %select_n3A_594 = arith.select %le3A_591, %select_n3A_589, %while3A_524 : vector<16xi1>, vector<16xf32>
        %select_n3A_595 = arith.select %le3A_591, %select_n3A_590, %while3A_525 : vector<16xi1>, vector<16xi32>
        %masked_sort3A_596 = arith.constant dense<true> : vector<16xi1>
        %masked_sort3A_597, %masked_sort3A_598, %masked_sort3A_599 = tpu.sort %select_n3A_592, %select_n3A_593 masked %masked_sort3A_596 : (vector<16xf32>, vector<16xi32>, vector<16xi1>) -> (vector<16xi1>, vector<16xf32>, vector<16xi32>)
        %masked_sort3A_600 = arith.constant dense<true> : vector<16xi1>
        %masked_sort3A_601, %masked_sort3A_602, %masked_sort3A_603 = tpu.sort %select_n3A_594, %select_n3A_595 masked %masked_sort3A_600 : (vector<16xf32>, vector<16xi32>, vector<16xi1>) -> (vector<16xi1>, vector<16xf32>, vector<16xi32>)
        %mul3A_604 = arith.constant 16 : i32
        %mul3A_605 = arith.muli %min3A_548, %mul3A_604 : i32
        %get3A_606 = arith.index_cast %mul3A_605 : i32 to index
        %get3A_607 = tpu.vector_load %arg14[%get3A_606] {strides = array<i32>} : memref<4160xi32, #tpu.memory_space<vmem>>, vector<16xi32>,
        %gather3A_608 = tpu.vector_load_idx %arg5[%get3A_607] : memref<4112xf32, #tpu.memory_space<vmem>>[vector<16xi32>], vector<16xf32>,
        %sub3A_609 = arith.subf %gather3A_608, %gather3A : vector<16xf32>
        %gather3A_610 = tpu.vector_load_idx %arg6[%get3A_607] : memref<4112xf32, #tpu.memory_space<vmem>>[vector<16xi32>], vector<16xf32>,
        %sub3A_611 = arith.subf %gather3A_610, %gather3A_106 : vector<16xf32>
        %gather3A_612 = tpu.vector_load_idx %arg7[%get3A_607] : memref<4112xf32, #tpu.memory_space<vmem>>[vector<16xi32>], vector<16xf32>,
        %sub3A_613 = arith.subf %gather3A_612, %gather3A_107 : vector<16xf32>
        %mul3A_614 = arith.mulf %sub3A_609, %sub3A_609 : vector<16xf32>
        %mul3A_615 = arith.mulf %sub3A_611, %sub3A_611 : vector<16xf32>
        %add3A_616 = arith.addf %mul3A_614, %mul3A_615 : vector<16xf32>
        %mul3A_617 = arith.mulf %sub3A_613, %sub3A_613 : vector<16xf32>
        %add3A_618 = arith.addf %add3A_616, %mul3A_617 : vector<16xf32>
        %masked_sort3A_619 = arith.constant dense<true> : vector<16xi1>
        %masked_sort3A_620, %masked_sort3A_621, %masked_sort3A_622 = tpu.sort %add3A_618, %get3A_607 masked %masked_sort3A_619 : (vector<16xf32>, vector<16xi32>, vector<16xi1>) -> (vector<16xi1>, vector<16xf32>, vector<16xi32>)
        %rev3A_623 = arith.constant 15 : i32
        %rev3A_624 = vector.broadcast %rev3A_623 : i32 to vector<16xi32>
        %rev3A_625 = tpu.iota {dimensions = array<i32: 0>} : vector<16xi32>
        %rev3A_626 = arith.subi %rev3A_624, %rev3A_625 : vector<16xi32>
        %rev3A_627 = tpu.dynamic_gather %masked_sort3A_621[%rev3A_626] in [0] : vector<16xf32>, vector<16xi32> -> vector<16xf32>
        %rev3A_628 = arith.constant 15 : i32
        %rev3A_629 = vector.broadcast %rev3A_628 : i32 to vector<16xi32>
        %rev3A_630 = tpu.iota {dimensions = array<i32: 0>} : vector<16xi32>
        %rev3A_631 = arith.subi %rev3A_629, %rev3A_630 : vector<16xi32>
        %rev3A_632 = tpu.dynamic_gather %masked_sort3A_622[%rev3A_631] in [0] : vector<16xi32>, vector<16xi32> -> vector<16xi32>
        %le3A_633 = arith.cmpf ole, %while3A_530, %rev3A_627 : vector<16xf32>
        %select_n3A_634 = arith.select %le3A_633, %while3A_530, %rev3A_627 : vector<16xi1>, vector<16xf32>
        %select_n3A_635 = arith.select %le3A_633, %while3A_531, %rev3A_632 : vector<16xi1>, vector<16xi32>
        %le3A_636 = arith.cmpf ole, %while3A_528, %select_n3A_634 : vector<16xf32>
        %select_n3A_637 = arith.select %le3A_636, %while3A_528, %select_n3A_634 : vector<16xi1>, vector<16xf32>
        %select_n3A_638 = arith.select %le3A_636, %while3A_529, %select_n3A_635 : vector<16xi1>, vector<16xi32>
        %select_n3A_639 = arith.select %le3A_636, %select_n3A_634, %while3A_528 : vector<16xi1>, vector<16xf32>
        %select_n3A_640 = arith.select %le3A_636, %select_n3A_635, %while3A_529 : vector<16xi1>, vector<16xi32>
        %masked_sort3A_641 = arith.constant dense<true> : vector<16xi1>
        %masked_sort3A_642, %masked_sort3A_643, %masked_sort3A_644 = tpu.sort %select_n3A_637, %select_n3A_638 masked %masked_sort3A_641 : (vector<16xf32>, vector<16xi32>, vector<16xi1>) -> (vector<16xi1>, vector<16xf32>, vector<16xi32>)
        %masked_sort3A_645 = arith.constant dense<true> : vector<16xi1>
        %masked_sort3A_646, %masked_sort3A_647, %masked_sort3A_648 = tpu.sort %select_n3A_639, %select_n3A_640 masked %masked_sort3A_645 : (vector<16xf32>, vector<16xi32>, vector<16xi1>) -> (vector<16xi1>, vector<16xf32>, vector<16xi32>)
        %mul3A_649 = arith.constant 16 : i32
        %mul3A_650 = arith.muli %min3A_553, %mul3A_649 : i32
        %get3A_651 = arith.index_cast %mul3A_650 : i32 to index
        %get3A_652 = tpu.vector_load %arg15[%get3A_651] {strides = array<i32>} : memref<4160xi32, #tpu.memory_space<vmem>>, vector<16xi32>,
        %gather3A_653 = tpu.vector_load_idx %arg5[%get3A_652] : memref<4112xf32, #tpu.memory_space<vmem>>[vector<16xi32>], vector<16xf32>,
        %sub3A_654 = arith.subf %gather3A_653, %gather3A_108 : vector<16xf32>
        %gather3A_655 = tpu.vector_load_idx %arg6[%get3A_652] : memref<4112xf32, #tpu.memory_space<vmem>>[vector<16xi32>], vector<16xf32>,
        %sub3A_656 = arith.subf %gather3A_655, %gather3A_109 : vector<16xf32>
        %gather3A_657 = tpu.vector_load_idx %arg7[%get3A_652] : memref<4112xf32, #tpu.memory_space<vmem>>[vector<16xi32>], vector<16xf32>,
        %sub3A_658 = arith.subf %gather3A_657, %gather3A_110 : vector<16xf32>
        %mul3A_659 = arith.mulf %sub3A_654, %sub3A_654 : vector<16xf32>
        %mul3A_660 = arith.mulf %sub3A_656, %sub3A_656 : vector<16xf32>
        %add3A_661 = arith.addf %mul3A_659, %mul3A_660 : vector<16xf32>
        %mul3A_662 = arith.mulf %sub3A_658, %sub3A_658 : vector<16xf32>
        %add3A_663 = arith.addf %add3A_661, %mul3A_662 : vector<16xf32>
        %masked_sort3A_664 = arith.constant dense<true> : vector<16xi1>
        %masked_sort3A_665, %masked_sort3A_666, %masked_sort3A_667 = tpu.sort %add3A_663, %get3A_652 masked %masked_sort3A_664 : (vector<16xf32>, vector<16xi32>, vector<16xi1>) -> (vector<16xi1>, vector<16xf32>, vector<16xi32>)
        %rev3A_668 = arith.constant 15 : i32
        %rev3A_669 = vector.broadcast %rev3A_668 : i32 to vector<16xi32>
        %rev3A_670 = tpu.iota {dimensions = array<i32: 0>} : vector<16xi32>
        %rev3A_671 = arith.subi %rev3A_669, %rev3A_670 : vector<16xi32>
        %rev3A_672 = tpu.dynamic_gather %masked_sort3A_666[%rev3A_671] in [0] : vector<16xf32>, vector<16xi32> -> vector<16xf32>
        %rev3A_673 = arith.constant 15 : i32
        %rev3A_674 = vector.broadcast %rev3A_673 : i32 to vector<16xi32>
        %rev3A_675 = tpu.iota {dimensions = array<i32: 0>} : vector<16xi32>
        %rev3A_676 = arith.subi %rev3A_674, %rev3A_675 : vector<16xi32>
        %rev3A_677 = tpu.dynamic_gather %masked_sort3A_667[%rev3A_676] in [0] : vector<16xi32>, vector<16xi32> -> vector<16xi32>
        %le3A_678 = arith.cmpf ole, %while3A_534, %rev3A_672 : vector<16xf32>
        %select_n3A_679 = arith.select %le3A_678, %while3A_534, %rev3A_672 : vector<16xi1>, vector<16xf32>
        %select_n3A_680 = arith.select %le3A_678, %while3A_535, %rev3A_677 : vector<16xi1>, vector<16xi32>
        %le3A_681 = arith.cmpf ole, %while3A_532, %select_n3A_679 : vector<16xf32>
        %select_n3A_682 = arith.select %le3A_681, %while3A_532, %select_n3A_679 : vector<16xi1>, vector<16xf32>
        %select_n3A_683 = arith.select %le3A_681, %while3A_533, %select_n3A_680 : vector<16xi1>, vector<16xi32>
        %select_n3A_684 = arith.select %le3A_681, %select_n3A_679, %while3A_532 : vector<16xi1>, vector<16xf32>
        %select_n3A_685 = arith.select %le3A_681, %select_n3A_680, %while3A_533 : vector<16xi1>, vector<16xi32>
        %masked_sort3A_686 = arith.constant dense<true> : vector<16xi1>
        %masked_sort3A_687, %masked_sort3A_688, %masked_sort3A_689 = tpu.sort %select_n3A_682, %select_n3A_683 masked %masked_sort3A_686 : (vector<16xf32>, vector<16xi32>, vector<16xi1>) -> (vector<16xi1>, vector<16xf32>, vector<16xi32>)
        %masked_sort3A_690 = arith.constant dense<true> : vector<16xi1>
        %masked_sort3A_691, %masked_sort3A_692, %masked_sort3A_693 = tpu.sort %select_n3A_684, %select_n3A_685 masked %masked_sort3A_690 : (vector<16xf32>, vector<16xi32>, vector<16xi1>) -> (vector<16xi1>, vector<16xf32>, vector<16xi32>)
        %mul3A_694 = arith.constant 16 : i32
        %mul3A_695 = arith.muli %min3A_558, %mul3A_694 : i32
        %get3A_696 = arith.index_cast %mul3A_695 : i32 to index
        %get3A_697 = tpu.vector_load %arg15[%get3A_696] {strides = array<i32>} : memref<4160xi32, #tpu.memory_space<vmem>>, vector<16xi32>,
        %gather3A_698 = tpu.vector_load_idx %arg5[%get3A_697] : memref<4112xf32, #tpu.memory_space<vmem>>[vector<16xi32>], vector<16xf32>,
        %sub3A_699 = arith.subf %gather3A_698, %gather3A_108 : vector<16xf32>
        %gather3A_700 = tpu.vector_load_idx %arg6[%get3A_697] : memref<4112xf32, #tpu.memory_space<vmem>>[vector<16xi32>], vector<16xf32>,
        %sub3A_701 = arith.subf %gather3A_700, %gather3A_109 : vector<16xf32>
        %gather3A_702 = tpu.vector_load_idx %arg7[%get3A_697] : memref<4112xf32, #tpu.memory_space<vmem>>[vector<16xi32>], vector<16xf32>,
        %sub3A_703 = arith.subf %gather3A_702, %gather3A_110 : vector<16xf32>
        %mul3A_704 = arith.mulf %sub3A_699, %sub3A_699 : vector<16xf32>
        %mul3A_705 = arith.mulf %sub3A_701, %sub3A_701 : vector<16xf32>
        %add3A_706 = arith.addf %mul3A_704, %mul3A_705 : vector<16xf32>
        %mul3A_707 = arith.mulf %sub3A_703, %sub3A_703 : vector<16xf32>
        %add3A_708 = arith.addf %add3A_706, %mul3A_707 : vector<16xf32>
        %masked_sort3A_709 = arith.constant dense<true> : vector<16xi1>
        %masked_sort3A_710, %masked_sort3A_711, %masked_sort3A_712 = tpu.sort %add3A_708, %get3A_697 masked %masked_sort3A_709 : (vector<16xf32>, vector<16xi32>, vector<16xi1>) -> (vector<16xi1>, vector<16xf32>, vector<16xi32>)
        %rev3A_713 = arith.constant 15 : i32
        %rev3A_714 = vector.broadcast %rev3A_713 : i32 to vector<16xi32>
        %rev3A_715 = tpu.iota {dimensions = array<i32: 0>} : vector<16xi32>
        %rev3A_716 = arith.subi %rev3A_714, %rev3A_715 : vector<16xi32>
        %rev3A_717 = tpu.dynamic_gather %masked_sort3A_711[%rev3A_716] in [0] : vector<16xf32>, vector<16xi32> -> vector<16xf32>
        %rev3A_718 = arith.constant 15 : i32
        %rev3A_719 = vector.broadcast %rev3A_718 : i32 to vector<16xi32>
        %rev3A_720 = tpu.iota {dimensions = array<i32: 0>} : vector<16xi32>
        %rev3A_721 = arith.subi %rev3A_719, %rev3A_720 : vector<16xi32>
        %rev3A_722 = tpu.dynamic_gather %masked_sort3A_712[%rev3A_721] in [0] : vector<16xi32>, vector<16xi32> -> vector<16xi32>
        %le3A_723 = arith.cmpf ole, %while3A_538, %rev3A_717 : vector<16xf32>
        %select_n3A_724 = arith.select %le3A_723, %while3A_538, %rev3A_717 : vector<16xi1>, vector<16xf32>
        %select_n3A_725 = arith.select %le3A_723, %while3A_539, %rev3A_722 : vector<16xi1>, vector<16xi32>
        %le3A_726 = arith.cmpf ole, %while3A_536, %select_n3A_724 : vector<16xf32>
        %select_n3A_727 = arith.select %le3A_726, %while3A_536, %select_n3A_724 : vector<16xi1>, vector<16xf32>
        %select_n3A_728 = arith.select %le3A_726, %while3A_537, %select_n3A_725 : vector<16xi1>, vector<16xi32>
        %select_n3A_729 = arith.select %le3A_726, %select_n3A_724, %while3A_536 : vector<16xi1>, vector<16xf32>
        %select_n3A_730 = arith.select %le3A_726, %select_n3A_725, %while3A_537 : vector<16xi1>, vector<16xi32>
        %masked_sort3A_731 = arith.constant dense<true> : vector<16xi1>
        %masked_sort3A_732, %masked_sort3A_733, %masked_sort3A_734 = tpu.sort %select_n3A_727, %select_n3A_728 masked %masked_sort3A_731 : (vector<16xf32>, vector<16xi32>, vector<16xi1>) -> (vector<16xi1>, vector<16xf32>, vector<16xi32>)
        %masked_sort3A_735 = arith.constant dense<true> : vector<16xi1>
        %masked_sort3A_736, %masked_sort3A_737, %masked_sort3A_738 = tpu.sort %select_n3A_729, %select_n3A_730 masked %masked_sort3A_735 : (vector<16xf32>, vector<16xi32>, vector<16xi1>) -> (vector<16xi1>, vector<16xf32>, vector<16xi32>)
        scf.yield %masked_sort3A_598, %masked_sort3A_599, %masked_sort3A_602, %masked_sort3A_603, %masked_sort3A_643, %masked_sort3A_644, %masked_sort3A_647, %masked_sort3A_648, %masked_sort3A_688, %masked_sort3A_689, %masked_sort3A_692, %masked_sort3A_693, %masked_sort3A_733, %masked_sort3A_734, %masked_sort3A_737, %masked_sort3A_738 : vector<16xf32>, vector<16xi32>, vector<16xf32>, vector<16xi32>, vector<16xf32>, vector<16xi32>, vector<16xf32>, vector<16xi32>, vector<16xf32>, vector<16xi32>, vector<16xf32>, vector<16xi32>, vector<16xf32>, vector<16xi32>, vector<16xf32>, vector<16xi32>
      }
      %rev3A_420 = arith.constant 15 : i32
      %rev3A_421 = vector.broadcast %rev3A_420 : i32 to vector<16xi32>
      %rev3A_422 = tpu.iota {dimensions = array<i32: 0>} : vector<16xi32>
      %rev3A_423 = arith.subi %rev3A_421, %rev3A_422 : vector<16xi32>
      %rev3A_424 = tpu.dynamic_gather %while3A_419#6[%rev3A_423] in [0] : vector<16xf32>, vector<16xi32> -> vector<16xf32>
      %rev3A_425 = arith.constant 15 : i32
      %rev3A_426 = vector.broadcast %rev3A_425 : i32 to vector<16xi32>
      %rev3A_427 = tpu.iota {dimensions = array<i32: 0>} : vector<16xi32>
      %rev3A_428 = arith.subi %rev3A_426, %rev3A_427 : vector<16xi32>
      %rev3A_429 = tpu.dynamic_gather %while3A_419#7[%rev3A_428] in [0] : vector<16xi32>, vector<16xi32> -> vector<16xi32>
      %rev3A_430 = arith.constant 15 : i32
      %rev3A_431 = vector.broadcast %rev3A_430 : i32 to vector<16xi32>
      %rev3A_432 = tpu.iota {dimensions = array<i32: 0>} : vector<16xi32>
      %rev3A_433 = arith.subi %rev3A_431, %rev3A_432 : vector<16xi32>
      %rev3A_434 = tpu.dynamic_gather %while3A_419#4[%rev3A_433] in [0] : vector<16xf32>, vector<16xi32> -> vector<16xf32>
      %rev3A_435 = arith.constant 15 : i32
      %rev3A_436 = vector.broadcast %rev3A_435 : i32 to vector<16xi32>
      %rev3A_437 = tpu.iota {dimensions = array<i32: 0>} : vector<16xi32>
      %rev3A_438 = arith.subi %rev3A_436, %rev3A_437 : vector<16xi32>
      %rev3A_439 = tpu.dynamic_gather %while3A_419#5[%rev3A_438] in [0] : vector<16xi32>, vector<16xi32> -> vector<16xi32>
      %le3A_440 = arith.cmpf ole, %while3A_419#0, %rev3A_424 : vector<16xf32>
      %select_n3A_441 = arith.select %le3A_440, %while3A_419#0, %rev3A_424 : vector<16xi1>, vector<16xf32>
      %select_n3A_442 = arith.select %le3A_440, %while3A_419#1, %rev3A_429 : vector<16xi1>, vector<16xi32>
      %le3A_443 = arith.cmpf ole, %while3A_419#2, %rev3A_434 : vector<16xf32>
      %select_n3A_444 = arith.select %le3A_443, %while3A_419#2, %rev3A_434 : vector<16xi1>, vector<16xf32>
      %select_n3A_445 = arith.select %le3A_443, %while3A_419#3, %rev3A_439 : vector<16xi1>, vector<16xi32>
      %le3A_446 = arith.cmpf ole, %select_n3A_441, %select_n3A_444 : vector<16xf32>
      %select_n3A_447 = arith.select %le3A_446, %select_n3A_441, %select_n3A_444 : vector<16xi1>, vector<16xf32>
      %select_n3A_448 = arith.select %le3A_446, %select_n3A_442, %select_n3A_445 : vector<16xi1>, vector<16xi32>
      %select_n3A_449 = arith.select %le3A_446, %select_n3A_444, %select_n3A_441 : vector<16xi1>, vector<16xf32>
      %select_n3A_450 = arith.select %le3A_446, %select_n3A_445, %select_n3A_442 : vector<16xi1>, vector<16xi32>
      %masked_sort3A_451 = arith.constant dense<true> : vector<16xi1>
      %masked_sort3A_452, %masked_sort3A_453, %masked_sort3A_454 = tpu.sort %select_n3A_447, %select_n3A_448 masked %masked_sort3A_451 : (vector<16xf32>, vector<16xi32>, vector<16xi1>) -> (vector<16xi1>, vector<16xf32>, vector<16xi32>)
      %masked_sort3A_455 = arith.constant dense<true> : vector<16xi1>
      %masked_sort3A_456, %masked_sort3A_457, %masked_sort3A_458 = tpu.sort %select_n3A_449, %select_n3A_450 masked %masked_sort3A_455 : (vector<16xf32>, vector<16xi32>, vector<16xi1>) -> (vector<16xi1>, vector<16xf32>, vector<16xi32>)
      %mul3A_459 = arith.constant 32 : i32
      %mul3A_460 = arith.muli %mul3A_101, %mul3A_459 : i32
      %swap3A_461 = arith.index_cast %mul3A_460 : i32 to index
      %swap3A_462 = tpu.vector_load %arg16[%swap3A_461] {strides = array<i32>} : memref<16384xi32, #tpu.memory_space<vmem>>, vector<16xi32>,
      tpu.vector_store %arg16[%swap3A_461], %masked_sort3A_454 {strides = array<i32>} : memref<16384xi32, #tpu.memory_space<vmem>>, vector<16xi32>,
      %mul3A_463 = arith.constant 32 : i32
      %mul3A_464 = arith.muli %mul3A_101, %mul3A_463 : i32
      %add3A_465 = arith.constant 16 : i32
      %add3A_466 = arith.addi %mul3A_464, %add3A_465 : i32
      %swap3A_467 = arith.index_cast %add3A_466 : i32 to index
      %swap3A_468 = tpu.vector_load %arg16[%swap3A_467] {strides = array<i32>} : memref<16384xi32, #tpu.memory_space<vmem>>, vector<16xi32>,
      tpu.vector_store %arg16[%swap3A_467], %masked_sort3A_458 {strides = array<i32>} : memref<16384xi32, #tpu.memory_space<vmem>>, vector<16xi32>,
      %rev3A_469 = arith.constant 15 : i32
      %rev3A_470 = vector.broadcast %rev3A_469 : i32 to vector<16xi32>
      %rev3A_471 = tpu.iota {dimensions = array<i32: 0>} : vector<16xi32>
      %rev3A_472 = arith.subi %rev3A_470, %rev3A_471 : vector<16xi32>
      %rev3A_473 = tpu.dynamic_gather %while3A_419#14[%rev3A_472] in [0] : vector<16xf32>, vector<16xi32> -> vector<16xf32>
      %rev3A_474 = arith.constant 15 : i32
      %rev3A_475 = vector.broadcast %rev3A_474 : i32 to vector<16xi32>
      %rev3A_476 = tpu.iota {dimensions = array<i32: 0>} : vector<16xi32>
      %rev3A_477 = arith.subi %rev3A_475, %rev3A_476 : vector<16xi32>
      %rev3A_478 = tpu.dynamic_gather %while3A_419#15[%rev3A_477] in [0] : vector<16xi32>, vector<16xi32> -> vector<16xi32>
      %rev3A_479 = arith.constant 15 : i32
      %rev3A_480 = vector.broadcast %rev3A_479 : i32 to vector<16xi32>
      %rev3A_481 = tpu.iota {dimensions = array<i32: 0>} : vector<16xi32>
      %rev3A_482 = arith.subi %rev3A_480, %rev3A_481 : vector<16xi32>
      %rev3A_483 = tpu.dynamic_gather %while3A_419#12[%rev3A_482] in [0] : vector<16xf32>, vector<16xi32> -> vector<16xf32>
      %rev3A_484 = arith.constant 15 : i32
      %rev3A_485 = vector.broadcast %rev3A_484 : i32 to vector<16xi32>
      %rev3A_486 = tpu.iota {dimensions = array<i32: 0>} : vector<16xi32>
      %rev3A_487 = arith.subi %rev3A_485, %rev3A_486 : vector<16xi32>
      %rev3A_488 = tpu.dynamic_gather %while3A_419#13[%rev3A_487] in [0] : vector<16xi32>, vector<16xi32> -> vector<16xi32>
      %le3A_489 = arith.cmpf ole, %while3A_419#8, %rev3A_473 : vector<16xf32>
      %select_n3A_490 = arith.select %le3A_489, %while3A_419#8, %rev3A_473 : vector<16xi1>, vector<16xf32>
      %select_n3A_491 = arith.select %le3A_489, %while3A_419#9, %rev3A_478 : vector<16xi1>, vector<16xi32>
      %le3A_492 = arith.cmpf ole, %while3A_419#10, %rev3A_483 : vector<16xf32>
      %select_n3A_493 = arith.select %le3A_492, %while3A_419#10, %rev3A_483 : vector<16xi1>, vector<16xf32>
      %select_n3A_494 = arith.select %le3A_492, %while3A_419#11, %rev3A_488 : vector<16xi1>, vector<16xi32>
      %le3A_495 = arith.cmpf ole, %select_n3A_490, %select_n3A_493 : vector<16xf32>
      %select_n3A_496 = arith.select %le3A_495, %select_n3A_490, %select_n3A_493 : vector<16xi1>, vector<16xf32>
      %select_n3A_497 = arith.select %le3A_495, %select_n3A_491, %select_n3A_494 : vector<16xi1>, vector<16xi32>
      %select_n3A_498 = arith.select %le3A_495, %select_n3A_493, %select_n3A_490 : vector<16xi1>, vector<16xf32>
      %select_n3A_499 = arith.select %le3A_495, %select_n3A_494, %select_n3A_491 : vector<16xi1>, vector<16xi32>
      %masked_sort3A_500 = arith.constant dense<true> : vector<16xi1>
      %masked_sort3A_501, %masked_sort3A_502, %masked_sort3A_503 = tpu.sort %select_n3A_496, %select_n3A_497 masked %masked_sort3A_500 : (vector<16xf32>, vector<16xi32>, vector<16xi1>) -> (vector<16xi1>, vector<16xf32>, vector<16xi32>)
      %masked_sort3A_504 = arith.constant dense<true> : vector<16xi1>
      %masked_sort3A_505, %masked_sort3A_506, %masked_sort3A_507 = tpu.sort %select_n3A_498, %select_n3A_499 masked %masked_sort3A_504 : (vector<16xf32>, vector<16xi32>, vector<16xi1>) -> (vector<16xi1>, vector<16xf32>, vector<16xi32>)
      %add3A_508 = arith.constant 1 : i32
      %add3A_509 = arith.addi %mul3A_101, %add3A_508 : i32
      %mul3A_510 = arith.constant 32 : i32
      %mul3A_511 = arith.muli %add3A_509, %mul3A_510 : i32
      %swap3A_512 = arith.index_cast %mul3A_511 : i32 to index
      %swap3A_513 = tpu.vector_load %arg16[%swap3A_512] {strides = array<i32>} : memref<16384xi32, #tpu.memory_space<vmem>>, vector<16xi32>,
      tpu.vector_store %arg16[%swap3A_512], %masked_sort3A_503 {strides = array<i32>} : memref<16384xi32, #tpu.memory_space<vmem>>, vector<16xi32>,
      %add3A_514 = arith.constant 1 : i32
      %add3A_515 = arith.addi %mul3A_101, %add3A_514 : i32
      %mul3A_516 = arith.constant 32 : i32
      %mul3A_517 = arith.muli %add3A_515, %mul3A_516 : i32
      %add3A_518 = arith.constant 16 : i32
      %add3A_519 = arith.addi %mul3A_517, %add3A_518 : i32
      %swap3A_520 = arith.index_cast %add3A_519 : i32 to index
      %swap3A_521 = tpu.vector_load %arg16[%swap3A_520] {strides = array<i32>} : memref<16384xi32, #tpu.memory_space<vmem>>, vector<16xi32>,
      tpu.vector_store %arg16[%swap3A_520], %masked_sort3A_507 {strides = array<i32>} : memref<16384xi32, #tpu.memory_space<vmem>>, vector<16xi32>,
      %scan3A_522 = arith.constant 0 : i32
      scf.yield %scan3A_522 : i32
    }
    %scan3A_92 = arith.constant 256 : i32
    %mul3A_93 = arith.constant 4096 : i32
    %mul3A_94 = arith.muli %select_n3A, %mul3A_93 : i32
    %add3A_95 = arith.addi %mul3A_94, %mul3A_32 : i32
    %mul3A_96 = arith.constant 32 : i32
    %mul3A_97 = arith.muli %add3A_95, %mul3A_96 : i32
    "tpu.region"() ({
      %run_scoped3A = tpu.sem_alloc : memref<!tpu.dma_semaphore, #tpu.memory_space<semaphore_mem>>
      %dma_start3A = tpu.memref_slice %arg4[%mul3A_97] : memref<524288xi32, #tpu.memory_space<hbm>> -> memref<16384xi32, #tpu.memory_space<hbm>>
      %dma_start3A_98 = tpu.memref_slice %arg4[%mul3A_97] : memref<524288xi32, #tpu.memory_space<hbm>> -> memref<16384xi32, #tpu.memory_space<hbm>>
      tpu.enqueue_dma source(%arg16 : memref<16384xi32, #tpu.memory_space<vmem>>) target(%dma_start3A_98 : memref<16384xi32, #tpu.memory_space<hbm>>) target_semaphore(%run_scoped3A : memref<!tpu.dma_semaphore, #tpu.memory_space<semaphore_mem>>)
      %dma_wait3A = tpu.memref_slice %arg4[%mul3A_97] : memref<524288xi32, #tpu.memory_space<hbm>> -> memref<16384xi32, #tpu.memory_space<hbm>>
      %dma_wait3A_99 = tpu.memref_slice %arg4[%mul3A_97] : memref<524288xi32, #tpu.memory_space<hbm>> -> memref<16384xi32, #tpu.memory_space<hbm>>
      tpu.wait_dma2 semaphore(%run_scoped3A : memref<!tpu.dma_semaphore, #tpu.memory_space<semaphore_mem>>) src(%arg16 : memref<16384xi32, #tpu.memory_space<vmem>>) dst(%dma_wait3A_99 : memref<16384xi32, #tpu.memory_space<hbm>>)
      tpu.yield
    }) : () -> ()
    return
  }
}

</mosaic_0001>

<sc_bundles>
// kernel: _knn_sc.3.cloned.1.call-start
scs
__scs_entry_jumppad:
0x0: {  	(pc) =	sbr.rel $0x88, $3  }
0x1: {  	(tag) =	ssettag $0x0;
	lr =	simm.s32 $0x1  }
0x2: {  	[smem:$0x3F9F] =	sst lr;
	_ =	strace $0xD0000000  }
0x3: {  	_ = 	snop  }
0x4: {  	_ = 	snop  }
0x5: {  	_ = 	snop  }
0x6: {  	_ = 	snop  }
0x7: {  	_ = 	snop  }
__scs_overlays_trampoline_lowered:
0x8: {  	[smem:$0x3FAE] =	sst s0  }
0x9: {  	[smem:$0x3FAF] =	sst s1  }
0xa: {  	[smem:$0x3FB0] =	sst s2  }
0xb: {  	[smem:$0x3FB1] =	sst s3  }
0xc: {  	[smem:$0x3FB2] =	sst s4  }
0xd: {  	[smem:$0x3FB3] =	sst s5  }
0xe: {  	[smem:$0x3FB4] =	sst s6  }
0xf: {  	[smem:$0x3FB5] =	sst s7  }
0x10: {  	[smem:$0x3FB6] =	sst s8  }
0x11: {  	[smem:$0x3FB7] =	sst s9;
	s0 =	simm.s32 @!p0 $0x0  }
0x12: {  	s1 =	sld [smem:$0x3F9D];
	s0 =	simm.s32 @p0 $0x1  }
0x13: {  	[smem:$0x3FB8] =	sst s0;
	s0 =	simm.s32 @!p1 $0x0  }
0x14: {  	s2 =	sld [smem:$0x3F9C];
	s0 =	simm.s32 @p1 $0x1  }
0x15: {  	[smem:$0x3FB9] =	sst s0;
	s0 =	simm.s32 @!p2 $0x0  }
0x16: {  	s3 =	sld [smem:$0x3FDB];
	s0 =	simm.s32 @p2 $0x1  }
0x17: {  	s4 =	simm.s32 $0x1BF5;
	[smem:$0x3FBB] =	sst s0  }
0x18: {  	s0 =	sld [smem:$0x3F9E];
	_ =	swait.ge [sflag:s4], $0x0  }
0x19: {  	s7 =	sld [smem:$0x3F9F]  }
0x1a: {  	s8 =	sadd.s32 $0xFFFFE003, lr  }
0x1b: {  	s9 =	sadd.s32 $0xFFFFFEF7, lr;
	s5 =	simm.s32 $0xFFFFFFFF;
	p2 =	slt.u32 s8, $0xFFFFF086  }
0x1c: {  	p1 =	slt.u32 s9, $0xF7A;
	s5 =	simm.s32 @!p2 $0x0  }
0x1d: {  	s5 =	simm.s32 @p1 $0x1;
	p0 =	seq.s32 s7, s2  }
0x1e: {  	s7 =	smul.u32 @!p0 $0xF7A, s2;
	p2 =	seq.s32 @!p0 s5, $0x0  }
0x1f: {  	s9 =	smul.u32 $0xF7A, s1;
	s8 =	simm.s32 @!p0 $0x1BF5;
	p2 =	por !p2, p0  }
0x20: {  	[sflag:s8] =	ssyncset.s32 @!p0 $0xFFFFF086;
	s6 =	sadd.s32 @!p0 s3, s7;
	s7 =	simm.s32 @!p0 $0x108  }
0x21: {  	s3 =	sadd.s32 s3, s9;
	s6 =	sadd.s32 @!p0 $0x88, s6;
	s7 =	simm.s32 @p2 $0x1082  }
0x22: {  	[simem:s7], [sflag:s8] =	dma.local @!p0 [hbm:s6], $0xF7A  }
0x23: {  	s9 =	sor.u32 $0xD0000000, s2;
	s6 =	simm.s32 $0x108;
	_ =	swait.ge @!p0 [sflag:s8], $0x0  }
0x24: {  	s3 =	sadd.s32 $0x88, s3;
	s6 =	simm.s32 @!p1 $0x1082;
	[sflag:s4] =	ssyncset.s32 $0xFFFFF086  }
0x25: {  	[simem:s6], [sflag:s4] =	dma.local [hbm:s3], $0xF7A  }
0x26: {  	[smem:$0x3F9F] =	sst s1;
	(tag) =	ssettag s2;
	_ =	strace s9  }
0x27: {  	s1 =	sld [smem:$0x3FAF]  }
0x28: {  	s2 =	sld [smem:$0x3FB0]  }
0x29: {  	s4 =	sld [smem:$0x3FB2]  }
0x2a: {  	p0 =	seq.s32 s5, $0x0;
	s5 =	sld [smem:$0x3FB3]  }
0x2b: {  	s6 =	sld [smem:$0x3FB4]  }
0x2c: {  	s7 =	sld [smem:$0x3FB5]  }
0x2d: {  	s3 =	simm.s32 $0x108;
	s8 =	sld [smem:$0x3FB6]  }
0x2e: {  	s3 =	simm.s32 @!p0 $0x1082;
	s9 =	sld [smem:$0x3FB7]  }
0x2f: {  	lr =	sadd.s32 s0, s3;
	s0 =	sld [smem:$0x3FAE]  }
0x30: {  	s3 =	sld [smem:$0x3FB1]  }
0x31: {  	[smem:$0x3FBA] =	sst s10  }
0x32: {  	s10 =	sld [smem:$0x3FB8];
	_ =	sdelay $0x3  }
0x33: {  	p0 =	seq.s32 s10, $0x1;
	s10 =	sld [smem:$0x3FBA];
	_ =	sdelay $0x3  }
0x34: {  	[smem:$0x3FBA] =	sst s10  }
0x35: {  	s10 =	sld [smem:$0x3FB9];
	_ =	sdelay $0x3  }
0x36: {  	p1 =	seq.s32 s10, $0x1;
	s10 =	sld [smem:$0x3FBA];
	_ =	sdelay $0x3  }
0x37: {  	[smem:$0x3FBA] =	sst s10  }
0x38: {  	s10 =	sld [smem:$0x3FBB]  }
0x39: {  	_ = 	snop;
	(pc) =	sbr.ind lr, $3  }
0x3a: {  	_ = 	snop  }
0x3b: {  	_ = 	snop  }
0x3c: {  	p2 =	seq.s32 s10, $0x1;
	s10 =	sld [smem:$0x3FBA]  }
0x3d: {  	_ =	shalt  }
0x3e: {  	_ =	shalt  }
0x3f: {  	_ =	shalt  }
0x40: {  	_ =	shalt  }
0x41: {  	_ =	shalt  }
0x42: {  	_ =	shalt  }
0x43: {  	_ =	shalt  }
0x44: {  	_ =	shalt  }
0x45: {  	_ =	shalt  }
0x46: {  	_ =	shalt  }
0x47: {  	_ =	shalt  }
0x48: {  	_ =	shalt  }
0x49: {  	_ =	shalt  }
0x4a: {  	_ =	shalt  }
0x4b: {  	_ =	shalt  }
0x4c: {  	_ =	shalt  }
0x4d: {  	_ =	shalt  }
0x4e: {  	_ =	shalt  }
0x4f: {  	_ =	shalt  }
0x50: {  	_ =	shalt  }
0x51: {  	_ =	shalt  }
0x52: {  	_ =	shalt  }
0x53: {  	_ =	shalt  }
0x54: {  	_ =	shalt  }
0x55: {  	_ =	shalt  }
0x56: {  	_ =	shalt  }
0x57: {  	_ =	shalt  }
0x58: {  	_ =	shalt  }
0x59: {  	_ =	shalt  }
0x5a: {  	_ =	shalt  }
0x5b: {  	_ =	shalt  }
0x5c: {  	_ =	shalt  }
0x5d: {  	_ =	shalt  }
0x5e: {  	_ =	shalt  }
0x5f: {  	_ =	shalt  }
0x60: {  	_ =	shalt  }
0x61: {  	_ =	shalt  }
0x62: {  	_ =	shalt  }
0x63: {  	_ =	shalt  }
0x64: {  	_ =	shalt  }
0x65: {  	_ =	shalt  }
0x66: {  	_ =	shalt  }
0x67: {  	_ =	shalt  }
0x68: {  	_ =	shalt  }
0x69: {  	_ =	shalt  }
0x6a: {  	_ =	shalt  }
0x6b: {  	_ =	shalt  }
0x6c: {  	_ =	shalt  }
0x6d: {  	_ =	shalt  }
0x6e: {  	_ =	shalt  }
0x6f: {  	_ =	shalt  }
0x70: {  	_ =	shalt  }
0x71: {  	_ =	shalt  }
0x72: {  	_ =	shalt  }
0x73: {  	_ =	shalt  }
0x74: {  	_ =	shalt  }
0x75: {  	_ =	shalt  }
0x76: {  	_ =	shalt  }
0x77: {  	_ =	shalt  }
0x78: {  	_ =	shalt  }
0x79: {  	_ =	shalt  }
0x7a: {  	_ =	shalt  }
0x7b: {  	_ =	shalt  }
0x7c: {  	_ =	shalt  }
0x7d: {  	_ =	shalt  }
0x7e: {  	_ =	shalt  }
0x7f: {  	_ =	shalt  }
0x80: {  	_ =	shalt  }
0x81: {  	_ =	shalt  }
0x82: {  	_ =	shalt  }
0x83: {  	_ =	shalt  }
0x84: {  	_ =	shalt  }
0x85: {  	_ =	shalt  }
0x86: {  	_ =	shalt  }
0x87: {  	_ =	shalt  }
.Lfunc_end0:
.L_simem_size_0:
called_computation_lowered:
.L_overlay_start_0:
0x88: {  	s2 =	sld [smem:$0x3FD9]  }
0x89: {  	s3 =	sld [smem:$0x3FFE];
	_ =	sdelay $0x1  }
0x8a: {  	s1 =	srdreg.scid  }
0x8b: {  	s0 =	sand.u32 $0x1, s1  }
0x8c: {  	s18 =	sshll.u32 s0, $0xA;
	s2 =	sadd.s32 s3, s2  }
0x8d: {  	s2 =	sadd.s32 s2, s18  }
0x8e: {  	[smem:$0x3FC6] =	sst s2  }
0x8f: {  	_ = 	snop  }
0x90: {  	s2 =	sld [smem:$0x3FC9]  }
0x91: {  	s19 =	sld [smem:$0x3FC8]  }
0x92: {  	s4 =	sld [smem:$0x3FD0];
	(tm) =	ssettm $0x1  }
0x93: {  	s5 =	sld [smem:$0x3FFB];
	_ =	sdelay $0x3  }
0x94: {  	_ =	strace s5  }
0x95: {  	s5 =	sld [smem:$0x3FFC];
	_ =	sdelay $0x3  }
0x96: {  	_ =	strace s5  }
0x97: {  	s5 =	sld [smem:$0x3FFD];
	_ =	sdelay $0x3  }
0x98: {  	_ =	strace s5  }
0x99: {  	_ =	strace $0x8FFFFFFF  }
0x9a: {  	s20 =	sld [smem:$0x3FDB];
	_ =	sdelay $0x1  }
0x9b: {  	s6 =	simm.s32 $_scs_section_size  }
0x9c: {  	s7 =	simm.s32 $_size__tile_overlayer_lowered;
	s8 =	simm.s32 $_tile_overlayer_lowered  }
0x9d: {  	s23 =	simm.s32 $0x1BFF;
	s22 =	sshll.u32 s8, $0x1;
	s5 =	sadd.s32 s6, s20  }
0x9e: {  	s9 =	simm.s32 $0x0;
	s21 =	sshll.u32 s7, $0x1;
	s7 =	sadd.s32 s22, s5  }
0x9f: {  	[timem:s9], [sflag:s23] =	dma.local [hbm:s7], s21  }
0xa0: {  	_ =	swait.ge [sflag:s23], s21  }
0xa1: {  	s6 =	ssub.s32 $0x0, s21;
	[sflag:s23] =	ssyncset.done $0x0  }
0xa2: {  	[sflag:s23] =	ssyncadd.s32 s6;
	_ =	sdelay $0x1  }
0xa3: {  	s24 =	simm.s32 $0x1B8B  }
0xa4: {  	_ =	swait.ge [sflag:s24], $0x1  }
0xa5: {  	[sflag:s24] =	ssyncset.done $0x0  }
0xa6: {  	s25 =	simm.s32 $0x1B8E;
	[sflag:s24] =	ssyncadd.s32 $0xFFFFFFFF  }
0xa7: {  	s26 =	simm.s32 $execute0_lowered;
	[smem:$0x3FD2] =	sst s25  }
0xa8: {  	s6 =	sshll.u32 s26, $0x1;
	_ =	strace $0x80000046;
	[dreg:$0x1] =	wrdreg $0xFFFFFFFF  }
0xa9: {  	s28 =	simm.s32 $_size_execute0_lowered;
	s5 =	sadd.s32 s5, s6;
	[dreg:$0x0] =	wrdreg $0x0  }
0xaa: {  	s6 =	sshll.u32 s28, $0x1;
	[dreg:$0x2] =	wrdreg s5  }
0xab: {  	[dreg:$0x3] =	wrdreg s6  }
0xac: {  	[dreg:$0x4] =	wrdreg $0xC0  }
0xad: {  	_ =	task [dreg:s9], $0x5FFFF  }
0xae: {  	[dreg:$0x1] =	wrdreg $0xFFFFFFFF  }
0xaf: {  	[dreg:$0x0] =	wrdreg $0x60  }
0xb0: {  	[dreg:$0x2] =	wrdreg s2  }
0xb1: {  	[dreg:$0x3] =	wrdreg s19  }
0xb2: {  	[dreg:$0x4] =	wrdreg s4  }
0xb3: {  	[dreg:$0x5] =	wrdreg $0x9  }
0xb4: {  	_ =	task.clear_ibuf [dreg:s9], $0x6FFFF;
	_ =	strace $0x90000046  }
0xb5: {  	s29 =	simm.s32 $0x9;
	_ =	strace $0x80000048  }
0xb6: {  	_ =	swait.ge [sflag:s29], $0x1  }
0xb7: {  	[sflag:s29] =	ssyncadd.s32 $0xFFFFFFFF  }
0xb8: {  	_ =	strace $0x90000048  }
0xb9: {  	_ =	sfence  }
0xba: {  	s30 =	sld [smem:$0x0];
	_ =	sdelay $0x2  }
0xbb: {  	s31 =	sshll.u32 s1, $0xD;
	s1 =	sshrl.u32 s1, $0x2  }
0xbc: {  	s3 =	sand.u32 $0x4000, s31;
	s1 =	sadd.s32 s1, s30  }
0xbd: {  	s0 =	sor.u32 s3, s0;
	s1 =	sshll.u32 s1, $0x11  }
0xbe: {  	s0 =	sor.u32 s1, s0  }
0xbf: {  	s0 =	sadd.s32 $0x8F2B, s0  }
0xc0: {  	[sflag:s0] =	ssyncadd.remote.s32 $0x1  }
0xc1: {  	_ =	sfence.sel $0xFFFF  }
0xc2: {  	[dreg:$0x0] =	wrdreg $0xFFFFFFFF;
	(pc) =	sbr.abs _section_cstart, $3  }
0xc3: {  	[dreg:$0x1] =	wrdreg $0xFFFFFFFF  }
0xc4: {  	_ =	task.clear_ibuf [dreg:s9], $0x2FFFF;
	_ =	strace $0x9FFFFFFF  }
0xc5: {  	(tm) =	ssettm $0x7FFFFFFF  }
tec
execute0_lowered:
.L_overlay_start_1:
0x0: {  	(tag) =	ssettag $0x1  }
0x1: {  	s0 =	rddreg [dreg:$0x0]  }
0x2: {  	s1 =	rddreg [dreg:$0x1]  }
0x3: {  	s9 =	rddreg [dreg:$0x2];
	s2 =	simm.s32 $0x0;
	s6 =	stileid.u32  }
0x4: {  	s3 =	srdreg.scid;
	[smem:$0x7FF] =	sst s2;
	s7 =	sshrl.u32 s6, $0x2  }
0x5: {  	s3 =	sand.u32 $0x1, s3;
	s6 =	sshll.u32 s6, $0x1;
	s4 =	smul.u32 $0x3000, s7  }
0x6: {  	_ =	strace $0x80000047;
	s5 =	ssub.s32 $0x2, s3;
	s8 =	smul.u32 $0x180, s7  }
0x7: {  	s6 =	sand.u32 $0x6, s6;
	s11 =	smul.u32 $0x3, s7;
	s10 =	sshrl.u32 s5, $0x1  }
0x8: {  	s29 =	sshll.u32 s7, $0xE;
	s31 =	sor.u32 s3, s6;
	s10 =	ssub.s32 s5, s10  }
0x9: {  	s13 =	sor.u32 s8, s4;
	s12 =	sshll.u32 s31, $0xB;
	s14 =	sadd.s32 $0x1, s11  }
0xa: {  	s11 =	sadd.s32 $0x2, s11;
	s21 =	sshll.u32 s31, $0xC;
	s31 =	sadd.s32 s9, s29  }
0xb: {  	s4 =	sand.u32 $0x8380, s13;
	s16 =	sshll.u32 s14, $0xC;
	s13 =	sshll.u32 s14, $0x7  }
0xc: {  	s14 =	sshll.u32 s11, $0xC;
	s11 =	sshll.u32 s11, $0x7;
	s9 =	sadd.s32 s12, s31  }
0xd: {  	s10 =	smax.u32 s10, $0x1;
	s12 =	simm.s32 $0x400;
	s15 =	sshrl.u32 s4, $0x3  }
0xe: {  	s18 =	sor.u32 s13, s16;
	s19 =	sor.u32 s11, s14;
	s24 =	sor.u32 s21, s4  }
0xf: {  	s11 =	simm.s32 $0x80;
	s13 =	simm.s32 $0x1;
	s14 =	simm.s32 $0x1080  }
0x10: {  	s16 =	simm.s32 $0x3180;
	s17 =	sadd.s32 s0, s15;
	s20 =	sand.u32 $0x18380, s18  }
0x11: {  	s8 =	sand.u32 $0x18380, s19;
	s26 =	sshrl.u32 s24, $0x3;
	s15 =	simm.s32 $0x2100  }
0x12: {  	[dreg:$0x4] =	wrdreg s17;
	s22 =	sshrl.u32 s20, $0x3;
	s23 =	sshrl.u32 s8, $0x3  }
0x13: {  	s28 =	sor.u32 s21, s20;
	s8 =	sor.u32 s21, s8;
	s25 =	sadd.s32 s0, s22  }
.Ltmp0:
0x14: {  	s0 =	sadd.s32 s0, s23;
	[dreg:$0x5] =	wrdreg s25;
	(pc) =	sbr.rel .LBB2_1-.Ltmp0, $4  }
0x15: {  	s8 =	sshrl.u32 s8, $0x3;
	[dreg:$0x6] =	wrdreg s0;
	s0 =	sadd.s32 s1, s26  }
0x16: {  	s30 =	sadd.s32 s1, s8;
	[dreg:$0x7] =	wrdreg s0;
	s0 =	sshrl.u32 s28, $0x3  }
0x17: {  	s18 =	simm.s32 $0x3580;
	[dreg:$0x9] =	wrdreg s30;
	s0 =	sadd.s32 s1, s0  }
0x18: {  	v0 =	vimm.f32 $+Inf;
	v1 =	vlaneseq.u32;
	v2 =	vimm.s32 $0x1000;
	s17 =	simm.s32 $0x3380;
	s20 =	simm.s32 $0x0;
	[dreg:$0x8] =	wrdreg s0  }
.LBB2_22:
0x19: {  	s20 =	sadd.s32 $0x1, s20  }
0x1a: {  	p0 =	sne.s32 s20, s10  }
.Ltmp1:
0x1b: {  	s0 =	simm.s32 $0x8980;
	(pc) =	sbr.rel @!p0 .LBB2_23-.Ltmp1, $4  }
0x1c: {  	[hbm4b:s9+s2] =	stream.linear.scatter [tilespmem:s0], [sflag:$0x1], $0x4000, $0x38;
	[tilespmem:$0xC980] =	vst v63  }
0x1d: {  	_ =	swait.ge [sflag:s13], $0x4000  }
0x1e: {  	[sflag:s13] =	ssyncset.done $0x0  }
0x1f: {  	[sflag:s13] =	ssyncadd.s32 $0xFFFFC000  }
.LBB2_1:
0x20: {  	s0 =	rddreg [dreg:$0x4]  }
0x21: {  	[tilespmem:s2], [sflag:$0x1] =	stream.strided.gather [hbm4b:s0+s11], $0x1000, s12, s11, $0x38;
	[tilespmem:$0xC980] =	vst v63  }
0x22: {  	_ =	swait.ge [sflag:s13], $0x1000  }
0x23: {  	[sflag:s13] =	ssyncset.done $0x0  }
0x24: {  	s25 =	rddreg [dreg:$0x5];
	[sflag:s13] =	ssyncadd.s32 $0xFFFFF000  }
0x25: {  	[tilespmem:s14], [sflag:$0x1] =	stream.strided.gather [hbm4b:s25+s11], $0x1000, s12, s11, $0x38;
	[tilespmem:$0xC980] =	vst v63  }
0x26: {  	_ =	swait.ge [sflag:s13], $0x1000  }
0x27: {  	[sflag:s13] =	ssyncset.done $0x0  }
0x28: {  	s26 =	rddreg [dreg:$0x6];
	[sflag:s13] =	ssyncadd.s32 $0xFFFFF000  }
0x29: {  	[tilespmem:s15], [sflag:$0x1] =	stream.strided.gather [hbm4b:s26+s11], $0x1000, s12, s11, $0x38;
	[tilespmem:$0xC980] =	vst v63  }
0x2a: {  	_ =	swait.ge [sflag:s13], $0x1000  }
0x2b: {  	[sflag:s13] =	ssyncset.done $0x0  }
0x2c: {  	s28 =	rddreg [dreg:$0x7];
	[sflag:s13] =	ssyncadd.s32 $0xFFFFF000  }
0x2d: {  	[tilespmem:s16], [sflag:$0x1] =	stream.strided.gather [hbm4b:s28+s11], $0x200, s12, s11, $0x38;
	[tilespmem:$0xC980] =	vst v63  }
0x2e: {  	_ =	swait.ge [sflag:s13], $0x200  }
0x2f: {  	[sflag:s13] =	ssyncset.done $0x0  }
0x30: {  	s29 =	rddreg [dreg:$0x8];
	[sflag:s13] =	ssyncadd.s32 $0xFFFFFE00  }
0x31: {  	[tilespmem:s17], [sflag:$0x1] =	stream.strided.gather [hbm4b:s29+s11], $0x200, s12, s11, $0x38;
	[tilespmem:$0xC980] =	vst v63  }
0x32: {  	_ =	swait.ge [sflag:s13], $0x200  }
0x33: {  	[sflag:s13] =	ssyncset.done $0x0  }
0x34: {  	s30 =	rddreg [dreg:$0x9];
	[sflag:s13] =	ssyncadd.s32 $0xFFFFFE00  }
0x35: {  	[tilespmem:s18], [sflag:$0x1] =	stream.strided.gather [hbm4b:s30+s11], $0x200, s12, s11, $0x38;
	[tilespmem:$0xC980] =	vst v63  }
0x36: {  	_ =	swait.ge [sflag:s13], $0x200  }
0x37: {  	[sflag:s13] =	ssyncset.done $0x0  }
0x38: {  	[sflag:s13] =	ssyncadd.s32 $0xFFFFFE00  }
0x39: {  	[tilespmem:$0x5780] =	vst v0  }
0x3a: {  	[tilespmem:$0x6800] =	vst v0  }
0x3b: {  	[tilespmem:$0x1000] =	vst v0  }
0x3c: {  	[tilespmem:$0x2080] =	vst v0  }
0x3d: {  	s31 =	simm.s32 $0x2120;
	[tilespmem:$0x3100] =	vst v0  }
0x3e: {  	s1 =	simm.s32 $0x20;
	v3 =	vld [tilespmem:s31+$0xFFFFFFF0]  }
0x3f: {  	v6 =	vld [tilespmem:s1+$0x10]  }
0x40: {  	v5 =	vld [tilespmem:s31+$0xFFFFFFE0]  }
0x41: {  	v7 =	vld [tilespmem:s1+$0x0]  }
0x42: {  	v8 =	vld [tilespmem:s1+$0xFFFFFFF0]  }
0x43: {  	s19 =	simm.s32 $0x10A0;
	v4 =	vld [tilespmem:s1+$0xFFFFFFE0]  }
0x44: {  	v9 =	vld [tilespmem:s19+$0xFFFFFFE0]  }
0x45: {  	v10 =	vld [tilespmem:s19+$0xFFFFFFF0]  }
0x46: {  	v11 =	vld [tilespmem:s19+$0x0]  }
0x47: {  	v12 =	vld [tilespmem:s19+$0x10]  }
0x48: {  	v13 =	vld [tilespmem:s31+$0x0]  }
0x49: {  	s22 =	simm.s32 $0x2160;
	v14 =	vld [tilespmem:s31+$0x10]  }
0x4a: {  	v15 =	vld [tilespmem:s22+$0xFFFFFFF0]  }
0x4b: {  	s0 =	simm.s32 $0x60;
	v17 =	vld [tilespmem:s22+$0xFFFFFFE0];
	v16 =	vmul.f32 v4, v4;
	v9 =	vmul.f32 v9, v9  }
0x4c: {  	v4 =	vld [tilespmem:s0+$0x10];
	v8 =	vmul.f32 v8, v8;
	v10 =	vmul.f32 v10, v10  }
0x4d: {  	v63 =	vimm.f32 $0.0e+00;
	v18 =	vmul.f32 v5, v5;
	v19 =	vmul.f32 v3, v3;
	v3 =	vld [tilespmem:s0+$0x0]  }
0x4e: {  	v7 =	vmul.f32 v7, v7;
	v11 =	vmul.f32 v11, v11;
	v5 =	vld [tilespmem:s0+$0xFFFFFFF0];
	v9 =	vadd.f32 v9, v16  }
0x4f: {  	s21 =	simm.s32 $0x10E0;
	v6 =	vmul.f32 v6, v6;
	v8 =	vadd.f32 v10, v8;
	v10 =	vmul.f32 v12, v12;
	v16 =	vld [tilespmem:s0+$0xFFFFFFE0]  }
0x50: {  	v7 =	vadd.f32 v11, v7;
	v11 =	vmul.f32 v13, v13;
	v13 =	vld [tilespmem:s21+$0xFFFFFFE0];
	v9 =	vadd.f32 v18, v9  }
0x51: {  	s1 =	simm.s32 $0x37A0;
	v12 =	vadd.f32 v19, v8;
	v6 =	vadd.f32 v10, v6;
	v10 =	vmul.f32 v14, v14;
	v8 =	vld [tilespmem:s21+$0xFFFFFFF0]  }
0x52: {  	v7 =	vadd.f32 v11, v7;
	[tilespmem:s1+$0xFFFFFFE0] =	vst v9;
	v14 =	vmax.f32 v63, v9;
	v9 =	vld [tilespmem:s21+$0x0]  }
0x53: {  	[tilespmem:s1+$0xFFFFFFF0] =	vst v12;
	v6 =	vadd.f32 v10, v6;
	v10 =	vld [tilespmem:s21+$0x10];
	v11 =	vmax.f32 v14, v12  }
0x54: {  	[tilespmem:s1+$0x0] =	vst v7;
	v12 =	vld [tilespmem:s22+$0x0];
	v14 =	vmax.f32 v11, v7;
	v11 =	vmul.f32 v17, v17;
	v7 =	vmul.f32 v15, v15  }
0x55: {  	s19 =	simm.s32 $0x4;
	[tilespmem:s1+$0x10] =	vst v6;
	v15 =	vmul.f32 v13, v13;
	v13 =	vld [tilespmem:s22+$0x10];
	s22 =	simm.s32 $0x21A0;
	v6 =	vmax.f32 v14, v6;
	v14 =	vmul.f32 v16, v16  }
.LBB2_2:
0x56: {  	v16 =	vld [tilespmem:s22+$0xFFFFFFF0];
	v5 =	vmul.f32 v5, v5;
	v8 =	vmul.f32 v8, v8;
	s0 =	sadd.s32 $0x40, s0  }
0x57: {  	v17 =	vld [tilespmem:s0+$0x10];
	v14 =	vadd.f32 v15, v14;
	v15 =	vmul.f32 v3, v3;
	v9 =	vmul.f32 v9, v9  }
0x58: {  	v4 =	vmul.f32 v4, v4;
	v18 =	vld [tilespmem:s22+$0xFFFFFFE0];
	v8 =	vadd.f32 v8, v5;
	v10 =	vmul.f32 v10, v10  }
0x59: {  	v3 =	vld [tilespmem:s0+$0x0];
	v11 =	vadd.f32 v11, v14;
	v9 =	vadd.f32 v9, v15;
	v12 =	vmul.f32 v12, v12  }
0x5a: {  	s1 =	sadd.s32 $0x40, s1;
	v5 =	vld [tilespmem:s0+$0xFFFFFFF0];
	v7 =	vadd.f32 v7, v8;
	v10 =	vadd.f32 v10, v4;
	v8 =	vmul.f32 v13, v13  }
0x5b: {  	s21 =	sadd.s32 $0x40, s21;
	s19 =	sadd.s32 $0x4, s19;
	v13 =	vld [tilespmem:s0+$0xFFFFFFE0];
	[tilespmem:s1+$0xFFFFFFE0] =	vst v11;
	v6 =	vmax.f32 v6, v11;
	v9 =	vadd.f32 v12, v9  }
0x5c: {  	p0 =	slt.u32 s19, $0xFC;
	v15 =	vld [tilespmem:s21+$0xFFFFFFE0];
	[tilespmem:s1+$0xFFFFFFF0] =	vst v7;
	v6 =	vmax.f32 v6, v7;
	v7 =	vadd.f32 v8, v10;
	v4 =	vmov v17  }
.Ltmp2:
0x5d: {  	v8 =	vld [tilespmem:s21+$0xFFFFFFF0];
	[tilespmem:s1+$0x0] =	vst v9;
	v6 =	vmax.f32 v6, v9;
	(pc) =	sbr.rel @p0 .LBB2_2-.Ltmp2, $4  }
0x5e: {  	v9 =	vld [tilespmem:s21+$0x0];
	[tilespmem:s1+$0x10] =	vst v7;
	v6 =	vmax.f32 v6, v7  }
0x5f: {  	v10 =	vld [tilespmem:s21+$0x10]  }
0x60: {  	v11 =	vmul.f32 v18, v18;
	v7 =	vmul.f32 v16, v16;
	v12 =	vld [tilespmem:s22+$0x0]  }
0x61: {  	v14 =	vmul.f32 v13, v13;
	v15 =	vmul.f32 v15, v15;
	v13 =	vld [tilespmem:s22+$0x10];
	s22 =	sadd.s32 $0x40, s22  }
0x62: {  	v5 =	vmul.f32 v5, v5;
	v8 =	vmul.f32 v8, v8  }
0x63: {  	v3 =	vmul.f32 v3, v3;
	v14 =	vadd.f32 v15, v14;
	v9 =	vmul.f32 v9, v9  }
0x64: {  	v4 =	vmul.f32 v4, v4;
	v5 =	vadd.f32 v8, v5;
	v60 =	vmul.f32 v10, v10  }
0x65: {  	v61 =	vadd.f32 v11, v14;
	v3 =	vadd.f32 v9, v3;
	v62 =	vmul.f32 v12, v12  }
0x66: {  	v5 =	vadd.f32 v7, v5;
	v4 =	vadd.f32 v60, v4;
	v63 =	vmul.f32 v13, v13  }
0x67: {  	v6 =	vmax.f32 v6, v61;
	v3 =	vadd.f32 v62, v3  }
0x68: {  	v6 =	vmax.f32 v6, v5;
	v4 =	vadd.f32 v63, v4  }
0x69: {  	v6 =	vmax.f32 v6, v3  }
0x6a: {  	v6 =	vmax.f32 v6, v4  }
0x6b: {  	(xrf0) =	vmax.scan.msk.f32 $0xffff, v6;
	_ =	sdelay $0x2  }
.Ltmp3:
0x6c: {  	s0 =	sadd.s32 $0x40, s1;
	(pc) =	sbr.rel .LBB2_4-.Ltmp3, $4  }
0x6d: {  	[tilespmem:s0+$0xFFFFFFE0] =	vst v61  }
0x6e: {  	[tilespmem:s0+$0xFFFFFFF0] =	vst v5  }
0x6f: {  	[tilespmem:s0+$0x0] =	vst v3;
	v3, _, _ =	vpop (xrf0)  }
0x70: {  	s21 =	simm.s32 $0x0;
	[tilespmem:s0+$0x10] =	vst v4;
	v3 =	vbroadcast v3, $0xF  }
.LBB2_9:
0x71: {  	v9 =	vimm.f32 $+Inf;
	v8 =	vimm.s32 $0x0;
	v6 =	vimm.f32 $+Inf  }
0x72: {  	v4 =	vimm.s32 $0x0;
	v7 =	vimm.f32 $+Inf;
	v5 =	vimm.s32 $0x0  }
.LBB2_21:
0x73: {  	v9 =	vperm.xlane v9, v10;
	v17 =	vperm.xlane v17, v10  }
0x74: {  	v8 =	vperm.xlane v8, v10;
	v59 =	vperm.xlane v16, v10  }
0x75: {  	v7 =	vperm.xlane v7, v10;
	v6 =	vperm.xlane v6, v10  }
0x76: {  	v5 =	vperm.xlane v5, v10;
	v4 =	vperm.xlane v4, v10;
	vm0 =	vle.f32 v13, v9  }
0x77: {  	vm1 =	vle.f32 v14, v17;
	vm13 =	vle.f32 v20, v7;
	vm14 =	vle.f32 v18, v6  }
0x78: {  	v9 =	vsel vm0, v13, v9;
	v14 =	vsel vm1, v14, v17;
	v8 =	vsel vm0, v11, v8  }
0x79: {  	v60 =	vsel vm1, v12, v59;
	v7 =	vsel vm13, v20, v7;
	v5 =	vsel vm13, v19, v5  }
0x7a: {  	v6 =	vsel vm14, v18, v6;
	v4 =	vsel vm14, v15, v4;
	vm2 =	vle.f32 v9, v14  }
0x7b: {  	vm15 =	vle.f32 v7, v6;
	v61 =	vsel vm2, v9, v14;
	v13 =	vsel vm2, v8, v60  }
0x7c: {  	v9 =	vsel vm2, v14, v9;
	v8 =	vsel vm2, v60, v8;
	(xrf1) =	vsort.ascd.msk.f32 $0xffff, v61, v13  }
0x7d: {  	v62 =	vsel vm15, v7, v6;
	v63 =	vsel vm15, v5, v4;
	(xrf1) =	vsort.ascd.msk.f32 $0xffff, v9, v8  }
0x7e: {  	v6 =	vsel vm15, v6, v7;
	v4 =	vsel vm15, v4, v5;
	(xrf1) =	vsort.ascd.msk.f32 $0xffff, v62, v63  }
0x7f: {  	(xrf1) =	vsort.ascd.msk.f32 $0xffff, v6, v4;
	_ =	sdelay $0x8  }
0x80: {  	s0 =	sshll.u32 s21, $0x6;
	s21 =	sadd.s32 $0x1, s21  }
0x81: {  	p0 =	sne.s32 s21, $0x100  }
.Ltmp4:
0x82: {  	s0 =	sand.u32 $0x3FFFFFC0, s0;
	_, v4, _ =	vpop (xrf1);
	(pc) =	sbr.rel @!p0 .LBB2_22-.Ltmp4, $4  }
0x83: {  	s1 =	sshll.u32 s22, $0x5;
	_, v5, _ =	vpop (xrf1);
	[tilespmem:s0+$0x8980] =	vst v4  }
0x84: {  	s31 =	sand.u32 $0x3FFFFFE0, s1;
	_, v4, _ =	vpop (xrf1);
	[tilespmem:s0+$0x8990] =	vst v5  }
0x85: {  	_, v5, _ =	vpop (xrf1);
	[tilespmem:s31+$0x8980] =	vst v4  }
0x86: {  	[tilespmem:s31+$0x8990] =	vst v5  }
.LBB2_4:
0x87: {  	s22 =	sshllo.u32 s21, $0x1  }
0x88: {  	s0 =	sshll.u32 s21, $0x1;
	s25 =	simm.s32 $0x20;
	v6 =	vmov s22  }
0x89: {  	s23 =	simm.s32 $0x2120;
	v4 =	vmov s0;
	v10 =	vld [tilespmem:s25+$0xFFFFFFF0]  }
0x8a: {  	s1 =	simm.s32 $0x10A0;
	v19 =	vld [tilespmem:s23+$0x10];
	v4 =	vbroadcast v4, $0x0  }
0x8b: {  	v20 =	vld [tilespmem:s1+$0xFFFFFFE0]  }
0x8c: {  	v22 =	vld [tilespmem:s1+$0x0]  }
0x8d: {  	v8 =	vld.idx.msk [tilespmem:v6+s16+$0x0], $0xffff  }
0x8e: {  	v7 =	vld.idx.msk [tilespmem:v6+s17+$0x0], $0xffff  }
0x8f: {  	v6 =	vld.idx.msk [tilespmem:v6+s18+$0x0], $0xffff  }
0x90: {  	v9 =	vld.idx.msk [tilespmem:v4+s16+$0x0], $0xffff  }
0x91: {  	v5 =	vld.idx.msk [tilespmem:v4+s17+$0x0], $0xffff  }
0x92: {  	v4 =	vld.idx.msk [tilespmem:v4+s18+$0x0], $0xffff  }
0x93: {  	v32 =	vld [tilespmem:s1+$0xFFFFFFF0]  }
0x94: {  	v36 =	vld [tilespmem:s25+$0x0];
	v18 =	vmul.f32 $-2.000000000e+00, v8  }
0x95: {  	v33 =	vld [tilespmem:s25+$0x10];
	v15 =	vmul.f32 $-2.000000000e+00, v7;
	v14 =	vmul.f32 $-2.000000000e+00, v6  }
0x96: {  	v11 =	vld [tilespmem:s23+$0xFFFFFFE0];
	v16 =	vmul.f32 $-2.000000000e+00, v9;
	v17 =	vmul.f32 $-2.000000000e+00, v5  }
0x97: {  	v24 =	vld [tilespmem:s23+$0xFFFFFFF0];
	v13 =	vmul.f32 $-2.000000000e+00, v4;
	v31 =	vmul.f32 v10, v18  }
0x98: {  	s26 =	simm.s32 $0x37A0;
	v21 =	vld [tilespmem:s1+$0x10];
	v12 =	vmul.f32 v20, v15;
	v26 =	vmul.f32 v22, v15  }
0x99: {  	v27 =	vld [tilespmem:s26+$0xFFFFFFF0];
	v28 =	vmul.f32 v32, v15;
	v43 =	vmul.f32 v36, v18  }
0x9a: {  	v37 =	vld [tilespmem:s25+$0xFFFFFFE0];
	v42 =	vmul.f32 v33, v18;
	v30 =	vmul.f32 v10, v16  }
0x9b: {  	v25 =	vmul.f32 v22, v17;
	v23 =	vmul.f32 v20, v17  }
0x9c: {  	v34 =	vld [tilespmem:s26+$0x10];
	v29 =	vmul.f32 v24, v13;
	v20 =	vmul.f32 v19, v14  }
0x9d: {  	v24 =	vmul.f32 v24, v14;
	v39 =	vmul.f32 v32, v17;
	v32 =	vld [tilespmem:s26+$0x0]  }
0x9e: {  	v22 =	vmul.f32 v11, v13;
	v44 =	vmul.f32 v33, v16;
	v33 =	vld [tilespmem:s23+$0x0];
	v38 =	vadd.f32 v27, v30  }
0x9f: {  	v10 =	vimm.f32 $+Inf;
	v35 =	vmul.f32 v21, v17;
	v41 =	vmul.f32 v37, v16  }
0xa0: {  	s24 =	simm.s32 $0x47A0;
	v30 =	vadd.f32 v27, v31;
	v40 =	vadd.f32 v38, v39;
	v39 =	vmul.f32 v37, v18;
	v37 =	vld [tilespmem:s26+$0xFFFFFFE0]  }
0xa1: {  	s28 =	simm.s32 $0x0;
	s29 =	simm.s32 $0x5860;
	s30 =	simm.s32 $0x60;
	v44 =	vadd.f32 v34, v44;
	v31 =	vimm.f32 $+Inf;
	v27 =	vimm.f32 $+Inf  }
0xa2: {  	s31 =	simm.s32 $0x10E0;
	s25 =	simm.s32 $0x5820;
	s0 =	simm.s32 $0x47E0;
	v38 =	vmul.f32 v36, v16;
	v36 =	vmul.f32 v19, v13;
	v19 =	vimm.f32 $+Inf  }
.LBB2_5:
0xa3: {  	v45 =	vld [tilespmem:s30+$0xFFFFFFF0];
	s28 =	sadd.s32 $0x2, s28;
	v43 =	vadd.f32 v32, v43;
	v46 =	vmul.f32 v33, v14;
	v34 =	vadd.f32 v34, v42;
	s23 =	sadd.s32 $0x40, s23;
	s26 =	sadd.s32 $0x40, s26  }
0xa4: {  	v28 =	vadd.f32 v30, v28;
	v21 =	vmul.f32 v21, v15;
	v47 =	vld [tilespmem:s23+$0x10];
	p0 =	slt.u32 s28, $0x7E;
	v30 =	vadd.f32 v44, v35  }
0xa5: {  	v29 =	vadd.f32 v40, v29;
	v35 =	vadd.f32 v37, v39;
	v39 =	vmul.f32 v11, v14;
	v11 =	vld [tilespmem:s23+$0xFFFFFFE0]  }
0xa6: {  	v32 =	vadd.f32 v32, v38;
	v33 =	vmul.f32 v33, v13;
	v38 =	vadd.f32 v43, v26;
	v40 =	vld [tilespmem:s31+$0xFFFFFFE0]  }
0xa7: {  	v37 =	vadd.f32 v37, v41;
	v34 =	vadd.f32 v34, v21;
	v26 =	vld [tilespmem:s31+$0x0];
	[tilespmem:s24+$0xFFFFFFF0] =	vst v29  }
0xa8: {  	v44 =	vadd.f32 v28, v24;
	v24 =	vadd.f32 v32, v25;
	v41 =	vmul.f32 v45, v16;
	v21 =	vld [tilespmem:s31+$0x10]  }
0xa9: {  	v36 =	vadd.f32 v30, v36;
	v32 =	vadd.f32 v35, v12;
	v42 =	vmul.f32 v45, v18;
	v28 =	vld [tilespmem:s23+$0xFFFFFFF0]  }
0xaa: {  	v10 =	vmin.f32 v10, v44;
	v43 =	vadd.f32 v24, v33;
	v33 =	vadd.f32 v34, v20;
	v30 =	vld [tilespmem:s26+$0xFFFFFFF0]  }
0xab: {  	v31 =	vmin.f32 v31, v29;
	v24 =	vadd.f32 v37, v23;
	v45 =	vld [tilespmem:s31+$0xFFFFFFF0];
	v12 =	vmul.f32 v40, v15  }
0xac: {  	v10 =	vmin.f32 v10, v33;
	v48 =	vld [tilespmem:s30+$0x10];
	v25 =	vmul.f32 v26, v17;
	v26 =	vmul.f32 v26, v15;
	[tilespmem:s24+$0x0] =	vst v43  }
0xad: {  	v38 =	vadd.f32 v38, v46;
	v37 =	vadd.f32 v32, v39;
	v23 =	vmul.f32 v40, v17;
	v49 =	vld [tilespmem:s30+$0xFFFFFFE0]  }
0xae: {  	v20 =	vmul.f32 v47, v14;
	v39 =	vadd.f32 v24, v22;
	v29 =	vmul.f32 v28, v13;
	v46 =	vld [tilespmem:s30+$0x0];
	[tilespmem:s24+$0x10] =	vst v36  }
0xaf: {  	v19 =	vmin.f32 v19, v37;
	v24 =	vmul.f32 v28, v14;
	v40 =	vadd.f32 v30, v41;
	v32 =	vld [tilespmem:s26+$0x0];
	[tilespmem:s25+$0x0] =	vst v38  }
0xb0: {  	v22 =	vmul.f32 v11, v13;
	v27 =	vmin.f32 v27, v39;
	v28 =	vmul.f32 v45, v15;
	v34 =	vld [tilespmem:s26+$0x10];
	[tilespmem:s25+$0x10] =	vst v33  }
.Ltmp5:
0xb1: {  	v27 =	vmin.f32 v27, v43;
	v35 =	vmul.f32 v21, v17;
	v30 =	vadd.f32 v30, v42;
	v33 =	vld [tilespmem:s23+$0x0];
	[tilespmem:s24+$0xFFFFFFE0] =	vst v39;
	s24 =	smov.u32 s0;
	(pc) =	sbr.rel @p0 .LBB2_5-.Ltmp5, $4  }
0xb2: {  	v31 =	vmin.f32 v31, v36;
	v39 =	vmul.f32 v45, v17;
	v45 =	vmul.f32 v48, v16;
	[tilespmem:s25+$0xFFFFFFE0] =	vst v37  }
0xb3: {  	v19 =	vmin.f32 v19, v38;
	v42 =	vmul.f32 v48, v18;
	v37 =	vld [tilespmem:s26+$0xFFFFFFE0];
	v43 =	vmul.f32 v46, v18;
	[tilespmem:s25+$0xFFFFFFF0] =	vst v44;
	s25 =	smov.u32 s29  }
0xb4: {  	v40 =	vadd.f32 v40, v39;
	v39 =	vmul.f32 v49, v18;
	v38 =	vmul.f32 v46, v16;
	s29 =	sadd.s32 $0x40, s29  }
0xb5: {  	s31 =	sadd.s32 $0x40, s31;
	v36 =	vmul.f32 v47, v13;
	s30 =	sadd.s32 $0x40, s30;
	s0 =	sadd.s32 $0x40, s0;
	v41 =	vmul.f32 v49, v16;
	v44 =	vadd.f32 v34, v45  }
0xb6: {  	_ = 	snop  }
0xb7: {  	v16 =	vadd.f32 v32, v43;
	v17 =	vadd.f32 v34, v42  }
0xb8: {  	v29 =	vadd.f32 v40, v29;
	v61 =	vadd.f32 v37, v41  }
0xb9: {  	v62 =	vmul.f32 v33, v14;
	v63 =	vadd.f32 v32, v38;
	v18 =	vadd.f32 v44, v35  }
0xba: {  	v15 =	vmul.f32 v21, v15;
	v21 =	vadd.f32 v37, v39;
	v23 =	vadd.f32 v61, v23  }
0xbb: {  	v13 =	vmul.f32 v33, v13;
	v16 =	vadd.f32 v16, v26;
	v25 =	vadd.f32 v63, v25  }
0xbc: {  	v11 =	vmul.f32 v11, v14;
	v14 =	vadd.f32 v17, v15;
	v15 =	vadd.f32 v23, v22  }
0xbd: {  	v17 =	vadd.f32 v18, v36;
	v18 =	vmin.f32 v31, v29;
	v13 =	vadd.f32 v25, v13  }
0xbe: {  	v25 =	vmul.f32 v5, v5;
	v23 =	vmul.f32 v9, v9;
	v22 =	vmin.f32 v27, v15  }
0xbf: {  	[tilespmem:s24+$0xFFFFFFF0] =	vst v29;
	v16 =	vadd.f32 v16, v62;
	v18 =	vmin.f32 v18, v17;
	v22 =	vmin.f32 v22, v13  }
0xc0: {  	[tilespmem:s24+$0x0] =	vst v13;
	v13 =	vadd.f32 v25, v23;
	v23 =	vmul.f32 v4, v4;
	v18 =	vmax.f32 v22, v18  }
0xc1: {  	v12 =	vadd.f32 v21, v12;
	v14 =	vadd.f32 v14, v20;
	[tilespmem:s24+$0x10] =	vst v17;
	(xrf0) =	vmax.scan.msk.f32 $0xffff, v18  }
0xc2: {  	v17 =	vadd.f32 v30, v28;
	[tilespmem:s25+$0x0] =	vst v16;
	v13 =	vadd.f32 v23, v13  }
0xc3: {  	v11 =	vadd.f32 v12, v11;
	[tilespmem:s25+$0x10] =	vst v14  }
0xc4: {  	v12 =	vadd.f32 v17, v24;
	[tilespmem:s24+$0xFFFFFFE0] =	vst v15;
	v13 =	vadd.f32 v13, v3  }
0xc5: {  	[tilespmem:s25+$0xFFFFFFE0] =	vst v11  }
0xc6: {  	s0 =	simm.s32 $0x47A0;
	[tilespmem:s25+$0xFFFFFFF0] =	vst v12;
	v13 =	vadd.f32 $1.000000000e+00, v13  }
0xc7: {  	v17 =	vld [tilespmem:s0+$0xFFFFFFF0];
	v15, _, _ =	vpop (xrf0)  }
0xc8: {  	v18 =	vld [tilespmem:s0+$0xFFFFFFE0];
	v13 =	vmul.f32 $9.999999740e-06, v13;
	v15 =	vbroadcast v15, $0xF;
	_ =	sdelay $0x1  }
0xc9: {  	v15 =	vadd.f32 v15, v13;
	_ =	sdelay $0x1  }
0xca: {  	v13 =	vld [tilespmem:s0+$0x10];
	vm2 =	vle.f32 v17, v15  }
0xcb: {  	v17 =	vld [tilespmem:s0+$0x0];
	vm4 =	vle.f32 v18, v15;
	v18 =	vmpcnt.ones.xlane vm2  }
0xcc: {  	v20 =	vmpcnt.ones.xlane vm4  }
0xcd: {  	(v2sf) =	vpush v18, $0x0  }
0xce: {  	v10 =	vmin.f32 v10, v12;
	v12 =	vmul.f32 v8, v8;
	(v2sf) =	vpush v20, $0x0  }
0xcf: {  	v11 =	vmin.f32 v19, v11;
	vm0 =	vle.f32 v13, v15;
	v13 =	vmul.f32 v7, v7  }
0xd0: {  	s4 =	simm.s32 $0x47E0;
	v10 =	vmin.f32 v10, v14;
	vm3 =	vle.f32 v17, v15;
	v17 =	vmpcnt.ones.xlane vm0  }
0xd1: {  	v11 =	vmin.f32 v11, v16;
	v12 =	vadd.f32 v13, v12;
	v13 =	vld [tilespmem:s4+$0xFFFFFFF0];
	v14 =	vmpcnt.ones.xlane vm3  }
0xd2: {  	v10 =	vmax.f32 v11, v10;
	v11 =	vld [tilespmem:s4+$0xFFFFFFE0];
	(v2sf) =	vpush v17, $0x0  }
0xd3: {  	(v2sf) =	vpush v14, $0x0  }
0xd4: {  	v16 =	vmul.f32 v6, v6  }
0xd5: {  	(xrf0) =	vmax.scan.msk.f32 $0xffff, v10  }
0xd6: {  	v10 =	vadd.f32 v16, v12;
	vm1 =	vle.f32 v13, v15  }
0xd7: {  	vm5 =	vle.f32 v11, v15;
	v12 =	vld [tilespmem:s4+$0x10];
	v11 =	vmpcnt.ones.xlane vm1  }
0xd8: {  	v14 =	vmpcnt.ones.xlane vm5;
	v10 =	vadd.f32 v10, v3;
	v13 =	vld [tilespmem:s4+$0x0]  }
0xd9: {  	(v2sf) =	vpush v11, $0x0  }
0xda: {  	s23 =	simm.s32 $0x0;
	s5 =	simm.s32 $0x4820;
	v10 =	vadd.f32 $1.000000000e+00, v10;
	(v2sf) =	vpush v14, $0x0  }
0xdb: {  	vm4 =	vmmov vm4;
	vm2 =	vmmov vm2;
	v20 =	vor.u32 s23, v1;
	v16, _, _ =	vpop (xrf0);
	v14 =	vld [tilespmem:s5+$0xFFFFFFF0]  }
0xdc: {  	vm7 =	vle.f32 v12, v15;
	v11 =	vbroadcast v16, $0xF;
	v10 =	vmul.f32 $9.999999740e-06, v10;
	v16 =	vld [tilespmem:s5+$0xFFFFFFE0];
	s1 =	spop (v2sf)  }
0xdd: {  	s19 =	simm.s32 $0x5820;
	s7 =	simm.s32 $0x10;
	[tilespmem:s23+$0x6880] =	vst.msk vm4, v20;
	vm0 =	vmmov vm0;
	v12 =	vmpcnt.ones.xlane vm7;
	vm4 =	vle.f32 v13, v15;
	s6 =	spop (v2sf)  }
0xde: {  	v10 =	vadd.f32 v11, v10;
	v13 =	vld [tilespmem:s19+$0xFFFFFFE0];
	v11 =	vor.u32 s7, v1;
	v17 =	vmpcnt.ones.xlane vm4;
	s24 =	sadd.s32 $0x0, s6  }
0xdf: {  	s8 =	simm.s32 $0x20;
	vm3 =	vmmov vm3;
	vm8 =	vmmov vm0;
	(v2sf) =	vpush v12, $0x0;
	[tilespmem:s24+$0x6880] =	vst.msk vm2, v11  }
0xe0: {  	v12 =	vor.u32 s8, v1;
	(v2sf) =	vpush v17, $0x0;
	vm0 =	vle.f32 v14, v15;
	v18 =	vld [tilespmem:s19+$0xFFFFFFF0]  }
0xe1: {  	v17 =	vld [tilespmem:s5+$0x10];
	v14 =	vmpcnt.ones.xlane vm0;
	vm2 =	vmmov vm7;
	s24 =	sadd.s32 s24, s1;
	vm7 =	vle.f32 v16, v15;
	s26 =	spop (v2sf)  }
0xe2: {  	s28 =	simm.s32 $0x30;
	v19 =	vld [tilespmem:s5+$0x0];
	vm6 =	vmmov vm5;
	vm5 =	vmmov vm1;
	[tilespmem:s24+$0x6880] =	vst.msk vm3, v12;
	v16 =	vmpcnt.ones.xlane vm7;
	s25 =	spop (v2sf)  }
0xe3: {  	s3 =	simm.s32 $0x40;
	vm9 =	vle.f32 v13, v10;
	v13 =	vor.u32 s28, v1;
	(v2sf) =	vpush v14, $0x0;
	v22 =	vld [tilespmem:s19+$0x0];
	s0 =	sadd.s32 s24, s25  }
0xe4: {  	v21 =	vmpcnt.ones.xlane vm9;
	v14 =	vor.u32 s3, v1;
	(v2sf) =	vpush v16, $0x0;
	[tilespmem:s0+$0x6880] =	vst.msk vm8, v13  }
0xe5: {  	vm3 =	vmmov vm4;
	vm4 =	vmmov vm7;
	v16 =	vld [tilespmem:s19+$0x10];
	vm1 =	vle.f32 v18, v10  }
0xe6: {  	vm7 =	vmmov vm2;
	s4 =	sadd.s32 s0, s26;
	vm8 =	vle.f32 v17, v15;
	v18 =	vmpcnt.ones.xlane vm1  }
0xe7: {  	s5 =	simm.s32 $0x4860;
	(v2sf) =	vpush v21, $0x0;
	[tilespmem:s4+$0x6880] =	vst.msk vm6, v14;
	vm6 =	vle.f32 v19, v15;
	v23 =	vmpcnt.ones.xlane vm8  }
0xe8: {  	v19 =	vld [tilespmem:s5+$0xFFFFFFE0];
	v21 =	vmpcnt.ones.xlane vm6;
	s6 =	spop (v2sf);
	vm2 =	vle.f32 v22, v10;
	(v2sf) =	vpush v18, $0x0  }
0xe9: {  	s8 =	simm.s32 $0x50;
	vm10 =	vmmov vm9;
	s0 =	simm.s32 $0x5860;
	s7 =	spop (v2sf);
	v22 =	vmpcnt.ones.xlane vm2;
	v18 =	vld [tilespmem:s5+$0xFFFFFFF0];
	(v2sf) =	vpush v23, $0x0  }
0xea: {  	v17 =	vld [tilespmem:s0+$0xFFFFFFE0];
	s25 =	sadd.s32 s4, s7;
	vm9 =	vle.f32 v16, v10;
	v16 =	vor.u32 s8, v1;
	(v2sf) =	vpush v21, $0x0  }
0xeb: {  	[tilespmem:s25+$0x6880] =	vst.msk vm5, v16;
	(v2sf) =	vpush v22, $0x0  }
0xec: {  	v21 =	vmpcnt.ones.xlane vm9;
	v24 =	vld [tilespmem:s0+$0xFFFFFFF0]  }
0xed: {  	vm11 =	vmmov vm8;
	vm8 =	vmmov vm0  }
0xee: {  	v26 =	vld [tilespmem:s5+$0x0];
	s3 =	simm.s32 $0x60;
	vm13 =	vle.f32 v19, v15;
	(v2sf) =	vpush v21, $0x0;
	vm5 =	vle.f32 v18, v15  }
0xef: {  	v23 =	vld [tilespmem:s5+$0x10];
	s5 =	spop (v2sf);
	s19 =	sadd.s32 s25, s6;
	vm12 =	vle.f32 v17, v10;
	v17 =	vor.u32 s3, v1;
	v19 =	vmpcnt.ones.xlane vm5  }
0xf0: {  	s4 =	simm.s32 $0x70;
	v25 =	vmpcnt.ones.xlane vm13;
	v28 =	vmpcnt.ones.xlane vm12;
	s6 =	spop (v2sf);
	[tilespmem:s19+$0x6880] =	vst.msk vm3, v17;
	vm3 =	vmmov vm1  }
0xf1: {  	s24 =	simm.s32 $0x80;
	s7 =	sadd.s32 s19, s6;
	v18 =	vor.u32 s4, v1;
	(v2sf) =	vpush v19, $0x0;
	vm1 =	vle.f32 v24, v10  }
0xf2: {  	v22 =	vld [tilespmem:s0+$0x0];
	s19 =	sadd.s32 s7, s5;
	[tilespmem:s7+$0x6880] =	vst.msk vm7, v18;
	s1 =	spop (v2sf);
	v19 =	vor.u32 s24, v1;
	(v2sf) =	vpush v25, $0x0;
	v29 =	vmpcnt.ones.xlane vm1  }
0xf3: {  	vm6 =	vmmov vm6;
	vm0 =	vmmov vm9;
	s25 =	simm.s32 $0x58A0;
	[tilespmem:s19+$0x6880] =	vst.msk vm4, v19;
	v25 =	vld [tilespmem:s0+$0x10];
	s8 =	spop (v2sf);
	(v2sf) =	vpush v28, $0x0  }
0xf4: {  	s29 =	simm.s32 $0x48A0;
	vm9 =	vle.f32 v26, v15;
	vm14 =	vle.f32 v23, v15;
	v24 =	vld [tilespmem:s25+$0xFFFFFFE0];
	(v2sf) =	vpush v29, $0x0  }
0xf5: {  	s30 =	simm.s32 $0x10;
	s31 =	simm.s32 $0x48E0;
	vm2 =	vmmov vm2;
	v26 =	vmpcnt.ones.xlane vm9;
	v21 =	vld [tilespmem:s29+$0xFFFFFFE0];
	v27 =	vmpcnt.ones.xlane vm14  }
0xf6: {  	s28 =	simm.s32 $0x58A0;
	[tilespmem:s23+$0x7900] =	vst.msk vm10, v20;
	s26 =	simm.s32 $0xB0;
	vm7 =	vmmov vm13;
	v23 =	vld [tilespmem:s29+$0xFFFFFFF0];
	vm13 =	vmmov vm11;
	vm4 =	vmmov vm12;
	s19 =	sadd.s32 s19, s8  }
.LBB2_7:
0xf7: {  	v20 =	vld [tilespmem:s31+$0xFFFFFFE0];
	s30 =	sadd.s32 $0x4, s30;
	(v2sf) =	vpush v27, $0x0;
	vm12 =	vle.f32 v22, v10;
	s0 =	spop (v2sf);
	vm10 =	vmmov vm14  }
0xf8: {  	s3 =	sadd.s32 $0x10, s24;
	p0 =	slt.u32 s30, $0xFC;
	(v2sf) =	vpush v26, $0x0;
	v22 =	vmpcnt.ones.xlane vm12;
	vm14 =	vle.f32 v25, v10;
	s4 =	spop (v2sf)  }
0xf9: {  	v26 =	vld [tilespmem:s29+$0x10];
	vm11 =	vle.f32 v24, v10;
	v24 =	vor.u32 s3, v1;
	s3 =	sadd.s32 $0x20, s24;
	s24 =	sadd.s32 $0x40, s24;
	s5 =	spop (v2sf);
	v25 =	vmpcnt.ones.xlane vm14  }
0xfa: {  	s1 =	sadd.s32 s19, s1;
	v27 =	vld [tilespmem:s29+$0x0];
	s6 =	sadd.s32 $0x30, s24;
	v28 =	vmpcnt.ones.xlane vm11;
	[tilespmem:s19+$0x6880] =	vst.msk vm8, v24;
	v29 =	vor.u32 s3, v1;
	s3 =	spop (v2sf);
	(v2sf) =	vpush v22, $0x0  }
0xfb: {  	s28 =	sadd.s32 $0x40, s28;
	s0 =	sadd.s32 s23, s0;
	vm8 =	vmmov vm5;
	v30 =	vld [tilespmem:s25+$0xFFFFFFF0];
	[tilespmem:s1+$0x6880] =	vst.msk vm6, v29;
	s1 =	sadd.s32 s1, s3;
	(v2sf) =	vpush v25, $0x0;
	vm6 =	vmmov vm9  }
0xfc: {  	vm5 =	vle.f32 v23, v15;
	vm9 =	vle.f32 v21, v15;
	v21 =	vmovc v20;
	v22 =	vld [tilespmem:s25+$0x0];
	s3 =	sadd.s32 s1, s5;
	[tilespmem:s0+$0x7900] =	vst.msk vm3, v11;
	s0 =	sadd.s32 s0, s4;
	s4 =	spop (v2sf);
	v11 =	vmov v16  }
0xfd: {  	s29 =	smov.u32 s31;
	v23 =	vmpcnt.ones.xlane vm5;
	v20 =	vmpcnt.ones.xlane vm9;
	v16 =	vmovc v24;
	[tilespmem:s0+$0x7900] =	vst.msk vm2, v12;
	s0 =	sadd.s32 s0, s4;
	s4 =	spop (v2sf);
	v12 =	vmovc v17;
	v17 =	vmov v29  }
0xfe: {  	vm2 =	vmmov vm12;
	[tilespmem:s0+$0x7900] =	vst.msk vm0, v13;
	s23 =	sadd.s32 s0, s4;
	v13 =	vmovc v18;
	v18 =	vor.u32 s26, v1;
	vm0 =	vmmov vm14;
	s26 =	smov.u32 s6  }
.Ltmp6:
0xff: {  	vm3 =	vmmov vm1;
	(v2sf) =	vpush v23, $0x0;
	v23 =	vor.u32 s24, v1;
	[tilespmem:s1+$0x6880] =	vst.msk vm13, v18;
	(pc) =	sbr.rel @p0 .LBB2_7-.Ltmp6, $4  }
0x100: {  	(v2sf) =	vpush v20, $0x0;
	[tilespmem:s3+$0x6880] =	vst.msk vm7, v23;
	vm1 =	vle.f32 v30, v10;
	v25 =	vld [tilespmem:s25+$0x10];
	vm7 =	vmmov vm9;
	s25 =	smov.u32 s28  }
0x101: {  	vm14 =	vle.f32 v26, v15;
	vm9 =	vle.f32 v27, v15;
	v24 =	vld [tilespmem:s28+$0xFFFFFFE0];
	s1 =	spop (v2sf);
	v20 =	vmpcnt.ones.xlane vm1;
	[tilespmem:s23+$0x7900] =	vst.msk vm4, v14;
	v14 =	vmovc v19  }
0x102: {  	v27 =	vmpcnt.ones.xlane vm14;
	v26 =	vmpcnt.ones.xlane vm9;
	v19 =	vmovc v23;
	s0 =	spop (v2sf);
	(v2sf) =	vpush v28, $0x0  }
0x103: {  	s31 =	sadd.s32 $0x40, s31;
	vm13 =	vmmov vm10;
	vm4 =	vmmov vm11;
	v23 =	vld [tilespmem:s29+$0xFFFFFFF0];
	s19 =	sadd.s32 s3, s0;
	(v2sf) =	vpush v20, $0x0  }
0x104: {  	vm10 =	vle.f32 v22, v10;
	v22 =	vimm.s32 $0x0  }
0x105: {  	s0 =	sadd.s32 $0x10, s24;
	v22 =	vsel vm10, $0xFFFFFFFF, v22  }
0x106: {  	v43 =	vimm.s32 $0x0;
	v20 =	vor.u32 s0, v1;
	vm15 =	vle.f32 v25, v10;
	[tilespmem:$0x1FFD0] =	vst v22  }
0x107: {  	v25 =	vsel vm15, $0xFFFFFFFF, v43;
	[tilespmem:s19+$0x6880] =	vst.msk vm8, v20  }
0x108: {  	[tilespmem:$0x1FFE0] =	vst v25  }
0x109: {  	(v2sf) =	vpush v27, $0x0;
	v25 =	vld [tilespmem:s25+$0xFFFFFFF0]  }
0x10a: {  	v46 =	vimm.s32 $0x0;
	(v2sf) =	vpush v26, $0x0;
	v22 =	vmpcnt.ones.xlane vm10;
	v44 =	vld [tilespmem:s29+$0x10]  }
0x10b: {  	v45 =	vmpcnt.ones.xlane vm15;
	vm12 =	vle.f32 v24, v10;
	vm11 =	vle.f32 v23, v15;
	v23 =	vld [tilespmem:s29+$0x0]  }
0x10c: {  	vm8 =	vle.f32 v21, v15;
	(v2sf) =	vpush v22, $0x0;
	v21 =	vmpcnt.ones.xlane vm11  }
0x10d: {  	v24 =	vsel vm12, $0xFFFFFFFF, v46;
	v22 =	vmpcnt.ones.xlane vm8;
	(v2sf) =	vpush v45, $0x0  }
0x10e: {  	s0 =	spop (v2sf);
	(v2sf) =	vpush v21, $0x0;
	v21 =	vmpcnt.ones.xlane vm12;
	vm12 =	vle.f32 v25, v10  }
0x10f: {  	s29 =	spop (v2sf);
	(v2sf) =	vpush v22, $0x0;
	vm15 =	vle.f32 v44, v15;
	v22 =	vmpcnt.ones.xlane vm12  }
0x110: {  	s3 =	spop (v2sf);
	(v2sf) =	vpush v21, $0x0;
	vm10 =	vle.f32 v23, v15;
	v47 =	vmpcnt.ones.xlane vm15  }
0x111: {  	s4 =	spop (v2sf);
	v15 =	vmpcnt.ones.xlane vm10;
	(v2sf) =	vpush v22, $0x0  }
0x112: {  	s30 =	spop (v2sf);
	(v2sf) =	vpush v47, $0x0  }
0x113: {  	s31 =	spop (v2sf);
	(v2sf) =	vpush v15, $0x0  }
0x114: {  	s5 =	sadd.s32 $0x20, s24  }
0x115: {  	s1 =	sadd.s32 s19, s1;
	[tilespmem:$0x1FFF0] =	vst v24;
	s6 =	spop (v2sf);
	v15 =	vor.u32 s5, v1  }
0x116: {  	s5 =	spop (v2sf);
	[tilespmem:s1+$0x6880] =	vst.msk vm6, v15  }
0x117: {  	s0 =	sadd.s32 s23, s0;
	s4 =	sadd.s32 s1, s4;
	s1 =	spop (v2sf);
	v22 =	vld [tilespmem:s25+$0x0]  }
0x118: {  	s19 =	sadd.s32 $0x40, s24;
	[tilespmem:s0+$0x7900] =	vst.msk vm3, v11;
	s0 =	sadd.s32 s0, s29;
	v21 =	vor.u32 s26, v1;
	s24 =	spop (v2sf)  }
0x119: {  	s3 =	sadd.s32 s4, s3;
	[tilespmem:s4+$0x6880] =	vst.msk vm13, v21;
	s4 =	sadd.s32 $0x40, s28;
	s28 =	spop (v2sf)  }
0x11a: {  	s8 =	sadd.s32 $0x10, s19;
	[tilespmem:s0+$0x7900] =	vst.msk vm2, v12;
	v23 =	vor.u32 s19, v1;
	s7 =	spop (v2sf)  }
0x11b: {  	vm14 =	vmmov vm14;
	vm5 =	vmmov vm5;
	v50 =	vor.u32 s8, v1;
	s26 =	sadd.s32 $0x20, s19;
	[tilespmem:s3+$0x6880] =	vst.msk vm7, v23;
	v48 =	vld [tilespmem:s25+$0x10];
	s3 =	sadd.s32 s3, s5;
	s25 =	spop (v2sf)  }
0x11c: {  	s8 =	sadd.s32 $0x30, s19;
	vm13 =	vmmov vm9;
	v49 =	vld [tilespmem:s4+$0xFFFFFFE0];
	[tilespmem:s3+$0x6880] =	vst.msk vm5, v50;
	s3 =	sadd.s32 s3, s6;
	vm5 =	vle.f32 v22, v10;
	v22 =	vor.u32 s26, v1;
	s26 =	spop (v2sf)  }
0x11d: {  	vm14 =	vmmov vm14;
	v28 =	vor.u32 s8, v1;
	s5 =	sadd.s32 $0x40, s19;
	[tilespmem:s3+$0x6880] =	vst.msk vm13, v22;
	s3 =	sadd.s32 s3, s7;
	s6 =	spop (v2sf)  }
0x11e: {  	vm8 =	vmmov vm8;
	v30 =	vor.u32 s5, v1;
	s19 =	sadd.s32 $0x10, s5;
	[tilespmem:s3+$0x6880] =	vst.msk vm14, v28;
	s3 =	sadd.s32 s3, s28;
	s8 =	spop (v2sf)  }
0x11f: {  	v52 =	vld [tilespmem:s4+$0xFFFFFFF0];
	v33 =	vor.u32 s19, v1;
	vm13 =	vmmov vm11;
	[tilespmem:s3+$0x6880] =	vst.msk vm8, v30;
	s3 =	sadd.s32 s3, s8;
	s8 =	spop (v2sf)  }
0x120: {  	s0 =	sadd.s32 s0, s30;
	v29 =	vld [tilespmem:s4+$0x0];
	[tilespmem:s3+$0x6880] =	vst.msk vm13, v33;
	s3 =	sadd.s32 s3, s6;
	s6 =	spop (v2sf)  }
0x121: {  	vm15 =	vmmov vm15;
	vm6 =	vle.f32 v48, v10;
	vm7 =	vle.f32 v49, v10;
	s28 =	sadd.s32 $0x20, s5;
	v32 =	vld [tilespmem:s4+$0x10];
	s4 =	sadd.s32 $0x40, s4;
	s19 =	spop (v2sf)  }
0x122: {  	[tilespmem:s0+$0x7900] =	vst.msk vm0, v13;
	v51 =	vmpcnt.ones.xlane vm5;
	vm14 =	vmmov vm10;
	s5 =	sadd.s32 $0x30, s5;
	v34 =	vor.u32 s28, v1;
	v54 =	vld [tilespmem:s4+$0xFFFFFFE0];
	s7 =	spop (v2sf)  }
0x123: {  	v53 =	vmpcnt.ones.xlane vm6;
	vm10 =	vmmov vm15;
	v58 =	vor.u32 s5, v1;
	v55 =	vld [tilespmem:s4+$0xFFFFFFF0];
	[tilespmem:s3+$0x6880] =	vst.msk vm14, v34;
	s28 =	sadd.s32 s3, s7  }
0x124: {  	s0 =	sadd.s32 s0, s31;
	v31 =	vmpcnt.ones.xlane vm7;
	(v2sf) =	vpush v51, $0x0;
	vm8 =	vle.f32 v52, v10;
	v56 =	vld [tilespmem:s4+$0x0];
	[tilespmem:s28+$0x6880] =	vst.msk vm10, v58  }
0x125: {  	[tilespmem:s0+$0x7900] =	vst.msk vm4, v14;
	(v2sf) =	vpush v53, $0x0;
	v57 =	vmpcnt.ones.xlane vm8;
	vm9 =	vle.f32 v29, v10;
	v61 =	vld [tilespmem:s4+$0x10]  }
0x126: {  	(v2sf) =	vpush v31, $0x0;
	vm13 =	vle.f32 v32, v10;
	v59 =	vmpcnt.ones.xlane vm9;
	v11 =	vld [tilespmem:$0x1FFD0]  }
0x127: {  	(v2sf) =	vpush v57, $0x0;
	vm14 =	vle.f32 v54, v10;
	v60 =	vmpcnt.ones.xlane vm13  }
0x128: {  	(v2sf) =	vpush v59, $0x0;
	v62 =	vmpcnt.ones.xlane vm14  }
0x129: {  	vm1 =	vmmov vm1;
	vm15 =	vle.f32 v55, v10;
	(v2sf) =	vpush v60, $0x0  }
0x12a: {  	v25 =	vmpcnt.ones.xlane vm15;
	vm10 =	vle.f32 v56, v10;
	(v2sf) =	vpush v62, $0x0  }
0x12b: {  	s0 =	sadd.s32 s0, s1;
	v24 =	vmpcnt.ones.xlane vm10;
	vm0 =	vle.f32 v61, v10;
	vm11 =	vnez.u8 v11  }
0x12c: {  	[tilespmem:s0+$0x7900] =	vst.msk vm1, v16;
	s0 =	sadd.s32 s0, s24;
	(v2sf) =	vpush v25, $0x0;
	v10 =	vmpcnt.ones.xlane vm0;
	vm2 =	vmmov vm11  }
0x12d: {  	(v2sf) =	vpush v24, $0x0;
	v11 =	vld [tilespmem:$0x1FFE0];
	[tilespmem:s0+$0x7900] =	vst.msk vm2, v17  }
0x12e: {  	(v2sf) =	vpush v10, $0x0;
	v10 =	vld [tilespmem:$0x1FFF0];
	_ =	sdelay $0x3  }
0x12f: {  	vm4 =	vnez.u8 v11  }
0x130: {  	s0 =	sadd.s32 s0, s25;
	vm1 =	vmmov vm4;
	vm11 =	vnez.u8 v10  }
0x131: {  	[tilespmem:s0+$0x7900] =	vst.msk vm1, v18;
	s0 =	sadd.s32 s0, s26;
	vm2 =	vmmov vm11  }
0x132: {  	vm12 =	vmmov vm12;
	[tilespmem:s0+$0x7900] =	vst.msk vm2, v19;
	s0 =	sadd.s32 s0, s8  }
0x133: {  	vm4 =	vmmov vm5;
	s26 =	spop (v2sf);
	[tilespmem:s0+$0x7900] =	vst.msk vm12, v20;
	s0 =	sadd.s32 s0, s6  }
0x134: {  	vm5 =	vmmov vm6;
	s29 =	spop (v2sf);
	[tilespmem:s0+$0x7900] =	vst.msk vm4, v15;
	s0 =	sadd.s32 s0, s26  }
0x135: {  	vm6 =	vmmov vm7;
	s30 =	spop (v2sf);
	[tilespmem:s0+$0x7900] =	vst.msk vm5, v21;
	s0 =	sadd.s32 s0, s29  }
0x136: {  	vm7 =	vmmov vm8;
	s31 =	spop (v2sf);
	[tilespmem:s0+$0x7900] =	vst.msk vm6, v23;
	s0 =	sadd.s32 s0, s30  }
0x137: {  	vm8 =	vmmov vm9;
	s3 =	spop (v2sf);
	[tilespmem:s0+$0x7900] =	vst.msk vm7, v50;
	s0 =	sadd.s32 s0, s31  }
0x138: {  	vm9 =	vmmov vm13;
	s4 =	spop (v2sf);
	[tilespmem:s0+$0x7900] =	vst.msk vm8, v22;
	s0 =	sadd.s32 s0, s3  }
0x139: {  	vm11 =	vmmov vm14;
	s5 =	spop (v2sf);
	[tilespmem:s0+$0x7900] =	vst.msk vm9, v28;
	s0 =	sadd.s32 s0, s4  }
0x13a: {  	vm12 =	vmmov vm15;
	s6 =	spop (v2sf);
	[tilespmem:s0+$0x7900] =	vst.msk vm11, v30;
	s0 =	sadd.s32 s0, s5  }
0x13b: {  	vm13 =	vmmov vm10;
	s7 =	spop (v2sf);
	[tilespmem:s0+$0x7900] =	vst.msk vm12, v33;
	s0 =	sadd.s32 s0, s6  }
0x13c: {  	vm0 =	vmmov vm0;
	[tilespmem:s0+$0x7900] =	vst.msk vm13, v34;
	s0 =	sadd.s32 s0, s7  }
0x13d: {  	s23 =	sadd.s32 s28, s19;
	[tilespmem:s0+$0x7900] =	vst.msk vm0, v58  }
0x13e: {  	[tilespmem:s23+$0x6880] =	vst v2  }
0x13f: {  	s8 =	spop (v2sf);
	[tilespmem:s23+$0x6890] =	vst v2  }
0x140: {  	s24 =	sadd.s32 s0, s8;
	[tilespmem:s23+$0x68A0] =	vst v2  }
0x141: {  	[tilespmem:s24+$0x7900] =	vst v2  }
0x142: {  	[tilespmem:s24+$0x7910] =	vst v2  }
0x143: {  	[tilespmem:s24+$0x7920] =	vst v2  }
0x144: {  	v10 =	vld [tilespmem:$0x6880];
	_ =	sdelay $0x1  }
0x145: {  	v11 =	vld [tilespmem:$0x6890];
	_ =	sdelay $0x5  }
0x146: {  	v12 =	vld.idx.msk [tilespmem:v10+s2+$0x0], $0xffff  }
0x147: {  	v13 =	vld.idx.msk [tilespmem:v10+s14+$0x0], $0xffff  }
0x148: {  	v14 =	vld.idx.msk [tilespmem:v11+s2+$0x0], $0xffff  }
0x149: {  	v15 =	vld.idx.msk [tilespmem:v11+s14+$0x0], $0xffff  }
0x14a: {  	v16 =	vld.idx.msk [tilespmem:v10+s15+$0x0], $0xffff  }
0x14b: {  	v17 =	vld.idx.msk [tilespmem:v11+s15+$0x0], $0xffff;
	_ =	sdelay $0x1  }
0x14c: {  	v12 =	vsub.f32 v12, v9;
	v13 =	vsub.f32 v13, v5  }
0x14d: {  	v14 =	vsub.f32 v14, v9;
	v15 =	vsub.f32 v15, v5  }
0x14e: {  	v16 =	vsub.f32 v16, v4;
	v12 =	vmul.f32 v12, v12;
	v13 =	vmul.f32 v13, v13  }
0x14f: {  	v17 =	vsub.f32 v17, v4;
	v14 =	vmul.f32 v14, v14  }
0x150: {  	v15 =	vmul.f32 v15, v15;
	v12 =	vadd.f32 v13, v12;
	v13 =	vmul.f32 v16, v16;
	_ =	sdelay $0x1  }
0x151: {  	v14 =	vadd.f32 v15, v14;
	v15 =	vmul.f32 v17, v17;
	v12 =	vadd.f32 v13, v12;
	_ =	sdelay $0x1  }
0x152: {  	v13 =	vadd.f32 v15, v14;
	(xrf1) =	vsort.ascd.msk.f32 $0xffff, v12, v10;
	v12 =	vld [tilespmem:$0x7910];
	_ =	sdelay $0x1  }
0x153: {  	(xrf1) =	vsort.ascd.msk.f32 $0xffff, v13, v11;
	v11 =	vld [tilespmem:$0x7900];
	_ =	sdelay $0x5  }
0x154: {  	v15 =	vld.idx.msk [tilespmem:v12+s2+$0x0], $0xffff  }
0x155: {  	v18 =	vld.idx.msk [tilespmem:v12+s14+$0x0], $0xffff  }
0x156: {  	v13 =	vld.idx.msk [tilespmem:v11+s2+$0x0], $0xffff  }
0x157: {  	v14 =	vld.idx.msk [tilespmem:v11+s14+$0x0], $0xffff  }
0x158: {  	v22 =	vld.idx.msk [tilespmem:v12+s15+$0x0], $0xffff  }
0x159: {  	v10 =	vmul.u32 $0xFFFFFFFF, v1;
	v21 =	vld.idx.msk [tilespmem:v11+s15+$0x0], $0xffff  }
0x15a: {  	v15 =	vsub.f32 v15, v8  }
0x15b: {  	v10 =	vadd.s32 $0xF, v10;
	v18 =	vsub.f32 v18, v7;
	v16, v17, _ =	vpop (xrf1)  }
0x15c: {  	v13 =	vsub.f32 v13, v8;
	v14 =	vsub.f32 v14, v7;
	v19, v20, _ =	vpop (xrf1);
	v15 =	vmul.f32 v15, v15  }
0x15d: {  	v22 =	vsub.f32 v22, v6;
	v18 =	vmul.f32 v18, v18;
	v19 =	vperm.xlane v19, v10  }
0x15e: {  	v21 =	vsub.f32 v21, v6;
	v13 =	vmul.f32 v13, v13;
	v14 =	vmul.f32 v14, v14  }
0x15f: {  	v20 =	vperm.xlane v20, v10;
	v15 =	vadd.f32 v18, v15;
	v18 =	vmul.f32 v22, v22  }
0x160: {  	vm14 =	vle.f32 v16, v19;
	v13 =	vadd.f32 v14, v13;
	v14 =	vmul.f32 v21, v21  }
0x161: {  	v23 =	vsel vm14, v16, v19;
	v63 =	vsel vm14, v17, v20;
	v16 =	vsel vm14, v19, v16  }
0x162: {  	v17 =	vsel vm14, v20, v17;
	(xrf1) =	vsort.ascd.msk.f32 $0xffff, v23, v63;
	v13 =	vadd.f32 v14, v13  }
0x163: {  	v14 =	vadd.f32 v18, v15;
	(xrf1) =	vsort.ascd.msk.f32 $0xffff, v16, v17  }
0x164: {  	(xrf1) =	vsort.ascd.msk.f32 $0xffff, v13, v11  }
0x165: {  	(xrf1) =	vsort.ascd.msk.f32 $0xffff, v14, v12;
	_ =	sdelay $0xa  }
0x166: {  	v13, v11, _ =	vpop (xrf1)  }
0x167: {  	v14, v12, _ =	vpop (xrf1)  }
0x168: {  	v15, v16, _ =	vpop (xrf1)  }
0x169: {  	v17, v18, _ =	vpop (xrf1)  }
0x16a: {  	v17 =	vperm.xlane v17, v10  }
0x16b: {  	v18 =	vperm.xlane v18, v10  }
0x16c: {  	s19 =	sadd.s32 $0xFFFFFFFF, s23;
	vm15 =	vle.f32 v15, v17  }
0x16d: {  	s25 =	sshra.s32 s19, $0x1F;
	s26 =	sand.u32 $0x1F, s19;
	v19 =	vsel vm15, v15, v17;
	v20 =	vsel vm15, v16, v18  }
0x16e: {  	p0 =	slt.s32 s19, $0x1;
	s1 =	sshrl.u32 s25, $0x1B;
	p1 =	sne.s32 s26, $0x0;
	v15 =	vsel vm15, v17, v15;
	v16 =	vsel vm15, v18, v16;
	(xrf1) =	vsort.ascd.msk.f32 $0xffff, v19, v20  }
0x16f: {  	s1 =	sadd.s32 s1, s19;
	p0 =	por !p0, !p1;
	s28 =	sadd.s32 $0xFFFFFFFF, s24;
	(xrf1) =	vsort.ascd.msk.f32 $0xffff, v15, v16  }
0x170: {  	s30 =	sshra.s32 s1, $0x5;
	p0 =	por !p0, !p0;
	s29 =	sand.u32 $0x1F, s28  }
0x171: {  	p6 =	slt.s32 s28, $0x1;
	s31 =	sshra.s32 s28, $0x1F;
	p2 =	sne.s32 s29, $0x0  }
0x172: {  	s3 =	simm.s32 $0x1;
	s1 =	sshrl.u32 s31, $0x1B;
	p1 =	por !p6, !p2  }
0x173: {  	s4 =	simm.s32 $0x1;
	s1 =	sadd.s32 s1, s28;
	p1 =	por !p1, !p1  }
0x174: {  	s3 =	simm.s32 @!p0 $0x0;
	s1 =	sshra.s32 s1, $0x5;
	s4 =	simm.s32 @!p1 $0x0  }
0x175: {  	s3 =	ssub.s32 s30, s3;
	s0 =	ssub.s32 s1, s4  }
0x176: {  	p0 =	sgt.s32 s3, s0  }
0x177: {  	s0 =	smov.u32 @p0 s3  }
0x178: {  	p0 =	slt.s32 s0, $0x1  }
.Ltmp7:
0x179: {  	_ = 	snop;
	(pc) =	sbr.rel @p0 .LBB2_9-.Ltmp7, $3  }
0x17a: {  	_ =	sdelay $0x1  }
0x17b: {  	v20, v19, _ =	vpop (xrf1)  }
0x17c: {  	v17 =	vimm.f32 $+Inf;
	v16 =	vimm.s32 $0x0;
	v18, v15, _ =	vpop (xrf1)  }
0x17d: {  	s1 =	sadd.s32 $0xF, s24  }
0x17e: {  	s26 =	sadd.s32 $0xF, s23;
	s3 =	sand.u32 $0xF, s1;
	s4 =	sshra.s32 s1, $0x1F  }
0x17f: {  	p0 =	slt.s32 s1, $0x1;
	s5 =	sshra.s32 s26, $0x1F;
	p1 =	sne.s32 s3, $0x0  }
0x180: {  	s28 =	sand.u32 $0xF, s26;
	s4 =	sshrl.u32 s4, $0x1C;
	p0 =	por !p0, !p1  }
0x181: {  	s1 =	sadd.s32 s4, s1;
	s4 =	simm.s32 $0x1;
	p0 =	por !p0, !p0  }
0x182: {  	p5 =	slt.s32 s26, $0x1;
	s1 =	sshra.s32 s1, $0x4;
	s4 =	simm.s32 @!p0 $0x0  }
0x183: {  	s5 =	sshrl.u32 s5, $0x1C;
	p2 =	sne.s32 s28, $0x0;
	s23 =	ssub.s32 s1, s4  }
0x184: {  	s4 =	simm.s32 $0x2;
	p0 =	sgt.s32 s23, $0x2;
	s6 =	smov.u32 s23  }
0x185: {  	s29 =	sadd.s32 s5, s26;
	p6 =	por !p5, !p2;
	s6 =	smov.u32 @p0 s4  }
0x186: {  	s5 =	simm.s32 $0x1;
	p0 =	por !p6, !p6;
	s30 =	sshll.u32 s6, $0x6  }
0x187: {  	s1 =	sshra.s32 s29, $0x4;
	s5 =	simm.s32 @!p0 $0x0;
	s3 =	sshra.s32 s30, $0x2  }
0x188: {  	s24 =	ssub.s32 s1, s5;
	v34 =	vld [tilespmem:s3+$0x7900]  }
0x189: {  	p0 =	sgt.s32 s24, $0x2;
	s1 =	smov.u32 s24  }
0x18a: {  	s3 =	simm.s32 $0x3;
	s1 =	smov.u32 @p0 s4  }
0x18b: {  	p0 =	sgt.s32 s24, $0x3;
	s4 =	smov.u32 s24;
	s1 =	sshll.u32 s1, $0x6  }
0x18c: {  	s4 =	smov.u32 @p0 s3;
	s1 =	sshra.s32 s1, $0x2  }
0x18d: {  	s4 =	sshll.u32 s4, $0x6;
	v35 =	vld [tilespmem:s1+$0x6880]  }
0x18e: {  	p0 =	sgt.s32 s23, $0x3;
	s1 =	smov.u32 s23;
	s31 =	sshra.s32 s4, $0x2  }
0x18f: {  	s1 =	smov.u32 @p0 s3;
	v27 =	vld [tilespmem:s31+$0x6880]  }
0x190: {  	s1 =	sshll.u32 s1, $0x6;
	v21 =	vld.idx.msk [tilespmem:v34+s14+$0x0], $0xffff  }
0x191: {  	s1 =	sshra.s32 s1, $0x2;
	v22 =	vld.idx.msk [tilespmem:v34+s2+$0x0], $0xffff  }
0x192: {  	v32 =	vld [tilespmem:s1+$0x7900]  }
0x193: {  	v23 =	vld.idx.msk [tilespmem:v34+s15+$0x0], $0xffff;
	_ =	sdelay $0x1  }
0x194: {  	v24 =	vld.idx.msk [tilespmem:v35+s15+$0x0], $0xffff  }
0x195: {  	v25 =	vld.idx.msk [tilespmem:v35+s2+$0x0], $0xffff;
	v21 =	vsub.f32 v21, v7;
	v22 =	vsub.f32 v22, v8  }
0x196: {  	p3 =	sne.s32 s0, $0x1;
	v42 =	vld.idx.msk [tilespmem:v35+s14+$0x0], $0xffff  }
.Ltmp8:
0x197: {  	v23 =	vsub.f32 v23, v6;
	v37 =	vld.idx.msk [tilespmem:v27+s2+$0x0], $0xffff;
	v21 =	vmul.f32 v21, v21;
	v22 =	vmul.f32 v22, v22;
	(pc) =	sbr.rel @!p3 .LBB2_11-.Ltmp8, $4  }
0x198: {  	v31 =	vld.idx.msk [tilespmem:v27+s14+$0x0], $0xffff  }
0x199: {  	v39 =	vld.idx.msk [tilespmem:v32+s2+$0x0], $0xffff;
	v21 =	vadd.f32 v21, v22;
	v22 =	vmul.f32 v23, v23  }
0x19a: {  	s0 =	sadd.s32 $0xFFFFFFFF, s0;
	p1 =	por $0x0, $0x0;
	v40 =	vld.idx.msk [tilespmem:v32+s14+$0x0], $0xffff;
	v50 =	vsub.f32 v24, v4  }
0x19b: {  	p2 =	por $0x0, $0x0;
	p0 =	por $0x0, $0x0;
	s1 =	simm.s32 $0x4;
	v38 =	vld.idx.msk [tilespmem:v32+s15+$0x0], $0xffff;
	v51 =	vsub.f32 v25, v9;
	v33 =	vadd.f32 v22, v21  }
0x19c: {  	p0 =	sgt.s32 s23, $0x4;
	s3 =	smov.u32 s23  }
0x19d: {  	s3 =	smov.u32 @p0 s1  }
0x19e: {  	v21 =	vsub.f32 v42, v5;
	s3 =	sshll.u32 s3, $0x6  }
0x19f: {  	s3 =	sshra.s32 s3, $0x2  }
0x1a0: {  	v22 =	vmul.f32 v51, v51;
	v21 =	vmul.f32 v21, v21;
	v24 =	vld [tilespmem:s3+$0x7900]  }
0x1a1: {  	p0 =	sgt.s32 s24, $0x4;
	s3 =	smov.u32 s24  }
0x1a2: {  	v23 =	vmul.f32 v50, v50;
	s4 =	smov.u32 s24;
	v21 =	vadd.f32 v21, v22;
	s3 =	smov.u32 @p0 s1  }
0x1a3: {  	p0 =	sgt.s32 s24, $0x5;
	s1 =	sshll.u32 s3, $0x6;
	s3 =	simm.s32 $0x5  }
0x1a4: {  	v21 =	vadd.f32 v23, v21;
	s1 =	sshra.s32 s1, $0x2;
	s4 =	smov.u32 @p0 s3  }
0x1a5: {  	(xrf1) =	vsort.ascd.msk.f32 $0xffff, v33, v34;
	v25 =	vld [tilespmem:s1+$0x6880];
	s4 =	sshll.u32 s4, $0x6  }
0x1a6: {  	v22 =	vld.idx.msk [tilespmem:v27+s15+$0x0], $0xffff;
	p0 =	sgt.s32 s23, $0x5;
	s1 =	smov.u32 s23;
	(xrf1) =	vsort.ascd.msk.f32 $0xffff, v21, v35;
	s31 =	sshra.s32 s4, $0x2  }
0x1a7: {  	v28 =	vsub.f32 v40, v7;
	v23 =	vsub.f32 v39, v8;
	s1 =	smov.u32 @p0 s3;
	v26 =	vld [tilespmem:s31+$0x6880]  }
0x1a8: {  	v31 =	vsub.f32 v31, v5;
	s1 =	sshll.u32 s1, $0x6;
	v21 =	vld.idx.msk [tilespmem:v24+s14+$0x0], $0xffff  }
0x1a9: {  	v60 =	vsub.f32 v37, v9;
	v28 =	vmul.f32 v28, v28;
	v30 =	vmul.f32 v23, v23;
	s1 =	sshra.s32 s1, $0x2;
	v29 =	vld.idx.msk [tilespmem:v24+s2+$0x0], $0xffff  }
0x1aa: {  	v31 =	vmul.f32 v31, v31;
	v23 =	vld [tilespmem:s1+$0x7900]  }
0x1ab: {  	v22 =	vsub.f32 v22, v4;
	v28 =	vadd.f32 v28, v30;
	v30 =	vmul.f32 v60, v60;
	v61 =	vld.idx.msk [tilespmem:v24+s15+$0x0], $0xffff;
	_ =	sdelay $0x1  }
0x1ac: {  	v62 =	vsub.f32 v38, v6;
	v22 =	vmul.f32 v22, v22;
	v30 =	vadd.f32 v31, v30;
	v63 =	vld.idx.msk [tilespmem:v25+s15+$0x0], $0xffff  }
0x1ad: {  	v36 =	vld.idx.msk [tilespmem:v25+s2+$0x0], $0xffff;
	v21 =	vsub.f32 v21, v7;
	v29 =	vsub.f32 v29, v8  }
0x1ae: {  	p3 =	sne.s32 s0, $0x1;
	v35 =	vmul.f32 v62, v62;
	v22 =	vadd.f32 v22, v30;
	v42 =	vld.idx.msk [tilespmem:v25+s14+$0x0], $0xffff  }
.Ltmp9:
0x1af: {  	v34 =	vsub.f32 v61, v6;
	v37 =	vld.idx.msk [tilespmem:v26+s2+$0x0], $0xffff;
	v21 =	vmul.f32 v21, v21;
	v29 =	vmul.f32 v29, v29;
	(pc) =	sbr.rel @!p3 .LBB2_13-.Ltmp9, $4  }
0x1b0: {  	v28 =	vadd.f32 v35, v28;
	v31 =	vld.idx.msk [tilespmem:v26+s14+$0x0], $0xffff  }
0x1b1: {  	v30 =	vmul.f32 v34, v34;
	v39 =	vld.idx.msk [tilespmem:v23+s2+$0x0], $0xffff;
	v29 =	vadd.f32 v21, v29  }
0x1b2: {  	(xrf1) =	vsort.ascd.msk.f32 $0xffff, v28, v32;
	v45, v44, _ =	vpop (xrf1);
	v40 =	vld.idx.msk [tilespmem:v23+s14+$0x0], $0xffff;
	v50 =	vsub.f32 v63, v4  }
0x1b3: {  	s0 =	sadd.s32 $0xFFFFFFFF, s0;
	p0 =	por $0x1, $0x1;
	s1 =	simm.s32 $0x6;
	(xrf1) =	vsort.ascd.msk.f32 $0xffff, v22, v27;
	v38 =	vld.idx.msk [tilespmem:v23+s15+$0x0], $0xffff;
	v51 =	vsub.f32 v36, v9;
	v21, v22, _ =	vpop (xrf1);
	v33 =	vadd.f32 v30, v29  }
0x1b4: {  	p1 =	sgt.s32 s23, $0x6;
	s3 =	smov.u32 s23  }
0x1b5: {  	s3 =	smov.u32 @p1 s1  }
0x1b6: {  	s3 =	sshll.u32 s3, $0x6  }
0x1b7: {  	v27 =	vsub.f32 v42, v5;
	v28 =	vmul.f32 v50, v50;
	s3 =	sshra.s32 s3, $0x2  }
0x1b8: {  	v35 =	vsub.f32 v37, v9;
	v36 =	vperm.xlane v45, v10;
	v29 =	vmul.f32 v51, v51;
	v34 =	vld [tilespmem:s3+$0x7900]  }
0x1b9: {  	v32 =	vld.idx.msk [tilespmem:v26+s15+$0x0], $0xffff;
	v31 =	vsub.f32 v31, v5;
	(xrf1) =	vsort.ascd.msk.f32 $0xffff, v33, v24;
	v27 =	vmul.f32 v27, v27  }
0x1ba: {  	s4 =	smov.u32 s24;
	p1 =	sgt.s32 s24, $0x6;
	v30 =	vsub.f32 v39, v8;
	vm0 =	vle.f32 v18, v36;
	v52 =	vmul.f32 v35, v35;
	s3 =	smov.u32 s24  }
0x1bb: {  	v48 =	vsub.f32 v40, v7;
	v31 =	vmul.f32 v31, v31;
	v27 =	vadd.f32 v27, v29;
	s3 =	smov.u32 @p1 s1;
	s1 =	simm.s32 $0x7;
	p1 =	sgt.s32 s24, $0x7  }
0x1bc: {  	v53 =	vsel vm0, v18, v36;
	v29 =	vperm.xlane v44, v10;
	v30 =	vmul.f32 v30, v30;
	s3 =	sshll.u32 s3, $0x6;
	s4 =	smov.u32 @p1 s1  }
0x1bd: {  	v38 =	vsub.f32 v38, v6;
	v37 =	vmul.f32 v48, v48;
	v27 =	vadd.f32 v28, v27;
	s3 =	sshra.s32 s3, $0x2;
	s4 =	sshll.u32 s4, $0x6  }
0x1be: {  	vm1 =	vle.f32 v20, v53;
	v24 =	vsub.f32 v32, v4;
	v31 =	vadd.f32 v31, v52;
	v35 =	vld [tilespmem:s3+$0x6880];
	s4 =	sshra.s32 s4, $0x2  }
0x1bf: {  	v51 =	vmul.f32 v38, v38;
	p1 =	sgt.s32 s23, $0x7;
	v30 =	vadd.f32 v37, v30;
	s3 =	smov.u32 s23;
	(xrf1) =	vsort.ascd.msk.f32 $0xffff, v27, v25;
	v27 =	vld [tilespmem:s4+$0x6880]  }
0x1c0: {  	v54 =	vsel vm1, v53, v20;
	v29 =	vsel vm0, v15, v29;
	v24 =	vmul.f32 v24, v24;
	s3 =	smov.u32 @p1 s1;
	v25 =	vld.idx.msk [tilespmem:v34+s14+$0x0], $0xffff  }
0x1c1: {  	v33 =	vsel vm1, v20, v53;
	v59 =	vsel vm1, v29, v19;
	v30 =	vadd.f32 v51, v30;
	s1 =	sshll.u32 s3, $0x6;
	v49, v50, _ =	vpop (xrf1);
	v56 =	vld.idx.msk [tilespmem:v34+s2+$0x0], $0xffff  }
0x1c2: {  	v41 =	vadd.f32 v24, v31;
	(xrf1) =	vsort.ascd.msk.f32 $0xffff, v54, v59;
	s1 =	sshra.s32 s1, $0x2;
	v24 =	vld.idx.msk [tilespmem:v34+s15+$0x0], $0xffff;
	v28 =	vperm.xlane v49, v10  }
0x1c3: {  	v29 =	vsel vm1, v19, v29;
	v32 =	vld [tilespmem:s1+$0x7900];
	(xrf1) =	vsort.ascd.msk.f32 $0xffff, v30, v23;
	v55 =	vperm.xlane v50, v10;
	v58, v57, _ =	vpop (xrf1)  }
0x1c4: {  	v23 =	vperm.xlane v22, v10;
	v38 =	vperm.xlane v58, v10;
	vm0 =	vle.f32 v17, v28  }
0x1c5: {  	v22 =	vperm.xlane v57, v10;
	v28 =	vsel vm0, v17, v28;
	v36 =	vsel vm0, v16, v55  }
0x1c6: {  	v60 =	vld.idx.msk [tilespmem:v35+s15+$0x0], $0xffff;
	vm1 =	vle.f32 v17, v38;
	vm0 =	vle.f32 v17, v28;
	v25 =	vsub.f32 v25, v7  }
0x1c7: {  	v43 =	vld.idx.msk [tilespmem:v35+s2+$0x0], $0xffff;
	v61 =	vsub.f32 v56, v8;
	v30 =	vsel vm0, v28, v17;
	v31 =	vsel vm0, v36, v16  }
0x1c8: {  	p3 =	sne.s32 s0, $0x1;
	v42 =	vld.idx.msk [tilespmem:v35+s14+$0x0], $0xffff;
	(xrf1) =	vsort.ascd.msk.f32 $0xffff, v30, v31;
	v30 =	vsub.f32 v24, v6;
	v62 =	vmul.f32 v25, v25  }
.Ltmp10:
0x1c9: {  	v37 =	vld.idx.msk [tilespmem:v27+s2+$0x0], $0xffff;
	v25 =	vperm.xlane v21, v10;
	(xrf1) =	vsort.ascd.msk.f32 $0xffff, v33, v29;
	v29 =	vmul.f32 v61, v61;
	(pc) =	sbr.rel @!p3 .LBB2_15-.Ltmp10, $4  }
0x1ca: {  	v24 =	vsel vm0, v17, v28;
	v31 =	vld.idx.msk [tilespmem:v27+s14+$0x0], $0xffff;
	v28 =	vsel vm1, v17, v38;
	(xrf1) =	vsort.ascd.msk.f32 $0xffff, v41, v26  }
0x1cb: {  	v39 =	vld.idx.msk [tilespmem:v32+s2+$0x0], $0xffff;
	v26 =	vsel vm0, v16, v36;
	v30 =	vmul.f32 v30, v30;
	v63 =	vadd.f32 v62, v29  }
0x1cc: {  	v45, v44, _ =	vpop (xrf1);
	v40 =	vld.idx.msk [tilespmem:v32+s14+$0x0], $0xffff;
	v50 =	vsub.f32 v60, v4;
	vm0 =	vle.f32 v17, v28;
	v29 =	vsel vm1, v16, v22  }
0x1cd: {  	s25 =	sadd.s32 $0xFFFFFFFF, s0;
	s0 =	simm.s32 $0x8;
	p1 =	por $0x1, $0x1;
	v38 =	vld.idx.msk [tilespmem:v32+s15+$0x0], $0xffff;
	v51 =	vsub.f32 v43, v9;
	v21, v22, _ =	vpop (xrf1);
	v33 =	vadd.f32 v30, v63;
	v30 =	vsel vm0, v29, v16  }
0x1ce: {  	v36 =	vsub.f32 v42, v5;
	v41 =	vmul.f32 v50, v50;
	(xrf1) =	vsort.ascd.msk.f32 $0xffff, v24, v26  }
0x1cf: {  	v37 =	vsub.f32 v37, v9;
	v56 =	vsel vm0, v17, v28;
	v43 =	vsel vm0, v28, v17  }
0x1d0: {  	p2 =	sgt.s32 s23, $0x8;
	s1 =	smov.u32 s23;
	v47 =	vsel vm0, v16, v29;
	v45 =	vperm.xlane v45, v10;
	v44 =	vperm.xlane v44, v10  }
0x1d1: {  	vm1 =	vle.f32 v14, v25;
	s1 =	smov.u32 @p2 s0;
	v46 =	vmul.f32 v51, v51;
	(xrf1) =	vsort.ascd.msk.f32 $0xffff, v56, v47  }
0x1d2: {  	v57 =	vld.idx.msk [tilespmem:v27+s15+$0x0], $0xffff;
	v50 =	vsel vm1, v12, v23;
	v31 =	vsub.f32 v31, v5;
	v36 =	vmul.f32 v36, v36;
	s1 =	sshll.u32 s1, $0x6  }
0x1d3: {  	v53 =	vsel vm1, v14, v25;
	v39 =	vsub.f32 v39, v8;
	(xrf1) =	vsort.ascd.msk.f32 $0xffff, v43, v30;
	s1 =	sshra.s32 s1, $0x2  }
0x1d4: {  	v37 =	vmul.f32 v37, v37;
	v40 =	vsub.f32 v40, v7;
	v46 =	vadd.f32 v36, v46;
	v36 =	vld [tilespmem:s1+$0x7900]  }
0x1d5: {  	(xrf1) =	vsort.ascd.msk.f32 $0xffff, v33, v34;
	v31 =	vmul.f32 v31, v31;
	v42, v47, _ =	vpop (xrf1);
	v39 =	vmul.f32 v39, v39  }
0x1d6: {  	s3 =	smov.u32 s24;
	p2 =	sgt.s32 s24, $0x8;
	v38 =	vsub.f32 v38, v6;
	s1 =	smov.u32 s24;
	vm2 =	vle.f32 v42, v45;
	v48, v49, _ =	vpop (xrf1);
	v40 =	vmul.f32 v40, v40  }
0x1d7: {  	s1 =	smov.u32 @p2 s0;
	s0 =	simm.s32 $0x9;
	p2 =	sgt.s32 s24, $0x9;
	v58 =	vsub.f32 v57, v4;
	v31 =	vadd.f32 v31, v37;
	v48 =	vperm.xlane v48, v10  }
0x1d8: {  	v46 =	vadd.f32 v41, v46;
	v38 =	vmul.f32 v38, v38;
	s1 =	sshll.u32 s1, $0x6;
	s3 =	smov.u32 @p2 s0;
	v61 =	vperm.xlane v49, v10  }
0x1d9: {  	v39 =	vadd.f32 v40, v39;
	v40 =	vsel vm2, v42, v45;
	s1 =	sshra.s32 s1, $0x2;
	s3 =	sshll.u32 s3, $0x6;
	v33 =	vmul.f32 v58, v58  }
0x1da: {  	v51, v52, _ =	vpop (xrf1);
	v41 =	vld [tilespmem:s1+$0x6880];
	(xrf1) =	vsort.ascd.msk.f32 $0xffff, v46, v35;
	v35 =	vsel vm2, v47, v44;
	s3 =	sshra.s32 s3, $0x2;
	vm2 =	vle.f32 v13, v53  }
0x1db: {  	p2 =	sgt.s32 s23, $0x9;
	s1 =	smov.u32 s23;
	v47 =	vperm.xlane v21, v10;
	v42, v45, _ =	vpop (xrf1);
	v38 =	vadd.f32 v38, v39;
	v34 =	vld [tilespmem:s3+$0x6880];
	v46 =	vsel vm2, v13, v53  }
0x1dc: {  	s1 =	smov.u32 @p2 s0;
	v63 =	vsel vm2, v11, v50;
	v33 =	vadd.f32 v33, v31;
	vm1 =	vle.f32 v42, v40;
	v44 =	vld.idx.msk [tilespmem:v36+s14+$0x0], $0xffff  }
0x1dd: {  	vm3 =	vle.f32 v51, v48;
	s0 =	sshll.u32 s1, $0x6;
	v59 =	vsel vm1, v40, v42;
	v62 =	vsel vm1, v35, v45;
	v55 =	vld.idx.msk [tilespmem:v36+s2+$0x0], $0xffff  }
0x1de: {  	v60, v54, _ =	vpop (xrf1);
	v39 =	vsel vm3, v52, v61;
	v61 =	vsel vm2, v50, v11;
	s0 =	sshra.s32 s0, $0x2;
	(xrf1) =	vsort.ascd.msk.f32 $0xffff, v59, v62;
	v31 =	vld.idx.msk [tilespmem:v36+s15+$0x0], $0xffff  }
0x1df: {  	v56 =	vperm.xlane v60, v10;
	v35 =	vsel vm1, v45, v35;
	v43 =	vld [tilespmem:s0+$0x7900];
	(xrf1) =	vsort.ascd.msk.f32 $0xffff, v38, v32  }
0x1e0: {  	v62 =	vsel vm2, v53, v13;
	v32 =	vsel vm3, v51, v48;
	v50, v57, _ =	vpop (xrf1);
	(xrf1) =	vsort.ascd.msk.f32 $0xffff, v46, v63  }
0x1e1: {  	v46 =	vperm.xlane v22, v10;
	vm2 =	vle.f32 v50, v32;
	v44 =	vsub.f32 v44, v7  }
0x1e2: {  	v22 =	vperm.xlane v54, v10;
	(xrf1) =	vsort.ascd.msk.f32 $0xffff, v62, v61;
	v63 =	vsel vm2, v32, v50;
	v38 =	vld.idx.msk [tilespmem:v41+s15+$0x0], $0xffff  }
0x1e3: {  	v48, v49, _ =	vpop (xrf1);
	v54 =	vsel vm2, v39, v57;
	v51 =	vld.idx.msk [tilespmem:v41+s2+$0x0], $0xffff;
	v58 =	vsub.f32 v55, v8;
	v44 =	vmul.f32 v44, v44  }
0x1e4: {  	p3 =	sne.s32 s25, $0x1;
	v40 =	vsel vm1, v42, v40;
	v42 =	vld.idx.msk [tilespmem:v41+s14+$0x0], $0xffff;
	v61, v60, _ =	vpop (xrf1);
	(xrf1) =	vsort.ascd.msk.f32 $0xffff, v63, v54;
	v59 =	vsub.f32 v31, v6  }
.Ltmp11:
0x1e5: {  	v37 =	vld.idx.msk [tilespmem:v34+s2+$0x0], $0xffff;
	vm1 =	vle.f32 v61, v56;
	(xrf1) =	vsort.ascd.msk.f32 $0xffff, v40, v35;
	v62 =	vmul.f32 v58, v58;
	(pc) =	sbr.rel @!p3 .LBB2_17-.Ltmp11, $4  }
0x1e6: {  	v52 =	vsel vm2, v50, v32;
	v53 =	vsel vm2, v57, v39;
	v31 =	vld.idx.msk [tilespmem:v34+s14+$0x0], $0xffff;
	v54 =	vsel vm1, v61, v56  }
0x1e7: {  	(xrf1) =	vsort.ascd.msk.f32 $0xffff, v33, v27;
	v63 =	vmul.f32 v59, v59;
	v39 =	vld.idx.msk [tilespmem:v43+s2+$0x0], $0xffff;
	v27 =	vadd.f32 v44, v62  }
0x1e8: {  	v56 =	vsel vm1, v60, v22;
	vm1 =	vle.f32 v48, v54;
	v40 =	vld.idx.msk [tilespmem:v43+s14+$0x0], $0xffff;
	v50 =	vsub.f32 v38, v4;
	v45, v44, _ =	vpop (xrf1)  }
0x1e9: {  	s25 =	sadd.s32 $0xFFFFFFFF, s25;
	s26 =	simm.s32 $0xA;
	p2 =	por $0x1, $0x1;
	v55 =	vsel vm1, v56, v49;
	v51 =	vsub.f32 v51, v9;
	v38 =	vld.idx.msk [tilespmem:v43+s15+$0x0], $0xffff;
	v33 =	vadd.f32 v63, v27;
	v21, v22, _ =	vpop (xrf1)  }
.LBB2_18:
0x1ea: {  	p4 =	slt.s32 s26, s23;
	v27 =	vsub.f32 v42, v5;
	v32 =	vmul.f32 v50, v50  }
0x1eb: {  	p3 =	sne.s32 s25, $0x1;
	s25 =	sadd.s32 $0xFFFFFFFF, s25;
	v35 =	vld.idx.msk [tilespmem:v34+s15+$0x0], $0xffff;
	(xrf1) =	vsort.ascd.msk.f32 $0xffff, v52, v53;
	s0 =	smov.u32 s23;
	v49 =	vsel vm1, v49, v56;
	v51 =	vmul.f32 v51, v51  }
0x1ec: {  	v37 =	vsub.f32 v37, v9;
	v42 =	vsel vm1, v48, v54;
	v48 =	vsel vm1, v54, v48;
	s0 =	smov.u32 @p4 s26;
	v52, v50, _ =	vpop (xrf1)  }
0x1ed: {  	v53 =	vmov v34;
	s0 =	sshll.u32 s0, $0x6;
	v27 =	vmul.f32 v27, v27  }
0x1ee: {  	v34 =	vsub.f32 v39, v8;
	v39 =	vperm.xlane v45, v10;
	s0 =	sshra.s32 s0, $0x2;
	v45, v54, _ =	vpop (xrf1);
	(xrf1) =	vsort.ascd.msk.f32 $0xffff, v42, v49  }
0x1ef: {  	v44 =	vperm.xlane v44, v10;
	v57 =	vsub.f32 v40, v7;
	v42 =	vld [tilespmem:s0+$0x7900];
	v27 =	vadd.f32 v27, v51;
	v51, v49, _ =	vpop (xrf1)  }
0x1f0: {  	v34 =	vmul.f32 v34, v34;
	vm2 =	vle.f32 v52, v39;
	(xrf1) =	vsort.ascd.msk.f32 $0xffff, v48, v55;
	v55, v48, _ =	vpop (xrf1)  }
0x1f1: {  	v38 =	vsub.f32 v38, v6;
	v56 =	vmul.f32 v57, v57;
	vm1 =	vle.f32 v55, v47  }
0x1f2: {  	s1 =	smov.u32 s24;
	s3 =	smov.u32 s24;
	v27 =	vadd.f32 v32, v27;
	v32 =	vperm.xlane v45, v10;
	v45 =	vsel vm1, v48, v46;
	v46, v48, _ =	vpop (xrf1)  }
0x1f3: {  	s4 =	smov.u32 s23;
	p4 =	slt.s32 s26, s24;
	s0 =	sadd.s32 $0x1, s26;
	v39 =	vsel vm2, v52, v39;
	v38 =	vmul.f32 v38, v38;
	v34 =	vadd.f32 v56, v34;
	v52, v40, _ =	vpop (xrf1)  }
0x1f4: {  	v31 =	vsub.f32 v31, v5;
	s1 =	smov.u32 @p4 s26;
	v37 =	vmul.f32 v37, v37;
	p4 =	slt.s32 s0, s24;
	p5 =	slt.s32 s0, s23;
	v47 =	vsel vm1, v55, v47  }
0x1f5: {  	s3 =	smov.u32 @p4 s0;
	s4 =	smov.u32 @p5 s0;
	s0 =	sshll.u32 s1, $0x6;
	v38 =	vadd.f32 v38, v34;
	vm1 =	vle.f32 v52, v39;
	(xrf1) =	vsort.ascd.msk.f32 $0xffff, v33, v36;
	v33, v55, _ =	vpop (xrf1);
	v36 =	vmov v42  }
0x1f6: {  	v31 =	vmul.f32 v31, v31;
	s0 =	sshra.s32 s0, $0x2;
	s1 =	sshll.u32 s3, $0x6;
	s3 =	sshll.u32 s4, $0x6;
	v34 =	vsub.f32 v35, v4;
	v35 =	vsel vm1, v39, v52  }
0x1f7: {  	s1 =	sshra.s32 s1, $0x2;
	s3 =	sshra.s32 s3, $0x2;
	(xrf1) =	vsort.ascd.msk.f32 $0xffff, v27, v41;
	v41 =	vld [tilespmem:s0+$0x6880];
	v27 =	vsel vm2, v50, v44;
	v44 =	vperm.xlane v54, v10  }
0x1f8: {  	v31 =	vadd.f32 v31, v37;
	v37 =	vmul.f32 v34, v34;
	vm2 =	vle.f32 v51, v47;
	v42 =	vld.idx.msk [tilespmem:v42+s14+$0x0], $0xffff  }
0x1f9: {  	v50 =	vsel vm1, v27, v40;
	v54 =	vsel vm2, v51, v47;
	v56 =	vsel vm2, v49, v45;
	v34 =	vld [tilespmem:s1+$0x6880];
	v57, v58, _ =	vpop (xrf1)  }
0x1fa: {  	vm3 =	vle.f32 v46, v32;
	v60 =	vadd.f32 v37, v31;
	v59 =	vld.idx.msk [tilespmem:v36+s2+$0x0], $0xffff;
	(xrf1) =	vsort.ascd.msk.f32 $0xffff, v35, v50  }
0x1fb: {  	v33 =	vperm.xlane v33, v10;
	v37 =	vsel vm2, v45, v49;
	v35 =	vsel vm3, v48, v44;
	v31 =	vld.idx.msk [tilespmem:v36+s15+$0x0], $0xffff  }
0x1fc: {  	v32 =	vsel vm3, v46, v32;
	v44 =	vsel vm2, v47, v51;
	(xrf1) =	vsort.ascd.msk.f32 $0xffff, v38, v43;
	v43 =	vld [tilespmem:s3+$0x7900];
	v48, v49, _ =	vpop (xrf1)  }
0x1fd: {  	v27 =	vsel vm1, v40, v27;
	vm2 =	vle.f32 v57, v32;
	(xrf1) =	vsort.ascd.msk.f32 $0xffff, v54, v56  }
0x1fe: {  	v40 =	vsub.f32 v42, v7;
	v42 =	vsel vm2, v32, v57;
	(xrf1) =	vsort.ascd.msk.f32 $0xffff, v44, v37;
	v38, v51, _ =	vpop (xrf1)  }
0x1ff: {  	v46 =	vperm.xlane v22, v10;
	v55 =	vperm.xlane v55, v10;
	v22 =	vsel vm2, v35, v58;
	v50 =	vld.idx.msk [tilespmem:v41+s15+$0x0], $0xffff  }
0x200: {  	v37 =	vsel vm1, v52, v39;
	v54 =	vsub.f32 v59, v8;
	v61 =	vld.idx.msk [tilespmem:v41+s2+$0x0], $0xffff;
	(xrf1) =	vsort.ascd.msk.f32 $0xffff, v42, v22  }
0x201: {  	v39 =	vmul.f32 v40, v40;
	v56 =	vsub.f32 v31, v6;
	v42 =	vld.idx.msk [tilespmem:v41+s14+$0x0], $0xffff;
	(xrf1) =	vsort.ascd.msk.f32 $0xffff, v37, v27  }
.Ltmp12:
0x202: {  	v47 =	vperm.xlane v21, v10;
	v52 =	vsel vm2, v57, v32;
	v27 =	vmul.f32 v54, v54;
	v37 =	vld.idx.msk [tilespmem:v34+s2+$0x0], $0xffff;
	(pc) =	sbr.rel @p3 .LBB2_18-.Ltmp12, $4  }
0x203: {  	vm1 =	vle.f32 v38, v33;
	v31 =	vld.idx.msk [tilespmem:v34+s14+$0x0], $0xffff;
	(xrf1) =	vsort.ascd.msk.f32 $0xffff, v60, v53;
	v45, v44, _ =	vpop (xrf1);
	v53 =	vsel vm2, v58, v35  }
0x204: {  	v54 =	vsel vm1, v38, v33;
	v32 =	vmul.f32 v56, v56;
	v27 =	vadd.f32 v39, v27;
	v39 =	vld.idx.msk [tilespmem:v43+s2+$0x0], $0xffff  }
0x205: {  	v56 =	vsel vm1, v51, v55;
	vm1 =	vle.f32 v48, v54;
	v50 =	vsub.f32 v50, v4;
	v40 =	vld.idx.msk [tilespmem:v43+s14+$0x0], $0xffff;
	v21, v22, _ =	vpop (xrf1)  }
0x206: {  	s26 =	sadd.s32 $0x2, s26;
	v55 =	vsel vm1, v56, v49;
	v51 =	vsub.f32 v61, v9;
	v33 =	vadd.f32 v32, v27;
	v38 =	vld.idx.msk [tilespmem:v43+s15+$0x0], $0xffff  }
0x207: {  	v27 =	vmovc v34;
	v34 =	vmov v36;
	v35 =	vmov v41;
	v32 =	vmov v43  }
.LBB2_20:
0x208: {  	v36 =	vsub.f32 v42, v5;
	v41 =	vmul.f32 v50, v50;
	(xrf1) =	vsort.ascd.msk.f32 @p1 $0xffff, v52, v53  }
0x209: {  	v9 =	vsub.f32 v37, v9;
	v37 =	vsel @p1 vm1, v48, v54;
	v63 =	vmul.f32 v51, v51  }
0x20a: {  	v43 =	vsel @p1 vm1, v54, v48;
	v49 =	vsel @p1 vm1, v49, v56;
	v5 =	vsub.f32 v31, v5  }
0x20b: {  	v48, v50, _ =	vpop @p1 (xrf1);
	v22 =	vperm.xlane @p0 v22, v10;
	v8 =	vsub.f32 v39, v8;
	v39 =	vperm.xlane @p0 v45, v10  }
0x20c: {  	v36 =	vmul.f32 v36, v36;
	v45, v51, _ =	vpop @p0 (xrf1);
	(xrf1) =	vsort.ascd.msk.f32 @p1 $0xffff, v37, v49;
	v7 =	vsub.f32 v40, v7  }
0x20d: {  	v37 =	vperm.xlane @p0 v44, v10;
	v44 =	vpsel p1, v48, v18;
	v9 =	vmul.f32 v9, v9  }
0x20e: {  	v5 =	vmul.f32 v5, v5;
	v40, v42, _ =	vpop @p2 (xrf1);
	v8 =	vmul.f32 v8, v8;
	vm2 =	vle.f32 @p0 v44, v39  }
0x20f: {  	(xrf1) =	vsort.ascd.msk.f32 @p1 $0xffff, v43, v55;
	v6 =	vsub.f32 v38, v6;
	v55 =	vld.idx.msk [tilespmem:v27+s15+$0x0], $0xffff;
	v43, v48, _ =	vpop @p2 (xrf1);
	v7 =	vmul.f32 v7, v7  }
0x210: {  	v45 =	vperm.xlane @p0 v45, v10;
	v36 =	vadd.f32 v36, v63;
	v38 =	vpsel p2, v43, v14  }
0x211: {  	v6 =	vmul.f32 v6, v6;
	vm1 =	vle.f32 @p1 v38, v47;
	v7 =	vadd.f32 v7, v8  }
0x212: {  	v36 =	vadd.f32 v41, v36;
	v41 =	vpsel p2, v48, v12;
	v8 =	vsel @p0 vm2, v44, v39  }
0x213: {  	v41 =	vsel @p1 vm1, v41, v46;
	v46, v48, _ =	vpop @p1 (xrf1);
	v31 =	vsel @p1 vm1, v38, v47;
	v6 =	vadd.f32 v6, v7  }
0x214: {  	v39, v44, _ =	vpop @p1 (xrf1);
	(xrf1) =	vsort.ascd.msk.f32 $0xffff, v33, v34;
	v4 =	vsub.f32 v55, v4;
	v7 =	vpsel p1, v50, v15  }
0x215: {  	v34 =	vperm.xlane @p0 v51, v10;
	v43 =	vpsel p1, v46, v17;
	v38 =	vpsel p1, v39, v20  }
0x216: {  	(xrf1) =	vsort.ascd.msk.f32 $0xffff, v36, v35;
	v7 =	vsel @p0 vm2, v7, v37;
	v35 =	vpsel p2, v40, v13  }
0x217: {  	v36 =	vpsel p1, v44, v19;
	v39 =	vpsel p2, v42, v11;
	vm1 =	vle.f32 @p0 v38, v8  }
0x218: {  	vm3 =	vle.f32 @p0 v43, v45;
	vm2 =	vle.f32 @p1 v35, v31;
	v37 =	vsel @p0 vm1, v7, v36  }
0x219: {  	v33 =	vsel @p0 vm1, v8, v38;
	v40 =	vsel @p1 vm2, v35, v31;
	v42 =	vsel @p1 vm2, v39, v41  }
0x21a: {  	v44, v46, _ =	vpop @p0 (xrf1);
	v31 =	vsel @p1 vm2, v31, v35;
	(xrf1) =	vsort.ascd.msk.f32 @p0 $0xffff, v33, v37;
	v33 =	vpsel p1, v48, v16  }
0x21b: {  	v8 =	vsel @p0 vm1, v38, v8;
	v33 =	vsel @p0 vm3, v33, v34;
	v34 =	vsel @p1 vm2, v41, v39;
	v37, v47, _ =	vpop @p1 (xrf1)  }
0x21c: {  	(xrf1) =	vsort.ascd.msk.f32 $0xffff, v6, v32;
	v6 =	vsel @p0 vm3, v43, v45;
	v32 =	vpsel p1, v37, v17  }
0x21d: {  	(xrf1) =	vsort.ascd.msk.f32 @p1 $0xffff, v40, v42;
	v35 =	vpsel p1, v47, v16;
	vm2 =	vle.f32 @p0 v32, v6  }
0x21e: {  	(xrf1) =	vsort.ascd.msk.f32 @p1 $0xffff, v31, v34;
	v37 =	vsel @p0 vm2, v6, v32;
	v31 =	vsel @p0 vm2, v33, v35  }
0x21f: {  	v21 =	vperm.xlane @p0 v21, v10;
	v7 =	vsel @p0 vm1, v36, v7;
	(xrf1) =	vsort.ascd.msk.f32 @p0 $0xffff, v37, v31  }
0x220: {  	v5 =	vadd.f32 v5, v9;
	v4 =	vmul.f32 v4, v4;
	(xrf1) =	vsort.ascd.msk.f32 @p0 $0xffff, v8, v7  }
0x221: {  	v21 =	vpsel p0, v21, v25  }
0x222: {  	v22 =	vpsel p0, v22, v23;
	v4 =	vadd.f32 v4, v5;
	v5 =	vperm.xlane @p0 v44, v10;
	v7, v8, _ =	vpop @p1 (xrf1)  }
0x223: {  	v34 =	vperm.xlane @p0 v46, v10;
	v6 =	vsel @p0 vm2, v32, v6;
	v33 =	vsel @p0 vm2, v35, v33;
	v9, v31, _ =	vpop @p1 (xrf1)  }
0x224: {  	v6 =	vpsel p0, v6, v24;
	v7 =	vpsel p1, v7, v17;
	v9 =	vpsel p1, v9, v17  }
0x225: {  	v8 =	vpsel p1, v8, v16;
	(xrf1) =	vsort.ascd.msk.f32 $0xffff, v4, v27;
	vm1 =	vle.f32 @p0 v9, v5  }
0x226: {  	v4 =	vpsel p0, v33, v26;
	v57, v56, _ =	vpop (xrf1);
	v5 =	vsel @p0 vm1, v9, v5;
	v9 =	vpsel p1, v31, v16  }
0x227: {  	v62 =	vperm.xlane v56, v10;
	v9 =	vsel @p0 vm1, v9, v34;
	vm1 =	vle.f32 @p0 v7, v5  }
0x228: {  	v58, v59, _ =	vpop (xrf1);
	v5 =	vpsel p0, v5, v28;
	v36 =	vsel @p0 vm1, v9, v8;
	vm0 =	vmmov @p0 vm1  }
0x229: {  	v24, v26, _ =	vpop @p0 (xrf1);
	v9 =	vpsel p0, v9, v29;
	(xrf1) =	vsort.ascd.msk.f32 @p0 $0xffff, v6, v4;
	v4 =	vsel @p0 vm0, v7, v5  }
0x22a: {  	v61, v60, _ =	vpop (xrf1);
	v5 =	vsel @p0 vm0, v5, v7;
	v7 =	vsel @p0 vm0, v8, v9;
	v8 =	vperm.xlane v57, v10  }
0x22b: {  	v27 =	vpsel p0, v36, v30;
	v6, v23, _ =	vpop @p1 (xrf1);
	(xrf1) =	vsort.ascd.msk.f32 @p0 $0xffff, v4, v7;
	v4 =	vpsel p0, v24, v18  }
0x22c: {  	v15 =	vpsel p0, v26, v15;
	v9, v29, _ =	vpop @p1 (xrf1);
	vm8 =	vle.f32 v4, v8;
	(xrf1) =	vsort.ascd.msk.f32 @p0 $0xffff, v5, v27  }
0x22d: {  	v6 =	vpsel p1, v6, v13;
	v7 =	vpsel p1, v9, v14;
	v29 =	vpsel p1, v29, v12;
	v9, v18, _ =	vpop @p0 (xrf1)  }
0x22e: {  	v4 =	vsel vm8, v4, v8;
	v15 =	vsel vm8, v15, v62;
	vm2 =	vle.f32 @p0 v7, v21;
	v30, v31, _ =	vpop @p0 (xrf1)  }
0x22f: {  	v5 =	vsel @p0 vm2, v29, v22;
	v7 =	vsel @p0 vm2, v7, v21;
	v8 =	vpsel p0, v30, v20  }
0x230: {  	v22 =	vpsel p1, v23, v11;
	v19 =	vpsel p0, v31, v19;
	vm9 =	vle.f32 v8, v4  }
0x231: {  	vm1 =	vle.f32 @p0 v6, v7;
	v20 =	vsel vm9, v4, v8;
	v21 =	vsel vm9, v15, v19  }
0x232: {  	v23 =	vsel @p0 vm1, v6, v7;
	v24 =	vsel @p0 vm1, v22, v5;
	(xrf1) =	vsort.ascd.msk.f32 $0xffff, v20, v21  }
0x233: {  	v5 =	vsel @p0 vm1, v5, v22;
	v6 =	vsel @p0 vm1, v7, v6;
	(xrf1) =	vsort.ascd.msk.f32 @p0 $0xffff, v23, v24  }
0x234: {  	(xrf1) =	vsort.ascd.msk.f32 @p0 $0xffff, v6, v5;
	_ =	sdelay $0x2  }
0x235: {  	v5 =	vperm.xlane v61, v10  }
0x236: {  	v9 =	vpsel p0, v9, v17;
	v6, v7, _ =	vpop (xrf1)  }
0x237: {  	v63 =	vperm.xlane v59, v10;
	v20 =	vperm.xlane v60, v10;
	v21, v22, _ =	vpop @p0 (xrf1);
	vm10 =	vle.f32 v9, v5  }
0x238: {  	v18 =	vpsel p0, v18, v16;
	v5 =	vsel vm10, v9, v5;
	v9 =	vpsel p0, v21, v17  }
0x239: {  	v18 =	vsel vm10, v18, v20;
	v20 =	vpsel p0, v22, v16;
	vm11 =	vle.f32 v9, v5  }
0x23a: {  	v15 =	vsel vm9, v19, v15;
	v21, v22, _ =	vpop @p0 (xrf1);
	v19 =	vsel vm11, v5, v9;
	v23 =	vsel vm11, v18, v20  }
0x23b: {  	v4 =	vsel vm9, v8, v4;
	v6 =	vperm.xlane v6, v10;
	v24, v25, _ =	vpop @p0 (xrf1);
	(xrf1) =	vsort.ascd.msk.f32 $0xffff, v19, v23  }
0x23c: {  	v8 =	vsel vm11, v20, v18;
	(xrf1) =	vsort.ascd.msk.f32 $0xffff, v4, v15;
	v4 =	vpsel p0, v24, v17  }
0x23d: {  	v7 =	vperm.xlane v7, v10;
	v5 =	vsel vm11, v9, v5;
	vm12 =	vle.f32 v4, v6  }
0x23e: {  	v9 =	vpsel p0, v21, v17;
	v4 =	vsel vm12, v4, v6;
	v6 =	vpsel p0, v25, v16;
	v18, v15, _ =	vpop (xrf1)  }
0x23f: {  	v6 =	vsel vm12, v6, v7;
	vm13 =	vle.f32 v9, v4;
	v7 =	vpsel p0, v22, v16;
	v16, v17, _ =	vpop @p0 (xrf1)  }
0x240: {  	v19 =	vperm.xlane v58, v10;
	(xrf1) =	vsort.ascd.msk.f32 $0xffff, v5, v8;
	v20 =	vsel vm13, v6, v7;
	v5, v8, _ =	vpop @p0 (xrf1)  }
0x241: {  	v21 =	vsel vm13, v9, v4;
	v6 =	vsel vm13, v7, v6;
	v5 =	vpsel p0, v5, v14  }
0x242: {  	v4 =	vsel vm13, v4, v9;
	(xrf1) =	vsort.ascd.msk.f32 $0xffff, v21, v6;
	vm14 =	vle.f32 v5, v19  }
0x243: {  	v7 =	vpsel p0, v16, v13;
	v6 =	vpsel p0, v8, v12;
	v5 =	vsel vm14, v5, v19  }
0x244: {  	v8 =	vpsel p0, v17, v11;
	v6 =	vsel vm14, v6, v63;
	vm15 =	vle.f32 v7, v5  }
0x245: {  	(xrf1) =	vsort.ascd.msk.f32 $0xffff, v4, v20;
	v4 =	vsel vm15, v7, v5;
	v9 =	vsel vm15, v8, v6  }
0x246: {  	v6 =	vsel vm15, v6, v8;
	v5 =	vsel vm15, v5, v7;
	(xrf1) =	vsort.ascd.msk.f32 $0xffff, v4, v9  }
0x247: {  	(xrf1) =	vsort.ascd.msk.f32 $0xffff, v5, v6;
	_ =	sdelay $0x7  }
0x248: {  	v7, v5, _ =	vpop (xrf1)  }
0x249: {  	v20, v19, _ =	vpop (xrf1)  }
.Ltmp13:
0x24a: {  	v6, v4, _ =	vpop (xrf1);
	(pc) =	sbr.rel .LBB2_21-.Ltmp13, $4  }
0x24b: {  	v17, v16, _ =	vpop (xrf1)  }
0x24c: {  	v9, v8, _ =	vpop (xrf1)  }
0x24d: {  	v13, v11, _ =	vpop (xrf1)  }
0x24e: {  	v14, v12, _ =	vpop (xrf1)  }
.LBB2_11:
.Ltmp14:
0x24f: {  	(pc) =	sbr.rel .LBB2_20-.Ltmp14, $2  }
0x250: {  	_ =	sdelay $0x2  }
0x251: {  	v48 =	vimm.f32 $+Inf;
	v49 =	vimm.s32 $0x0  }
.LBB2_13:
.Ltmp15:
0x252: {  	(pc) =	sbr.rel .LBB2_20-.Ltmp15, $3  }
0x253: {  	_ =	sdelay $0x1  }
0x254: {  	v27 =	vmov v26  }
0x255: {  	v48 =	vimm.f32 $+Inf;
	v49 =	vimm.s32 $0x0;
	v34 =	vmovc v24;
	v35 =	vmovc v25;
	v32 =	vmov v23  }
.LBB2_15:
.Ltmp16:
0x256: {  	(pc) =	sbr.rel .LBB2_20-.Ltmp16, $3  }
0x257: {  	_ =	sdelay $0x1  }
0x258: {  	v52 =	vmovc v24;
	v53 =	vmovc v26;
	vm1 =	vmmov vm0;
	v48 =	vimm.f32 $+Inf;
	v54 =	vmov v28  }
0x259: {  	v49 =	vimm.s32 $0x0;
	v56 =	vmovc v29;
	v55 =	vmovc v30;
	v47 =	vmov v25;
	v46 =	vmov v23  }
.LBB2_17:
.Ltmp17:
0x25a: {  	(pc) =	sbr.rel .LBB2_20-.Ltmp17, $2  }
0x25b: {  	_ =	sdelay $0x2  }
0x25c: {  	v27 =	vmovc v34;
	v34 =	vmov v36;
	v35 =	vmov v41;
	v32 =	vmov v43  }
.LBB2_23:
0x25d: {  	_ =	sfence.sel $0x180000  }
0x25e: {  	[bflag:$0x0] =	sbarrier.arrive $0xFFFF  }
0x25f: {  	_ =	strace $0x90000047  }
0x260: {  	s0 =	stileid.u32;
	[bflag:$0x2] =	sbarrier.arrive $0xFFFF  }
0x261: {  	p0 =	sne.s32 s0, $0x0;
	s0 =	rddreg [dreg:$0x3]  }
0x262: {  	s0 =	sadd.s32 @!p0 $0x100000, s0  }
0x263: {  	[sflag:s0] =	ssyncadd.tile.s32 @!p0 $0x1;
	_ =	shalt  }
.Lfunc_end2:
_tile_overlayer_lowered:
.L_overlay_start_2:
0x264: {  	(tag) =	ssettag $0x2  }
0x265: {  	s0 =	rddreg [dreg:$0x0];
	s2 =	stileid.u32  }
0x266: {  	s1 =	rddreg [dreg:$0x1];
	p0 =	sne.s32 s2, $0x0  }
0x267: {  	s3 =	rddreg [dreg:$0x2];
	[bflag:$0x3] =	sbarrier.arrive $0xFFFF;
	s2 =	simm.s32 @!p0 $0x1C01  }
0x268: {  	[timem:s3], [sflag:s2] =	dma.local @!p0 [hbm:s0], s1  }
0x269: {  	s0 =	simm.s32 @!p0 $0x1  }
0x26a: {  	_ =	swait.ge @!p0 [sflag:s0], s1  }
0x26b: {  	s1 =	ssub.s32 @!p0 $0x0, s1;
	[sflag:s0] =	ssyncset.done @!p0 $0x0  }
0x26c: {  	[sflag:s0] =	ssyncadd.s32 @!p0 s1  }
0x26d: {  	[bflag:$0x3] =	sbarrier.arrive $0xFFFF  }
0x26e: {  	_ =	shalt  }

</sc_bundles>
